<compile_context>
chip_gen: v7x
topology: tpu7x:2x2x1
jax: 0.10.2.dev20260603
libtpu: 0.0.44.dev20260713+nightly
codegen_flags: <defaults>
</compile_context>

<pallas_src>
import jax
import jax.numpy as jnp
from jax import lax
from jax.experimental import pallas as pl
from jax.experimental.pallas import tpu as pltpu
from jax.experimental.pallas import tpu_sc as plsc

N = 10000
E = 320000
D = 128
NC = 2
NS = 16
NW = NC * NS
C = 128
CT = E // C
PH = 40
ACC_ROWS = 10240
ZSPAN = ACC_ROWS // NS
BASE30 = 80 * 30
BASE31 = BASE30 + 56
TAIL = BASE31 + 40
NTAIL = CT - TAIL


def _sc_mesh():
    return plsc.VectorSubcoreMesh(core_axis_name="c", subcore_axis_name="s")


def _worker_range(w):
    base = jnp.where(w < 30, 80 * w, jnp.where(w == 30, BASE30, BASE31))
    cnt = jnp.where(w < 30, 80, jnp.where(w == 30, 56, 40))
    return base, cnt


def _deg_body(e_hbm, out_hbm, colv, ones_v, zero_v, acc):
    c = lax.axis_index("c")
    s = lax.axis_index("s")
    w = c * NS + s
    base, cnt = _worker_range(w)

    def fill_z(i, carry):
        zero_v[pl.ds(i * 16, 16)] = jnp.zeros((16,), jnp.float32)
        return carry

    lax.fori_loop(0, ZSPAN // 16, fill_z, 0)

    def fill_o(i, carry):
        ones_v[pl.ds(i * 16, 16)] = jnp.ones((16,), jnp.float32)
        return carry

    lax.fori_loop(0, C // 16, fill_o, 0)

    pltpu.sync_copy(zero_v, acc.at[pl.ds(s * ZSPAN, ZSPAN)])
    plsc.subcore_barrier()

    def chunk(j, carry):
        pltpu.sync_copy(ones_v, acc.at[colv.at[j]], add=True)
        return carry

    pltpu.sync_copy(e_hbm.at[1, pl.ds(base, PH)], colv)
    lax.fori_loop(0, PH, chunk, 0)
    pltpu.sync_copy(e_hbm.at[1, pl.ds(base + cnt - PH, PH)], colv)
    lax.fori_loop(2 * PH - cnt, PH, chunk, 0)

    @pl.when(w == 31)
    def _():
        pltpu.sync_copy(e_hbm.at[1, pl.ds(TAIL, NTAIL)], colv.at[pl.ds(0, NTAIL)])
        lax.fori_loop(0, NTAIL, chunk, 0)

    plsc.subcore_barrier()

    pltpu.sync_copy(acc.at[pl.ds(s * ZSPAN, ZSPAN)], zero_v)
    pltpu.sync_copy(zero_v, out_hbm.at[c, pl.ds(s * ZSPAN, ZSPAN)])


_deg_call = pl.kernel(
    _deg_body,
    out_type=jax.ShapeDtypeStruct((NC, ACC_ROWS), jnp.float32),
    mesh=_sc_mesh(),
    scratch_types=[
        pltpu.VMEM((PH, C), jnp.int32),
        pltpu.VMEM((C,), jnp.float32),
        pltpu.VMEM((ZSPAN,), jnp.float32),
        pltpu.VMEM_SHARED((ACC_ROWS,), jnp.float32),
    ],
)


def _hop_body(t_hbm, z_hbm, e_hbm, out_hbm, rowv, colv, bufa, bufb, acc, sema, semb):
    c = lax.axis_index("c")
    s = lax.axis_index("s")
    w = c * NS + s
    base, cnt = _worker_range(w)

    pltpu.sync_copy(z_hbm.at[pl.ds(s * ZSPAN, ZSPAN)], acc.at[pl.ds(s * ZSPAN, ZSPAN)])
    plsc.subcore_barrier()

    def run_window(sw, j0):
        pltpu.sync_copy(e_hbm.at[0, pl.ds(sw, PH)], rowv)
        pltpu.sync_copy(e_hbm.at[1, pl.ds(sw, PH)], colv)

        @pl.when(j0 < PH)
        def _():
            pltpu.async_copy(t_hbm.at[rowv.at[j0]], bufa, sema)

        def pipe(i, carry):
            j = 2 * i
            pltpu.async_copy(t_hbm.at[rowv.at[j + 1]], bufb, semb)
            pltpu.make_async_copy(t_hbm.at[pl.ds(0, C)], bufa, sema).wait()
            pltpu.sync_copy(bufa, acc.at[colv.at[j]], add=True)

            @pl.when(j + 2 < PH)
            def _():
                pltpu.async_copy(t_hbm.at[rowv.at[j + 2]], bufa, sema)

            pltpu.make_async_copy(t_hbm.at[pl.ds(0, C)], bufb, semb).wait()
            pltpu.sync_copy(bufb, acc.at[colv.at[j + 1]], add=True)
            return carry

        lax.fori_loop(j0 // 2, PH // 2, pipe, 0)

    run_window(base, jnp.int32(0))
    run_window(base + cnt - PH, 2 * PH - cnt)

    @pl.when(w == 31)
    def _():
        pltpu.sync_copy(e_hbm.at[0, pl.ds(TAIL, NTAIL)], rowv.at[pl.ds(0, NTAIL)])
        pltpu.sync_copy(e_hbm.at[1, pl.ds(TAIL, NTAIL)], colv.at[pl.ds(0, NTAIL)])

        def tchunk(j, carry):
            pltpu.async_copy(t_hbm.at[rowv.at[j]], bufa, sema).wait()
            pltpu.sync_copy(bufa, acc.at[colv.at[j]], add=True)
            return carry

        lax.fori_loop(0, NTAIL, tchunk, 0)

    plsc.subcore_barrier()

    pltpu.sync_copy(
        acc.at[pl.ds(s * ZSPAN, ZSPAN)], out_hbm.at[c, pl.ds(s * ZSPAN, ZSPAN)]
    )


_hop_call = pl.kernel(
    _hop_body,
    out_type=jax.ShapeDtypeStruct((NC, ACC_ROWS, D), jnp.float32),
    mesh=_sc_mesh(),
    scratch_types=[
        pltpu.VMEM((PH, C), jnp.int32),
        pltpu.VMEM((PH, C), jnp.int32),
        pltpu.VMEM((C, D), jnp.float32),
        pltpu.VMEM((C, D), jnp.float32),
        pltpu.VMEM_SHARED((ACC_ROWS, D), jnp.float32),
        pltpu.SemaphoreType.DMA,
        pltpu.SemaphoreType.DMA,
    ],
)


def _prep_body(degcol_ref, x_ref, t0_ref, dinv_ref, rdeg_ref):
    deg = degcol_ref[:, 0:1] + degcol_ref[:, 1:2] + 1.0
    dinv = lax.rsqrt(deg)
    dinv_ref[...] = dinv
    rdeg_ref[...] = 1.0 / deg
    t0_ref[...] = x_ref[...] * dinv


def _combine_body(s_ref, t_ref, sc_ref, o_ref):
    o_ref[...] = (s_ref[0] + s_ref[1] + t_ref[...]) * sc_ref[...]


def _final_body(s_ref, t_ref, dinv_ref, wt_ref, b_ref, o_ref):
    h = (s_ref[0] + s_ref[1] + t_ref[...]) * dinv_ref[...]
    o_ref[...] = (
        jnp.dot(h, wt_ref[...], preferred_element_type=jnp.float32) + b_ref[...]
    )


_RB = 2000
_G = N // _RB


def _tc_prep(degcol, x):
    return pl.pallas_call(
        _prep_body,
        grid=(_G,),
        in_specs=[
            pl.BlockSpec((_RB, 2), lambda i: (i, 0)),
            pl.BlockSpec((_RB, D), lambda i: (i, 0)),
        ],
        out_specs=[
            pl.BlockSpec((_RB, D), lambda i: (i, 0)),
            pl.BlockSpec((_RB, 1), lambda i: (i, 0)),
            pl.BlockSpec((_RB, 1), lambda i: (i, 0)),
        ],
        out_shape=[
            jax.ShapeDtypeStruct((N, D), jnp.float32),
            jax.ShapeDtypeStruct((N, 1), jnp.float32),
            jax.ShapeDtypeStruct((N, 1), jnp.float32),
        ],
    )(degcol, x)


def _tc_combine(s, t, scale):
    return pl.pallas_call(
        _combine_body,
        grid=(_G,),
        in_specs=[
            pl.BlockSpec((NC, _RB, D), lambda i: (0, i, 0)),
            pl.BlockSpec((_RB, D), lambda i: (i, 0)),
            pl.BlockSpec((_RB, 1), lambda i: (i, 0)),
        ],
        out_specs=pl.BlockSpec((_RB, D), lambda i: (i, 0)),
        out_shape=jax.ShapeDtypeStruct((N, D), jnp.float32),
    )(s, t, scale)


def _tc_final(s, t, dinv, wt, b2):
    return pl.pallas_call(
        _final_body,
        grid=(_G,),
        in_specs=[
            pl.BlockSpec((NC, _RB, D), lambda i: (0, i, 0)),
            pl.BlockSpec((_RB, D), lambda i: (i, 0)),
            pl.BlockSpec((_RB, 1), lambda i: (i, 0)),
            pl.BlockSpec((D, D), lambda i: (0, 0)),
            pl.BlockSpec((1, D), lambda i: (0, 0)),
        ],
        out_specs=pl.BlockSpec((_RB, D), lambda i: (i, 0)),
        out_shape=jax.ShapeDtypeStruct((N, D), jnp.float32),
    )(s, t, dinv, wt, b2)


def kernel(x, edge_index, W, b):
    e3 = edge_index.reshape(2, CT, C)

    degp = _deg_call(e3)
    degcol = degp[:, :N].T
    t0, dinv, rdeg = _tc_prep(degcol, x)

    zeros = jnp.zeros((ACC_ROWS, D), jnp.float32)
    s1 = _hop_call(t0, zeros, e3)
    t1 = _tc_combine(s1, t0, rdeg)
    s2 = _hop_call(t1, zeros, e3)
    return _tc_final(s2, t1, dinv, W.T, b.reshape(1, D))

# --- scband reference (transcript-rebuilt; emitter-appended) ---
"""Pipeline reference for scband-sgc-62448824484015 (READ-ONLY COPY).

The authoritative reference and input builder live on the scoring server;
editing this copy changes nothing except your own understanding.
"""

import jax, jax.numpy as jnp
import numpy as np

N = 10000
E = 320000
D_IN = 128
D_OUT = 128
K = 2


def setup_inputs(seed: int = 0) -> dict:
    key = jax.random.key(seed)
    k1, k2, k3, k4 = jax.random.split(key, 4)
    x = jax.random.normal(k1, (N, D_IN), dtype=jnp.float32)
    edge_index = jax.random.randint(k2, (2, E), 0, N, dtype=jnp.int32)
    W = jax.random.normal(k3, (D_OUT, D_IN), dtype=jnp.float32) * 0.05
    b = jax.random.normal(k4, (D_OUT,), dtype=jnp.float32) * 0.05
    return {"x": x, "edge_index": edge_index, "W": W, "b": b}


def reference(x, edge_index, W, b):
    n = x.shape[0]
    loop = jnp.arange(n, dtype=edge_index.dtype)
    row = jnp.concatenate([edge_index[0], loop])  # source nodes
    col = jnp.concatenate([edge_index[1], loop])  # destination nodes
    # GCN symmetric normalization with self-loops
    deg = jnp.zeros((n,), dtype=x.dtype).at[col].add(1.0)
    deg_inv_sqrt = jnp.where(deg > 0, 1.0 / jnp.sqrt(deg), 0.0)
    norm = deg_inv_sqrt[row] * deg_inv_sqrt[col]
    h = x
    for _ in range(K):
        msgs = h[row] * norm[:, None]
        h = jax.ops.segment_sum(msgs, col, num_segments=n)
    # Linear layer (module returns the linear output, not log_softmax)
    out = h @ W.T + b
    return out

if __name__ == "__main__":
    import jax
    _d = setup_inputs()
    print(jax.jit(kernel)(*tuple(_d.values())))

</pallas_src>

<mosaic_0001>
#map = affine_map<(d0, d1) -> (0, 0)>
#map1 = affine_map<(d0, d1) -> (0, 0, 0)>
module attributes {stable_mosaic.version = 14 : i64} {
  func.func @_hop_body(%arg0: i32, %arg1: i32, %arg2: memref<10000x128xf32, #tpu.memory_space<hbm>>, %arg3: memref<10240x128xf32, #tpu.memory_space<hbm>>, %arg4: memref<2x2500x128xi32, #tpu.memory_space<hbm>>, %arg5: memref<2x10240x128xf32, #tpu.memory_space<hbm>>, %arg6: memref<40x128xi32, #tpu.memory_space<vmem>>, %arg7: memref<40x128xi32, #tpu.memory_space<vmem>>, %arg8: memref<128x128xf32, #tpu.memory_space<vmem>>, %arg9: memref<128x128xf32, #tpu.memory_space<vmem>>, %arg10: memref<10240x128xf32, #tpu.memory_space<vmem_shared>>, %arg11: memref<!tpu.dma_semaphore, #tpu.memory_space<semaphore_mem>>, %arg12: memref<!tpu.dma_semaphore, #tpu.memory_space<semaphore_mem>>) attributes {dimension_semantics = [#tpu.dimension_semantics<core_parallel>, #tpu.dimension_semantics<subcore_parallel>], iteration_bounds = array<i64: 2, 16>, scalar_prefetch = 0 : i64, scratch_operands = 7 : i64, tpu.core_type = #tpu.core_type<sc_vector_subcore>, window_params = [{transform_indices = #map}, {transform_indices = #map}, {transform_indices = #map1}, {transform_indices = #map1}]} {
    %mul3A = arith.constant 16 : i32
    %mul3A_0 = arith.muli %arg0, %mul3A : i32
    %add3A = arith.addi %mul3A_0, %arg1 : i32
    %lt3A = arith.constant 30 : i32
    %lt3A_1 = arith.cmpi slt, %add3A, %lt3A : i32
    %mul3A_2 = arith.constant 80 : i32
    %mul3A_3 = arith.muli %mul3A_2, %add3A : i32
    %eq3A = arith.constant 30 : i32
    %eq3A_4 = arith.cmpi eq, %add3A, %eq3A : i32
    %jit3A = arith.constant 2400 : i32
    %jit3A_5 = arith.constant 2456 : i32
    %select_n3A = arith.select %eq3A_4, %jit3A, %jit3A_5 : i32
    %select_n3A_6 = arith.select %lt3A_1, %mul3A_3, %select_n3A : i32
    %lt3A_7 = arith.constant 30 : i32
    %lt3A_8 = arith.cmpi slt, %add3A, %lt3A_7 : i32
    %eq3A_9 = arith.constant 30 : i32
    %eq3A_10 = arith.cmpi eq, %add3A, %eq3A_9 : i32
    %jit3A_11 = arith.constant 56 : i32
    %jit3A_12 = arith.constant 40 : i32
    %select_n3A_13 = arith.select %eq3A_10, %jit3A_11, %jit3A_12 : i32
    %jit3A_14 = arith.constant 80 : i32
    %select_n3A_15 = arith.select %lt3A_8, %jit3A_14, %select_n3A_13 : i32
    %mul3A_16 = arith.constant 640 : i32
    %mul3A_17 = arith.muli %arg1, %mul3A_16 : i32
    %mul3A_18 = arith.constant 640 : i32
    %mul3A_19 = arith.muli %arg1, %mul3A_18 : i32
    "tpu.region"() ({
      %run_scoped3A_110 = tpu.sem_alloc : memref<!tpu.dma_semaphore, #tpu.memory_space<semaphore_mem>>
      %dma_start3A = arith.constant 0 : i32
      %dma_start3A_111 = tpu.memref_slice %arg10[%mul3A_19, %dma_start3A] : memref<10240x128xf32, #tpu.memory_space<vmem_shared>> -> memref<640x128xf32, #tpu.memory_space<vmem_shared>>
      %dma_start3A_112 = arith.constant 0 : i32
      %dma_start3A_113 = tpu.memref_slice %arg3[%mul3A_17, %dma_start3A_112] : memref<10240x128xf32, #tpu.memory_space<hbm>> -> memref<640x128xf32, #tpu.memory_space<hbm>>
      tpu.enqueue_dma source(%dma_start3A_113 : memref<640x128xf32, #tpu.memory_space<hbm>>) target(%dma_start3A_111 : memref<640x128xf32, #tpu.memory_space<vmem_shared>>) target_semaphore(%run_scoped3A_110 : memref<!tpu.dma_semaphore, #tpu.memory_space<semaphore_mem>>)
      %dma_wait3A = arith.constant 0 : i32
      %dma_wait3A_114 = tpu.memref_slice %arg10[%mul3A_19, %dma_wait3A] : memref<10240x128xf32, #tpu.memory_space<vmem_shared>> -> memref<640x128xf32, #tpu.memory_space<vmem_shared>>
      %dma_wait3A_115 = arith.constant 0 : i32
      %dma_wait3A_116 = tpu.memref_slice %arg3[%mul3A_17, %dma_wait3A_115] : memref<10240x128xf32, #tpu.memory_space<hbm>> -> memref<640x128xf32, #tpu.memory_space<hbm>>
      tpu.wait_dma2 semaphore(%run_scoped3A_110 : memref<!tpu.dma_semaphore, #tpu.memory_space<semaphore_mem>>) src(%dma_wait3A_116 : memref<640x128xf32, #tpu.memory_space<hbm>>) dst(%dma_wait3A_114 : memref<640x128xf32, #tpu.memory_space<vmem_shared>>)
      tpu.yield
    }) : () -> ()
    %barrier3A = arith.constant 0 : index
    tpu.barrier barrier_id(%barrier3A)
    %run_scoped3A = arith.constant 0 : i32
    "tpu.region"() ({
      %run_scoped3A_110 = tpu.sem_alloc : memref<!tpu.dma_semaphore, #tpu.memory_space<semaphore_mem>>
      %dma_start3A = arith.constant 0 : i32
      %dma_start3A_111 = tpu.memref_slice %arg4[%run_scoped3A, %select_n3A_6, %dma_start3A] : memref<2x2500x128xi32, #tpu.memory_space<hbm>> -> memref<1x40x128xi32, #tpu.memory_space<hbm>>
      %dma_start3A_112 = tpu.memref_squeeze %dma_start3A_111 : memref<1x40x128xi32, #tpu.memory_space<hbm>> -> memref<40x128xi32, #tpu.memory_space<hbm>>
      %dma_start3A_113 = arith.constant 0 : i32
      %dma_start3A_114 = tpu.memref_slice %arg4[%run_scoped3A, %select_n3A_6, %dma_start3A_113] : memref<2x2500x128xi32, #tpu.memory_space<hbm>> -> memref<1x40x128xi32, #tpu.memory_space<hbm>>
      %dma_start3A_115 = tpu.memref_squeeze %dma_start3A_114 : memref<1x40x128xi32, #tpu.memory_space<hbm>> -> memref<40x128xi32, #tpu.memory_space<hbm>>
      tpu.enqueue_dma source(%dma_start3A_115 : memref<40x128xi32, #tpu.memory_space<hbm>>) target(%arg6 : memref<40x128xi32, #tpu.memory_space<vmem>>) target_semaphore(%run_scoped3A_110 : memref<!tpu.dma_semaphore, #tpu.memory_space<semaphore_mem>>)
      %dma_wait3A = arith.constant 0 : i32
      %dma_wait3A_116 = tpu.memref_slice %arg4[%run_scoped3A, %select_n3A_6, %dma_wait3A] : memref<2x2500x128xi32, #tpu.memory_space<hbm>> -> memref<1x40x128xi32, #tpu.memory_space<hbm>>
      %dma_wait3A_117 = tpu.memref_squeeze %dma_wait3A_116 : memref<1x40x128xi32, #tpu.memory_space<hbm>> -> memref<40x128xi32, #tpu.memory_space<hbm>>
      %dma_wait3A_118 = arith.constant 0 : i32
      %dma_wait3A_119 = tpu.memref_slice %arg4[%run_scoped3A, %select_n3A_6, %dma_wait3A_118] : memref<2x2500x128xi32, #tpu.memory_space<hbm>> -> memref<1x40x128xi32, #tpu.memory_space<hbm>>
      %dma_wait3A_120 = tpu.memref_squeeze %dma_wait3A_119 : memref<1x40x128xi32, #tpu.memory_space<hbm>> -> memref<40x128xi32, #tpu.memory_space<hbm>>
      tpu.wait_dma2 semaphore(%run_scoped3A_110 : memref<!tpu.dma_semaphore, #tpu.memory_space<semaphore_mem>>) src(%dma_wait3A_120 : memref<40x128xi32, #tpu.memory_space<hbm>>) dst(%arg6 : memref<40x128xi32, #tpu.memory_space<vmem>>)
      tpu.yield
    }) : () -> ()
    %run_scoped3A_20 = arith.constant 1 : i32
    "tpu.region"() ({
      %run_scoped3A_110 = tpu.sem_alloc : memref<!tpu.dma_semaphore, #tpu.memory_space<semaphore_mem>>
      %dma_start3A = arith.constant 0 : i32
      %dma_start3A_111 = tpu.memref_slice %arg4[%run_scoped3A_20, %select_n3A_6, %dma_start3A] : memref<2x2500x128xi32, #tpu.memory_space<hbm>> -> memref<1x40x128xi32, #tpu.memory_space<hbm>>
      %dma_start3A_112 = tpu.memref_squeeze %dma_start3A_111 : memref<1x40x128xi32, #tpu.memory_space<hbm>> -> memref<40x128xi32, #tpu.memory_space<hbm>>
      %dma_start3A_113 = arith.constant 0 : i32
      %dma_start3A_114 = tpu.memref_slice %arg4[%run_scoped3A_20, %select_n3A_6, %dma_start3A_113] : memref<2x2500x128xi32, #tpu.memory_space<hbm>> -> memref<1x40x128xi32, #tpu.memory_space<hbm>>
      %dma_start3A_115 = tpu.memref_squeeze %dma_start3A_114 : memref<1x40x128xi32, #tpu.memory_space<hbm>> -> memref<40x128xi32, #tpu.memory_space<hbm>>
      tpu.enqueue_dma source(%dma_start3A_115 : memref<40x128xi32, #tpu.memory_space<hbm>>) target(%arg7 : memref<40x128xi32, #tpu.memory_space<vmem>>) target_semaphore(%run_scoped3A_110 : memref<!tpu.dma_semaphore, #tpu.memory_space<semaphore_mem>>)
      %dma_wait3A = arith.constant 0 : i32
      %dma_wait3A_116 = tpu.memref_slice %arg4[%run_scoped3A_20, %select_n3A_6, %dma_wait3A] : memref<2x2500x128xi32, #tpu.memory_space<hbm>> -> memref<1x40x128xi32, #tpu.memory_space<hbm>>
      %dma_wait3A_117 = tpu.memref_squeeze %dma_wait3A_116 : memref<1x40x128xi32, #tpu.memory_space<hbm>> -> memref<40x128xi32, #tpu.memory_space<hbm>>
      %dma_wait3A_118 = arith.constant 0 : i32
      %dma_wait3A_119 = tpu.memref_slice %arg4[%run_scoped3A_20, %select_n3A_6, %dma_wait3A_118] : memref<2x2500x128xi32, #tpu.memory_space<hbm>> -> memref<1x40x128xi32, #tpu.memory_space<hbm>>
      %dma_wait3A_120 = tpu.memref_squeeze %dma_wait3A_119 : memref<1x40x128xi32, #tpu.memory_space<hbm>> -> memref<40x128xi32, #tpu.memory_space<hbm>>
      tpu.wait_dma2 semaphore(%run_scoped3A_110 : memref<!tpu.dma_semaphore, #tpu.memory_space<semaphore_mem>>) src(%dma_wait3A_120 : memref<40x128xi32, #tpu.memory_space<hbm>>) dst(%arg7 : memref<40x128xi32, #tpu.memory_space<vmem>>)
      tpu.yield
    }) : () -> ()
    %lt3A_21 = arith.constant 0 : i32
    %lt3A_22 = arith.constant 40 : i32
    %lt3A_23 = arith.cmpi slt, %lt3A_21, %lt3A_22 : i32
    %convert_element_type3A = arith.extui %lt3A_23 : i1 to i32
    %cond3A = arith.constant 0 : i32
    %cond3A_24 = arith.constant 0 : i32
    %cond3A_25 = arith.cmpi ne, %convert_element_type3A, %cond3A_24 : i32
    scf.if %cond3A_25 {
      %dma_start3A = arith.constant 0 : i32
      %dma_start3A_110 = tpu.memref_slice %arg6[%cond3A, %dma_start3A] : memref<40x128xi32, #tpu.memory_space<vmem>> -> memref<1x128xi32, #tpu.memory_space<vmem>>
      %dma_start3A_111 = tpu.memref_squeeze %dma_start3A_110 : memref<1x128xi32, #tpu.memory_space<vmem>> -> memref<128xi32, #tpu.memory_space<vmem>>
      %dma_start3A_112 = arith.constant 0 : i32
      %dma_start3A_113 = arith.constant 0 : i32
      %dma_start3A_114 = tpu.memref_slice %arg2[%dma_start3A_112, %dma_start3A_113] : memref<10000x128xf32, #tpu.memory_space<hbm>> -> memref<10000x128xf32, #tpu.memory_space<hbm>>
      tpu.enqueue_indirect_dma source(%dma_start3A_114 : memref<10000x128xf32, #tpu.memory_space<hbm>>) target(%arg8 : memref<128x128xf32, #tpu.memory_space<vmem>>) offsets(%dma_start3A_111 : memref<128xi32, #tpu.memory_space<vmem>>) semaphore(%arg11 : memref<!tpu.dma_semaphore, #tpu.memory_space<semaphore_mem>>)
    } else {
    }
    %jit3A_26 = arith.constant 0 : i32
    %jit3A_27 = arith.constant 2 : i32
    %div3A = arith.divsi %jit3A_26, %jit3A_27 : i32
    %sign3A = arith.constant 0 : i32
    %sign3A_28 = arith.cmpi sgt, %jit3A_26, %sign3A : i32
    %sign3A_29 = arith.extui %sign3A_28 : i1 to i32
    %sign3A_30 = arith.constant 0 : i32
    %sign3A_31 = arith.cmpi slt, %jit3A_26, %sign3A_30 : i32
    %sign3A_32 = arith.extui %sign3A_31 : i1 to i32
    %sign3A_33 = arith.subi %sign3A_29, %sign3A_32 : i32
    %sign3A_34 = arith.constant 0 : i32
    %sign3A_35 = arith.cmpi sgt, %jit3A_27, %sign3A_34 : i32
    %sign3A_36 = arith.extui %sign3A_35 : i1 to i32
    %sign3A_37 = arith.constant 0 : i32
    %sign3A_38 = arith.cmpi slt, %jit3A_27, %sign3A_37 : i32
    %sign3A_39 = arith.extui %sign3A_38 : i1 to i32
    %sign3A_40 = arith.subi %sign3A_36, %sign3A_39 : i32
    %ne3A = arith.cmpi ne, %sign3A_33, %sign3A_40 : i32
    %rem3A = arith.remsi %jit3A_26, %jit3A_27 : i32
    %ne3A_41 = arith.constant 0 : i32
    %ne3A_42 = arith.cmpi ne, %rem3A, %ne3A_41 : i32
    %and3A = arith.andi %ne3A, %ne3A_42 : i1
    %sub3A = arith.constant 1 : i32
    %sub3A_43 = arith.subi %div3A, %sub3A : i32
    %select_n3A_44 = arith.select %and3A, %sub3A_43, %div3A : i32
    %while3A = arith.constant 0 : i32
    %while3A_45 = arith.constant 20 : i32
    %while3A_46 = arith.subi %while3A_45, %select_n3A_44 : i32
    %while3A_47 = arith.addi %select_n3A_44, %while3A_46 : i32
    %while3A_48 = arith.constant 1 : i32
    %while3A_49 = arith.divsi %while3A_46, %while3A_48 : i32
    %while3A_50 = arith.muli %while3A_49, %while3A_48 : i32
    %while3A_51 = arith.addi %select_n3A_44, %while3A_50 : i32
    %while3A_52 = arith.constant 1 : i32
    scf.for %while3A_110 = %select_n3A_44 to %while3A_51 step %while3A_52  : i32 {
      %mul3A_111 = arith.constant 2 : i32
      %mul3A_112 = arith.muli %mul3A_111, %while3A_110 : i32
      %add3A_113 = arith.constant 1 : i32
      %add3A_114 = arith.addi %mul3A_112, %add3A_113 : i32
      %dma_start3A = arith.constant 0 : i32
      %dma_start3A_115 = tpu.memref_slice %arg6[%add3A_114, %dma_start3A] : memref<40x128xi32, #tpu.memory_space<vmem>> -> memref<1x128xi32, #tpu.memory_space<vmem>>
      %dma_start3A_116 = tpu.memref_squeeze %dma_start3A_115 : memref<1x128xi32, #tpu.memory_space<vmem>> -> memref<128xi32, #tpu.memory_space<vmem>>
      %dma_start3A_117 = arith.constant 0 : i32
      %dma_start3A_118 = arith.constant 0 : i32
      %dma_start3A_119 = tpu.memref_slice %arg2[%dma_start3A_117, %dma_start3A_118] : memref<10000x128xf32, #tpu.memory_space<hbm>> -> memref<10000x128xf32, #tpu.memory_space<hbm>>
      tpu.enqueue_indirect_dma source(%dma_start3A_119 : memref<10000x128xf32, #tpu.memory_space<hbm>>) target(%arg9 : memref<128x128xf32, #tpu.memory_space<vmem>>) offsets(%dma_start3A_116 : memref<128xi32, #tpu.memory_space<vmem>>) semaphore(%arg12 : memref<!tpu.dma_semaphore, #tpu.memory_space<semaphore_mem>>)
      %dma_wait3A = arith.constant 0 : i32
      %dma_wait3A_120 = arith.constant 0 : i32
      %dma_wait3A_121 = tpu.memref_slice %arg2[%dma_wait3A, %dma_wait3A_120] : memref<10000x128xf32, #tpu.memory_space<hbm>> -> memref<128x128xf32, #tpu.memory_space<hbm>>
      %dma_wait3A_122 = arith.constant 0 : i32
      %dma_wait3A_123 = arith.constant 0 : i32
      %dma_wait3A_124 = tpu.memref_slice %arg2[%dma_wait3A_122, %dma_wait3A_123] : memref<10000x128xf32, #tpu.memory_space<hbm>> -> memref<128x128xf32, #tpu.memory_space<hbm>>
      tpu.wait_dma2 semaphore(%arg11 : memref<!tpu.dma_semaphore, #tpu.memory_space<semaphore_mem>>) src(%dma_wait3A_124 : memref<128x128xf32, #tpu.memory_space<hbm>>) dst(%arg8 : memref<128x128xf32, #tpu.memory_space<vmem>>)
      "tpu.region"() ({
        %run_scoped3A_140 = tpu.sem_alloc : memref<!tpu.dma_semaphore, #tpu.memory_space<semaphore_mem>>
        %dma_start3A_141 = arith.constant 0 : i32
        %dma_start3A_142 = tpu.memref_slice %arg7[%mul3A_112, %dma_start3A_141] : memref<40x128xi32, #tpu.memory_space<vmem>> -> memref<1x128xi32, #tpu.memory_space<vmem>>
        %dma_start3A_143 = tpu.memref_squeeze %dma_start3A_142 : memref<1x128xi32, #tpu.memory_space<vmem>> -> memref<128xi32, #tpu.memory_space<vmem>>
        %dma_start3A_144 = arith.constant 0 : i32
        %dma_start3A_145 = arith.constant 0 : i32
        %dma_start3A_146 = tpu.memref_slice %arg10[%dma_start3A_144, %dma_start3A_145] : memref<10240x128xf32, #tpu.memory_space<vmem_shared>> -> memref<10240x128xf32, #tpu.memory_space<vmem_shared>>
        tpu.enqueue_indirect_dma source(%arg8 : memref<128x128xf32, #tpu.memory_space<vmem>>) target(%dma_start3A_146 : memref<10240x128xf32, #tpu.memory_space<vmem_shared>>) offsets(%dma_start3A_143 : memref<128xi32, #tpu.memory_space<vmem>>) semaphore(%run_scoped3A_140 : memref<!tpu.dma_semaphore, #tpu.memory_space<semaphore_mem>>) {add = true}
        %dma_wait3A_147 = arith.constant 0 : i32
        %dma_wait3A_148 = tpu.memref_slice %arg7[%mul3A_112, %dma_wait3A_147] : memref<40x128xi32, #tpu.memory_space<vmem>> -> memref<1x128xi32, #tpu.memory_space<vmem>>
        %dma_wait3A_149 = tpu.memref_squeeze %dma_wait3A_148 : memref<1x128xi32, #tpu.memory_space<vmem>> -> memref<128xi32, #tpu.memory_space<vmem>>
        %dma_wait3A_150 = arith.constant 0 : i32
        %dma_wait3A_151 = arith.constant 0 : i32
        %dma_wait3A_152 = tpu.memref_slice %arg10[%dma_wait3A_150, %dma_wait3A_151] : memref<10240x128xf32, #tpu.memory_space<vmem_shared>> -> memref<10240x128xf32, #tpu.memory_space<vmem_shared>>
        tpu.wait_indirect_dma semaphore(%run_scoped3A_140 : memref<!tpu.dma_semaphore, #tpu.memory_space<semaphore_mem>>) src(%arg8 : memref<128x128xf32, #tpu.memory_space<vmem>>) dst(%dma_wait3A_152 : memref<10240x128xf32, #tpu.memory_space<vmem_shared>>)
        tpu.yield
      }) : () -> ()
      %add3A_125 = arith.constant 2 : i32
      %add3A_126 = arith.addi %mul3A_112, %add3A_125 : i32
      %lt3A_127 = arith.constant 40 : i32
      %lt3A_128 = arith.cmpi slt, %add3A_126, %lt3A_127 : i32
      %convert_element_type3A_129 = arith.extui %lt3A_128 : i1 to i32
      %cond3A_130 = arith.constant 0 : i32
      %cond3A_131 = arith.cmpi ne, %convert_element_type3A_129, %cond3A_130 : i32
      scf.if %cond3A_131 {
        %add3A_140 = arith.constant 2 : i32
        %add3A_141 = arith.addi %mul3A_112, %add3A_140 : i32
        %dma_start3A_142 = arith.constant 0 : i32
        %dma_start3A_143 = tpu.memref_slice %arg6[%add3A_141, %dma_start3A_142] : memref<40x128xi32, #tpu.memory_space<vmem>> -> memref<1x128xi32, #tpu.memory_space<vmem>>
        %dma_start3A_144 = tpu.memref_squeeze %dma_start3A_143 : memref<1x128xi32, #tpu.memory_space<vmem>> -> memref<128xi32, #tpu.memory_space<vmem>>
        %dma_start3A_145 = arith.constant 0 : i32
        %dma_start3A_146 = arith.constant 0 : i32
        %dma_start3A_147 = tpu.memref_slice %arg2[%dma_start3A_145, %dma_start3A_146] : memref<10000x128xf32, #tpu.memory_space<hbm>> -> memref<10000x128xf32, #tpu.memory_space<hbm>>
        tpu.enqueue_indirect_dma source(%dma_start3A_147 : memref<10000x128xf32, #tpu.memory_space<hbm>>) target(%arg8 : memref<128x128xf32, #tpu.memory_space<vmem>>) offsets(%dma_start3A_144 : memref<128xi32, #tpu.memory_space<vmem>>) semaphore(%arg11 : memref<!tpu.dma_semaphore, #tpu.memory_space<semaphore_mem>>)
      } else {
      }
      %dma_wait3A_132 = arith.constant 0 : i32
      %dma_wait3A_133 = arith.constant 0 : i32
      %dma_wait3A_134 = tpu.memref_slice %arg2[%dma_wait3A_132, %dma_wait3A_133] : memref<10000x128xf32, #tpu.memory_space<hbm>> -> memref<128x128xf32, #tpu.memory_space<hbm>>
      %dma_wait3A_135 = arith.constant 0 : i32
      %dma_wait3A_136 = arith.constant 0 : i32
      %dma_wait3A_137 = tpu.memref_slice %arg2[%dma_wait3A_135, %dma_wait3A_136] : memref<10000x128xf32, #tpu.memory_space<hbm>> -> memref<128x128xf32, #tpu.memory_space<hbm>>
      tpu.wait_dma2 semaphore(%arg12 : memref<!tpu.dma_semaphore, #tpu.memory_space<semaphore_mem>>) src(%dma_wait3A_137 : memref<128x128xf32, #tpu.memory_space<hbm>>) dst(%arg9 : memref<128x128xf32, #tpu.memory_space<vmem>>)
      %add3A_138 = arith.constant 1 : i32
      %add3A_139 = arith.addi %mul3A_112, %add3A_138 : i32
      "tpu.region"() ({
        %run_scoped3A_140 = tpu.sem_alloc : memref<!tpu.dma_semaphore, #tpu.memory_space<semaphore_mem>>
        %dma_start3A_141 = arith.constant 0 : i32
        %dma_start3A_142 = tpu.memref_slice %arg7[%add3A_139, %dma_start3A_141] : memref<40x128xi32, #tpu.memory_space<vmem>> -> memref<1x128xi32, #tpu.memory_space<vmem>>
        %dma_start3A_143 = tpu.memref_squeeze %dma_start3A_142 : memref<1x128xi32, #tpu.memory_space<vmem>> -> memref<128xi32, #tpu.memory_space<vmem>>
        %dma_start3A_144 = arith.constant 0 : i32
        %dma_start3A_145 = arith.constant 0 : i32
        %dma_start3A_146 = tpu.memref_slice %arg10[%dma_start3A_144, %dma_start3A_145] : memref<10240x128xf32, #tpu.memory_space<vmem_shared>> -> memref<10240x128xf32, #tpu.memory_space<vmem_shared>>
        tpu.enqueue_indirect_dma source(%arg9 : memref<128x128xf32, #tpu.memory_space<vmem>>) target(%dma_start3A_146 : memref<10240x128xf32, #tpu.memory_space<vmem_shared>>) offsets(%dma_start3A_143 : memref<128xi32, #tpu.memory_space<vmem>>) semaphore(%run_scoped3A_140 : memref<!tpu.dma_semaphore, #tpu.memory_space<semaphore_mem>>) {add = true}
        %dma_wait3A_147 = arith.constant 0 : i32
        %dma_wait3A_148 = tpu.memref_slice %arg7[%add3A_139, %dma_wait3A_147] : memref<40x128xi32, #tpu.memory_space<vmem>> -> memref<1x128xi32, #tpu.memory_space<vmem>>
        %dma_wait3A_149 = tpu.memref_squeeze %dma_wait3A_148 : memref<1x128xi32, #tpu.memory_space<vmem>> -> memref<128xi32, #tpu.memory_space<vmem>>
        %dma_wait3A_150 = arith.constant 0 : i32
        %dma_wait3A_151 = arith.constant 0 : i32
        %dma_wait3A_152 = tpu.memref_slice %arg10[%dma_wait3A_150, %dma_wait3A_151] : memref<10240x128xf32, #tpu.memory_space<vmem_shared>> -> memref<10240x128xf32, #tpu.memory_space<vmem_shared>>
        tpu.wait_indirect_dma semaphore(%run_scoped3A_140 : memref<!tpu.dma_semaphore, #tpu.memory_space<semaphore_mem>>) src(%arg9 : memref<128x128xf32, #tpu.memory_space<vmem>>) dst(%dma_wait3A_152 : memref<10240x128xf32, #tpu.memory_space<vmem_shared>>)
        tpu.yield
      }) : () -> ()
    }
    %while3A_53 = arith.constant 1 : i32
    scf.for %while3A_110 = %while3A_51 to %while3A_47 step %while3A_53  : i32 {
      %mul3A_111 = arith.constant 2 : i32
      %mul3A_112 = arith.muli %mul3A_111, %while3A_110 : i32
      %add3A_113 = arith.constant 1 : i32
      %add3A_114 = arith.addi %mul3A_112, %add3A_113 : i32
      %dma_start3A = arith.constant 0 : i32
      %dma_start3A_115 = tpu.memref_slice %arg6[%add3A_114, %dma_start3A] : memref<40x128xi32, #tpu.memory_space<vmem>> -> memref<1x128xi32, #tpu.memory_space<vmem>>
      %dma_start3A_116 = tpu.memref_squeeze %dma_start3A_115 : memref<1x128xi32, #tpu.memory_space<vmem>> -> memref<128xi32, #tpu.memory_space<vmem>>
      %dma_start3A_117 = arith.constant 0 : i32
      %dma_start3A_118 = arith.constant 0 : i32
      %dma_start3A_119 = tpu.memref_slice %arg2[%dma_start3A_117, %dma_start3A_118] : memref<10000x128xf32, #tpu.memory_space<hbm>> -> memref<10000x128xf32, #tpu.memory_space<hbm>>
      tpu.enqueue_indirect_dma source(%dma_start3A_119 : memref<10000x128xf32, #tpu.memory_space<hbm>>) target(%arg9 : memref<128x128xf32, #tpu.memory_space<vmem>>) offsets(%dma_start3A_116 : memref<128xi32, #tpu.memory_space<vmem>>) semaphore(%arg12 : memref<!tpu.dma_semaphore, #tpu.memory_space<semaphore_mem>>)
      %dma_wait3A = arith.constant 0 : i32
      %dma_wait3A_120 = arith.constant 0 : i32
      %dma_wait3A_121 = tpu.memref_slice %arg2[%dma_wait3A, %dma_wait3A_120] : memref<10000x128xf32, #tpu.memory_space<hbm>> -> memref<128x128xf32, #tpu.memory_space<hbm>>
      %dma_wait3A_122 = arith.constant 0 : i32
      %dma_wait3A_123 = arith.constant 0 : i32
      %dma_wait3A_124 = tpu.memref_slice %arg2[%dma_wait3A_122, %dma_wait3A_123] : memref<10000x128xf32, #tpu.memory_space<hbm>> -> memref<128x128xf32, #tpu.memory_space<hbm>>
      tpu.wait_dma2 semaphore(%arg11 : memref<!tpu.dma_semaphore, #tpu.memory_space<semaphore_mem>>) src(%dma_wait3A_124 : memref<128x128xf32, #tpu.memory_space<hbm>>) dst(%arg8 : memref<128x128xf32, #tpu.memory_space<vmem>>)
      "tpu.region"() ({
        %run_scoped3A_140 = tpu.sem_alloc : memref<!tpu.dma_semaphore, #tpu.memory_space<semaphore_mem>>
        %dma_start3A_141 = arith.constant 0 : i32
        %dma_start3A_142 = tpu.memref_slice %arg7[%mul3A_112, %dma_start3A_141] : memref<40x128xi32, #tpu.memory_space<vmem>> -> memref<1x128xi32, #tpu.memory_space<vmem>>
        %dma_start3A_143 = tpu.memref_squeeze %dma_start3A_142 : memref<1x128xi32, #tpu.memory_space<vmem>> -> memref<128xi32, #tpu.memory_space<vmem>>
        %dma_start3A_144 = arith.constant 0 : i32
        %dma_start3A_145 = arith.constant 0 : i32
        %dma_start3A_146 = tpu.memref_slice %arg10[%dma_start3A_144, %dma_start3A_145] : memref<10240x128xf32, #tpu.memory_space<vmem_shared>> -> memref<10240x128xf32, #tpu.memory_space<vmem_shared>>
        tpu.enqueue_indirect_dma source(%arg8 : memref<128x128xf32, #tpu.memory_space<vmem>>) target(%dma_start3A_146 : memref<10240x128xf32, #tpu.memory_space<vmem_shared>>) offsets(%dma_start3A_143 : memref<128xi32, #tpu.memory_space<vmem>>) semaphore(%run_scoped3A_140 : memref<!tpu.dma_semaphore, #tpu.memory_space<semaphore_mem>>) {add = true}
        %dma_wait3A_147 = arith.constant 0 : i32
        %dma_wait3A_148 = tpu.memref_slice %arg7[%mul3A_112, %dma_wait3A_147] : memref<40x128xi32, #tpu.memory_space<vmem>> -> memref<1x128xi32, #tpu.memory_space<vmem>>
        %dma_wait3A_149 = tpu.memref_squeeze %dma_wait3A_148 : memref<1x128xi32, #tpu.memory_space<vmem>> -> memref<128xi32, #tpu.memory_space<vmem>>
        %dma_wait3A_150 = arith.constant 0 : i32
        %dma_wait3A_151 = arith.constant 0 : i32
        %dma_wait3A_152 = tpu.memref_slice %arg10[%dma_wait3A_150, %dma_wait3A_151] : memref<10240x128xf32, #tpu.memory_space<vmem_shared>> -> memref<10240x128xf32, #tpu.memory_space<vmem_shared>>
        tpu.wait_indirect_dma semaphore(%run_scoped3A_140 : memref<!tpu.dma_semaphore, #tpu.memory_space<semaphore_mem>>) src(%arg8 : memref<128x128xf32, #tpu.memory_space<vmem>>) dst(%dma_wait3A_152 : memref<10240x128xf32, #tpu.memory_space<vmem_shared>>)
        tpu.yield
      }) : () -> ()
      %add3A_125 = arith.constant 2 : i32
      %add3A_126 = arith.addi %mul3A_112, %add3A_125 : i32
      %lt3A_127 = arith.constant 40 : i32
      %lt3A_128 = arith.cmpi slt, %add3A_126, %lt3A_127 : i32
      %convert_element_type3A_129 = arith.extui %lt3A_128 : i1 to i32
      %cond3A_130 = arith.constant 0 : i32
      %cond3A_131 = arith.cmpi ne, %convert_element_type3A_129, %cond3A_130 : i32
      scf.if %cond3A_131 {
        %add3A_140 = arith.constant 2 : i32
        %add3A_141 = arith.addi %mul3A_112, %add3A_140 : i32
        %dma_start3A_142 = arith.constant 0 : i32
        %dma_start3A_143 = tpu.memref_slice %arg6[%add3A_141, %dma_start3A_142] : memref<40x128xi32, #tpu.memory_space<vmem>> -> memref<1x128xi32, #tpu.memory_space<vmem>>
        %dma_start3A_144 = tpu.memref_squeeze %dma_start3A_143 : memref<1x128xi32, #tpu.memory_space<vmem>> -> memref<128xi32, #tpu.memory_space<vmem>>
        %dma_start3A_145 = arith.constant 0 : i32
        %dma_start3A_146 = arith.constant 0 : i32
        %dma_start3A_147 = tpu.memref_slice %arg2[%dma_start3A_145, %dma_start3A_146] : memref<10000x128xf32, #tpu.memory_space<hbm>> -> memref<10000x128xf32, #tpu.memory_space<hbm>>
        tpu.enqueue_indirect_dma source(%dma_start3A_147 : memref<10000x128xf32, #tpu.memory_space<hbm>>) target(%arg8 : memref<128x128xf32, #tpu.memory_space<vmem>>) offsets(%dma_start3A_144 : memref<128xi32, #tpu.memory_space<vmem>>) semaphore(%arg11 : memref<!tpu.dma_semaphore, #tpu.memory_space<semaphore_mem>>)
      } else {
      }
      %dma_wait3A_132 = arith.constant 0 : i32
      %dma_wait3A_133 = arith.constant 0 : i32
      %dma_wait3A_134 = tpu.memref_slice %arg2[%dma_wait3A_132, %dma_wait3A_133] : memref<10000x128xf32, #tpu.memory_space<hbm>> -> memref<128x128xf32, #tpu.memory_space<hbm>>
      %dma_wait3A_135 = arith.constant 0 : i32
      %dma_wait3A_136 = arith.constant 0 : i32
      %dma_wait3A_137 = tpu.memref_slice %arg2[%dma_wait3A_135, %dma_wait3A_136] : memref<10000x128xf32, #tpu.memory_space<hbm>> -> memref<128x128xf32, #tpu.memory_space<hbm>>
      tpu.wait_dma2 semaphore(%arg12 : memref<!tpu.dma_semaphore, #tpu.memory_space<semaphore_mem>>) src(%dma_wait3A_137 : memref<128x128xf32, #tpu.memory_space<hbm>>) dst(%arg9 : memref<128x128xf32, #tpu.memory_space<vmem>>)
      %add3A_138 = arith.constant 1 : i32
      %add3A_139 = arith.addi %mul3A_112, %add3A_138 : i32
      "tpu.region"() ({
        %run_scoped3A_140 = tpu.sem_alloc : memref<!tpu.dma_semaphore, #tpu.memory_space<semaphore_mem>>
        %dma_start3A_141 = arith.constant 0 : i32
        %dma_start3A_142 = tpu.memref_slice %arg7[%add3A_139, %dma_start3A_141] : memref<40x128xi32, #tpu.memory_space<vmem>> -> memref<1x128xi32, #tpu.memory_space<vmem>>
        %dma_start3A_143 = tpu.memref_squeeze %dma_start3A_142 : memref<1x128xi32, #tpu.memory_space<vmem>> -> memref<128xi32, #tpu.memory_space<vmem>>
        %dma_start3A_144 = arith.constant 0 : i32
        %dma_start3A_145 = arith.constant 0 : i32
        %dma_start3A_146 = tpu.memref_slice %arg10[%dma_start3A_144, %dma_start3A_145] : memref<10240x128xf32, #tpu.memory_space<vmem_shared>> -> memref<10240x128xf32, #tpu.memory_space<vmem_shared>>
        tpu.enqueue_indirect_dma source(%arg9 : memref<128x128xf32, #tpu.memory_space<vmem>>) target(%dma_start3A_146 : memref<10240x128xf32, #tpu.memory_space<vmem_shared>>) offsets(%dma_start3A_143 : memref<128xi32, #tpu.memory_space<vmem>>) semaphore(%run_scoped3A_140 : memref<!tpu.dma_semaphore, #tpu.memory_space<semaphore_mem>>) {add = true}
        %dma_wait3A_147 = arith.constant 0 : i32
        %dma_wait3A_148 = tpu.memref_slice %arg7[%add3A_139, %dma_wait3A_147] : memref<40x128xi32, #tpu.memory_space<vmem>> -> memref<1x128xi32, #tpu.memory_space<vmem>>
        %dma_wait3A_149 = tpu.memref_squeeze %dma_wait3A_148 : memref<1x128xi32, #tpu.memory_space<vmem>> -> memref<128xi32, #tpu.memory_space<vmem>>
        %dma_wait3A_150 = arith.constant 0 : i32
        %dma_wait3A_151 = arith.constant 0 : i32
        %dma_wait3A_152 = tpu.memref_slice %arg10[%dma_wait3A_150, %dma_wait3A_151] : memref<10240x128xf32, #tpu.memory_space<vmem_shared>> -> memref<10240x128xf32, #tpu.memory_space<vmem_shared>>
        tpu.wait_indirect_dma semaphore(%run_scoped3A_140 : memref<!tpu.dma_semaphore, #tpu.memory_space<semaphore_mem>>) src(%arg9 : memref<128x128xf32, #tpu.memory_space<vmem>>) dst(%dma_wait3A_152 : memref<10240x128xf32, #tpu.memory_space<vmem_shared>>)
        tpu.yield
      }) : () -> ()
    }
    %add3A_54 = arith.addi %select_n3A_6, %select_n3A_15 : i32
    %sub3A_55 = arith.constant 40 : i32
    %sub3A_56 = arith.subi %add3A_54, %sub3A_55 : i32
    %sub3A_57 = arith.constant 80 : i32
    %sub3A_58 = arith.subi %sub3A_57, %select_n3A_15 : i32
    %run_scoped3A_59 = arith.constant 0 : i32
    "tpu.region"() ({
      %run_scoped3A_110 = tpu.sem_alloc : memref<!tpu.dma_semaphore, #tpu.memory_space<semaphore_mem>>
      %dma_start3A = arith.constant 0 : i32
      %dma_start3A_111 = tpu.memref_slice %arg4[%run_scoped3A_59, %sub3A_56, %dma_start3A] : memref<2x2500x128xi32, #tpu.memory_space<hbm>> -> memref<1x40x128xi32, #tpu.memory_space<hbm>>
      %dma_start3A_112 = tpu.memref_squeeze %dma_start3A_111 : memref<1x40x128xi32, #tpu.memory_space<hbm>> -> memref<40x128xi32, #tpu.memory_space<hbm>>
      %dma_start3A_113 = arith.constant 0 : i32
      %dma_start3A_114 = tpu.memref_slice %arg4[%run_scoped3A_59, %sub3A_56, %dma_start3A_113] : memref<2x2500x128xi32, #tpu.memory_space<hbm>> -> memref<1x40x128xi32, #tpu.memory_space<hbm>>
      %dma_start3A_115 = tpu.memref_squeeze %dma_start3A_114 : memref<1x40x128xi32, #tpu.memory_space<hbm>> -> memref<40x128xi32, #tpu.memory_space<hbm>>
      tpu.enqueue_dma source(%dma_start3A_115 : memref<40x128xi32, #tpu.memory_space<hbm>>) target(%arg6 : memref<40x128xi32, #tpu.memory_space<vmem>>) target_semaphore(%run_scoped3A_110 : memref<!tpu.dma_semaphore, #tpu.memory_space<semaphore_mem>>)
      %dma_wait3A = arith.constant 0 : i32
      %dma_wait3A_116 = tpu.memref_slice %arg4[%run_scoped3A_59, %sub3A_56, %dma_wait3A] : memref<2x2500x128xi32, #tpu.memory_space<hbm>> -> memref<1x40x128xi32, #tpu.memory_space<hbm>>
      %dma_wait3A_117 = tpu.memref_squeeze %dma_wait3A_116 : memref<1x40x128xi32, #tpu.memory_space<hbm>> -> memref<40x128xi32, #tpu.memory_space<hbm>>
      %dma_wait3A_118 = arith.constant 0 : i32
      %dma_wait3A_119 = tpu.memref_slice %arg4[%run_scoped3A_59, %sub3A_56, %dma_wait3A_118] : memref<2x2500x128xi32, #tpu.memory_space<hbm>> -> memref<1x40x128xi32, #tpu.memory_space<hbm>>
      %dma_wait3A_120 = tpu.memref_squeeze %dma_wait3A_119 : memref<1x40x128xi32, #tpu.memory_space<hbm>> -> memref<40x128xi32, #tpu.memory_space<hbm>>
      tpu.wait_dma2 semaphore(%run_scoped3A_110 : memref<!tpu.dma_semaphore, #tpu.memory_space<semaphore_mem>>) src(%dma_wait3A_120 : memref<40x128xi32, #tpu.memory_space<hbm>>) dst(%arg6 : memref<40x128xi32, #tpu.memory_space<vmem>>)
      tpu.yield
    }) : () -> ()
    %run_scoped3A_60 = arith.constant 1 : i32
    "tpu.region"() ({
      %run_scoped3A_110 = tpu.sem_alloc : memref<!tpu.dma_semaphore, #tpu.memory_space<semaphore_mem>>
      %dma_start3A = arith.constant 0 : i32
      %dma_start3A_111 = tpu.memref_slice %arg4[%run_scoped3A_60, %sub3A_56, %dma_start3A] : memref<2x2500x128xi32, #tpu.memory_space<hbm>> -> memref<1x40x128xi32, #tpu.memory_space<hbm>>
      %dma_start3A_112 = tpu.memref_squeeze %dma_start3A_111 : memref<1x40x128xi32, #tpu.memory_space<hbm>> -> memref<40x128xi32, #tpu.memory_space<hbm>>
      %dma_start3A_113 = arith.constant 0 : i32
      %dma_start3A_114 = tpu.memref_slice %arg4[%run_scoped3A_60, %sub3A_56, %dma_start3A_113] : memref<2x2500x128xi32, #tpu.memory_space<hbm>> -> memref<1x40x128xi32, #tpu.memory_space<hbm>>
      %dma_start3A_115 = tpu.memref_squeeze %dma_start3A_114 : memref<1x40x128xi32, #tpu.memory_space<hbm>> -> memref<40x128xi32, #tpu.memory_space<hbm>>
      tpu.enqueue_dma source(%dma_start3A_115 : memref<40x128xi32, #tpu.memory_space<hbm>>) target(%arg7 : memref<40x128xi32, #tpu.memory_space<vmem>>) target_semaphore(%run_scoped3A_110 : memref<!tpu.dma_semaphore, #tpu.memory_space<semaphore_mem>>)
      %dma_wait3A = arith.constant 0 : i32
      %dma_wait3A_116 = tpu.memref_slice %arg4[%run_scoped3A_60, %sub3A_56, %dma_wait3A] : memref<2x2500x128xi32, #tpu.memory_space<hbm>> -> memref<1x40x128xi32, #tpu.memory_space<hbm>>
      %dma_wait3A_117 = tpu.memref_squeeze %dma_wait3A_116 : memref<1x40x128xi32, #tpu.memory_space<hbm>> -> memref<40x128xi32, #tpu.memory_space<hbm>>
      %dma_wait3A_118 = arith.constant 0 : i32
      %dma_wait3A_119 = tpu.memref_slice %arg4[%run_scoped3A_60, %sub3A_56, %dma_wait3A_118] : memref<2x2500x128xi32, #tpu.memory_space<hbm>> -> memref<1x40x128xi32, #tpu.memory_space<hbm>>
      %dma_wait3A_120 = tpu.memref_squeeze %dma_wait3A_119 : memref<1x40x128xi32, #tpu.memory_space<hbm>> -> memref<40x128xi32, #tpu.memory_space<hbm>>
      tpu.wait_dma2 semaphore(%run_scoped3A_110 : memref<!tpu.dma_semaphore, #tpu.memory_space<semaphore_mem>>) src(%dma_wait3A_120 : memref<40x128xi32, #tpu.memory_space<hbm>>) dst(%arg7 : memref<40x128xi32, #tpu.memory_space<vmem>>)
      tpu.yield
    }) : () -> ()
    %lt3A_61 = arith.constant 40 : i32
    %lt3A_62 = arith.cmpi slt, %sub3A_58, %lt3A_61 : i32
    %convert_element_type3A_63 = arith.extui %lt3A_62 : i1 to i32
    %cond3A_64 = arith.constant 0 : i32
    %cond3A_65 = arith.cmpi ne, %convert_element_type3A_63, %cond3A_64 : i32
    scf.if %cond3A_65 {
      %dma_start3A = arith.constant 0 : i32
      %dma_start3A_110 = tpu.memref_slice %arg6[%sub3A_58, %dma_start3A] : memref<40x128xi32, #tpu.memory_space<vmem>> -> memref<1x128xi32, #tpu.memory_space<vmem>>
      %dma_start3A_111 = tpu.memref_squeeze %dma_start3A_110 : memref<1x128xi32, #tpu.memory_space<vmem>> -> memref<128xi32, #tpu.memory_space<vmem>>
      %dma_start3A_112 = arith.constant 0 : i32
      %dma_start3A_113 = arith.constant 0 : i32
      %dma_start3A_114 = tpu.memref_slice %arg2[%dma_start3A_112, %dma_start3A_113] : memref<10000x128xf32, #tpu.memory_space<hbm>> -> memref<10000x128xf32, #tpu.memory_space<hbm>>
      tpu.enqueue_indirect_dma source(%dma_start3A_114 : memref<10000x128xf32, #tpu.memory_space<hbm>>) target(%arg8 : memref<128x128xf32, #tpu.memory_space<vmem>>) offsets(%dma_start3A_111 : memref<128xi32, #tpu.memory_space<vmem>>) semaphore(%arg11 : memref<!tpu.dma_semaphore, #tpu.memory_space<semaphore_mem>>)
    } else {
    }
    %jit3A_66 = arith.constant 2 : i32
    %div3A_67 = arith.divsi %sub3A_58, %jit3A_66 : i32
    %sign3A_68 = arith.constant 0 : i32
    %sign3A_69 = arith.cmpi sgt, %sub3A_58, %sign3A_68 : i32
    %sign3A_70 = arith.extui %sign3A_69 : i1 to i32
    %sign3A_71 = arith.constant 0 : i32
    %sign3A_72 = arith.cmpi slt, %sub3A_58, %sign3A_71 : i32
    %sign3A_73 = arith.extui %sign3A_72 : i1 to i32
    %sign3A_74 = arith.subi %sign3A_70, %sign3A_73 : i32
    %sign3A_75 = arith.constant 0 : i32
    %sign3A_76 = arith.cmpi sgt, %jit3A_66, %sign3A_75 : i32
    %sign3A_77 = arith.extui %sign3A_76 : i1 to i32
    %sign3A_78 = arith.constant 0 : i32
    %sign3A_79 = arith.cmpi slt, %jit3A_66, %sign3A_78 : i32
    %sign3A_80 = arith.extui %sign3A_79 : i1 to i32
    %sign3A_81 = arith.subi %sign3A_77, %sign3A_80 : i32
    %ne3A_82 = arith.cmpi ne, %sign3A_74, %sign3A_81 : i32
    %rem3A_83 = arith.remsi %sub3A_58, %jit3A_66 : i32
    %ne3A_84 = arith.constant 0 : i32
    %ne3A_85 = arith.cmpi ne, %rem3A_83, %ne3A_84 : i32
    %and3A_86 = arith.andi %ne3A_82, %ne3A_85 : i1
    %sub3A_87 = arith.constant 1 : i32
    %sub3A_88 = arith.subi %div3A_67, %sub3A_87 : i32
    %select_n3A_89 = arith.select %and3A_86, %sub3A_88, %div3A_67 : i32
    %while3A_90 = arith.constant 0 : i32
    %while3A_91 = arith.constant 20 : i32
    %while3A_92 = arith.subi %while3A_91, %select_n3A_89 : i32
    %while3A_93 = arith.addi %select_n3A_89, %while3A_92 : i32
    %while3A_94 = arith.constant 1 : i32
    %while3A_95 = arith.divsi %while3A_92, %while3A_94 : i32
    %while3A_96 = arith.muli %while3A_95, %while3A_94 : i32
    %while3A_97 = arith.addi %select_n3A_89, %while3A_96 : i32
    %while3A_98 = arith.constant 1 : i32
    scf.for %while3A_110 = %select_n3A_89 to %while3A_97 step %while3A_98  : i32 {
      %mul3A_111 = arith.constant 2 : i32
      %mul3A_112 = arith.muli %mul3A_111, %while3A_110 : i32
      %add3A_113 = arith.constant 1 : i32
      %add3A_114 = arith.addi %mul3A_112, %add3A_113 : i32
      %dma_start3A = arith.constant 0 : i32
      %dma_start3A_115 = tpu.memref_slice %arg6[%add3A_114, %dma_start3A] : memref<40x128xi32, #tpu.memory_space<vmem>> -> memref<1x128xi32, #tpu.memory_space<vmem>>
      %dma_start3A_116 = tpu.memref_squeeze %dma_start3A_115 : memref<1x128xi32, #tpu.memory_space<vmem>> -> memref<128xi32, #tpu.memory_space<vmem>>
      %dma_start3A_117 = arith.constant 0 : i32
      %dma_start3A_118 = arith.constant 0 : i32
      %dma_start3A_119 = tpu.memref_slice %arg2[%dma_start3A_117, %dma_start3A_118] : memref<10000x128xf32, #tpu.memory_space<hbm>> -> memref<10000x128xf32, #tpu.memory_space<hbm>>
      tpu.enqueue_indirect_dma source(%dma_start3A_119 : memref<10000x128xf32, #tpu.memory_space<hbm>>) target(%arg9 : memref<128x128xf32, #tpu.memory_space<vmem>>) offsets(%dma_start3A_116 : memref<128xi32, #tpu.memory_space<vmem>>) semaphore(%arg12 : memref<!tpu.dma_semaphore, #tpu.memory_space<semaphore_mem>>)
      %dma_wait3A = arith.constant 0 : i32
      %dma_wait3A_120 = arith.constant 0 : i32
      %dma_wait3A_121 = tpu.memref_slice %arg2[%dma_wait3A, %dma_wait3A_120] : memref<10000x128xf32, #tpu.memory_space<hbm>> -> memref<128x128xf32, #tpu.memory_space<hbm>>
      %dma_wait3A_122 = arith.constant 0 : i32
      %dma_wait3A_123 = arith.constant 0 : i32
      %dma_wait3A_124 = tpu.memref_slice %arg2[%dma_wait3A_122, %dma_wait3A_123] : memref<10000x128xf32, #tpu.memory_space<hbm>> -> memref<128x128xf32, #tpu.memory_space<hbm>>
      tpu.wait_dma2 semaphore(%arg11 : memref<!tpu.dma_semaphore, #tpu.memory_space<semaphore_mem>>) src(%dma_wait3A_124 : memref<128x128xf32, #tpu.memory_space<hbm>>) dst(%arg8 : memref<128x128xf32, #tpu.memory_space<vmem>>)
      "tpu.region"() ({
        %run_scoped3A_140 = tpu.sem_alloc : memref<!tpu.dma_semaphore, #tpu.memory_space<semaphore_mem>>
        %dma_start3A_141 = arith.constant 0 : i32
        %dma_start3A_142 = tpu.memref_slice %arg7[%mul3A_112, %dma_start3A_141] : memref<40x128xi32, #tpu.memory_space<vmem>> -> memref<1x128xi32, #tpu.memory_space<vmem>>
        %dma_start3A_143 = tpu.memref_squeeze %dma_start3A_142 : memref<1x128xi32, #tpu.memory_space<vmem>> -> memref<128xi32, #tpu.memory_space<vmem>>
        %dma_start3A_144 = arith.constant 0 : i32
        %dma_start3A_145 = arith.constant 0 : i32
        %dma_start3A_146 = tpu.memref_slice %arg10[%dma_start3A_144, %dma_start3A_145] : memref<10240x128xf32, #tpu.memory_space<vmem_shared>> -> memref<10240x128xf32, #tpu.memory_space<vmem_shared>>
        tpu.enqueue_indirect_dma source(%arg8 : memref<128x128xf32, #tpu.memory_space<vmem>>) target(%dma_start3A_146 : memref<10240x128xf32, #tpu.memory_space<vmem_shared>>) offsets(%dma_start3A_143 : memref<128xi32, #tpu.memory_space<vmem>>) semaphore(%run_scoped3A_140 : memref<!tpu.dma_semaphore, #tpu.memory_space<semaphore_mem>>) {add = true}
        %dma_wait3A_147 = arith.constant 0 : i32
        %dma_wait3A_148 = tpu.memref_slice %arg7[%mul3A_112, %dma_wait3A_147] : memref<40x128xi32, #tpu.memory_space<vmem>> -> memref<1x128xi32, #tpu.memory_space<vmem>>
        %dma_wait3A_149 = tpu.memref_squeeze %dma_wait3A_148 : memref<1x128xi32, #tpu.memory_space<vmem>> -> memref<128xi32, #tpu.memory_space<vmem>>
        %dma_wait3A_150 = arith.constant 0 : i32
        %dma_wait3A_151 = arith.constant 0 : i32
        %dma_wait3A_152 = tpu.memref_slice %arg10[%dma_wait3A_150, %dma_wait3A_151] : memref<10240x128xf32, #tpu.memory_space<vmem_shared>> -> memref<10240x128xf32, #tpu.memory_space<vmem_shared>>
        tpu.wait_indirect_dma semaphore(%run_scoped3A_140 : memref<!tpu.dma_semaphore, #tpu.memory_space<semaphore_mem>>) src(%arg8 : memref<128x128xf32, #tpu.memory_space<vmem>>) dst(%dma_wait3A_152 : memref<10240x128xf32, #tpu.memory_space<vmem_shared>>)
        tpu.yield
      }) : () -> ()
      %add3A_125 = arith.constant 2 : i32
      %add3A_126 = arith.addi %mul3A_112, %add3A_125 : i32
      %lt3A_127 = arith.constant 40 : i32
      %lt3A_128 = arith.cmpi slt, %add3A_126, %lt3A_127 : i32
      %convert_element_type3A_129 = arith.extui %lt3A_128 : i1 to i32
      %cond3A_130 = arith.constant 0 : i32
      %cond3A_131 = arith.cmpi ne, %convert_element_type3A_129, %cond3A_130 : i32
      scf.if %cond3A_131 {
        %add3A_140 = arith.constant 2 : i32
        %add3A_141 = arith.addi %mul3A_112, %add3A_140 : i32
        %dma_start3A_142 = arith.constant 0 : i32
        %dma_start3A_143 = tpu.memref_slice %arg6[%add3A_141, %dma_start3A_142] : memref<40x128xi32, #tpu.memory_space<vmem>> -> memref<1x128xi32, #tpu.memory_space<vmem>>
        %dma_start3A_144 = tpu.memref_squeeze %dma_start3A_143 : memref<1x128xi32, #tpu.memory_space<vmem>> -> memref<128xi32, #tpu.memory_space<vmem>>
        %dma_start3A_145 = arith.constant 0 : i32
        %dma_start3A_146 = arith.constant 0 : i32
        %dma_start3A_147 = tpu.memref_slice %arg2[%dma_start3A_145, %dma_start3A_146] : memref<10000x128xf32, #tpu.memory_space<hbm>> -> memref<10000x128xf32, #tpu.memory_space<hbm>>
        tpu.enqueue_indirect_dma source(%dma_start3A_147 : memref<10000x128xf32, #tpu.memory_space<hbm>>) target(%arg8 : memref<128x128xf32, #tpu.memory_space<vmem>>) offsets(%dma_start3A_144 : memref<128xi32, #tpu.memory_space<vmem>>) semaphore(%arg11 : memref<!tpu.dma_semaphore, #tpu.memory_space<semaphore_mem>>)
      } else {
      }
      %dma_wait3A_132 = arith.constant 0 : i32
      %dma_wait3A_133 = arith.constant 0 : i32
      %dma_wait3A_134 = tpu.memref_slice %arg2[%dma_wait3A_132, %dma_wait3A_133] : memref<10000x128xf32, #tpu.memory_space<hbm>> -> memref<128x128xf32, #tpu.memory_space<hbm>>
      %dma_wait3A_135 = arith.constant 0 : i32
      %dma_wait3A_136 = arith.constant 0 : i32
      %dma_wait3A_137 = tpu.memref_slice %arg2[%dma_wait3A_135, %dma_wait3A_136] : memref<10000x128xf32, #tpu.memory_space<hbm>> -> memref<128x128xf32, #tpu.memory_space<hbm>>
      tpu.wait_dma2 semaphore(%arg12 : memref<!tpu.dma_semaphore, #tpu.memory_space<semaphore_mem>>) src(%dma_wait3A_137 : memref<128x128xf32, #tpu.memory_space<hbm>>) dst(%arg9 : memref<128x128xf32, #tpu.memory_space<vmem>>)
      %add3A_138 = arith.constant 1 : i32
      %add3A_139 = arith.addi %mul3A_112, %add3A_138 : i32
      "tpu.region"() ({
        %run_scoped3A_140 = tpu.sem_alloc : memref<!tpu.dma_semaphore, #tpu.memory_space<semaphore_mem>>
        %dma_start3A_141 = arith.constant 0 : i32
        %dma_start3A_142 = tpu.memref_slice %arg7[%add3A_139, %dma_start3A_141] : memref<40x128xi32, #tpu.memory_space<vmem>> -> memref<1x128xi32, #tpu.memory_space<vmem>>
        %dma_start3A_143 = tpu.memref_squeeze %dma_start3A_142 : memref<1x128xi32, #tpu.memory_space<vmem>> -> memref<128xi32, #tpu.memory_space<vmem>>
        %dma_start3A_144 = arith.constant 0 : i32
        %dma_start3A_145 = arith.constant 0 : i32
        %dma_start3A_146 = tpu.memref_slice %arg10[%dma_start3A_144, %dma_start3A_145] : memref<10240x128xf32, #tpu.memory_space<vmem_shared>> -> memref<10240x128xf32, #tpu.memory_space<vmem_shared>>
        tpu.enqueue_indirect_dma source(%arg9 : memref<128x128xf32, #tpu.memory_space<vmem>>) target(%dma_start3A_146 : memref<10240x128xf32, #tpu.memory_space<vmem_shared>>) offsets(%dma_start3A_143 : memref<128xi32, #tpu.memory_space<vmem>>) semaphore(%run_scoped3A_140 : memref<!tpu.dma_semaphore, #tpu.memory_space<semaphore_mem>>) {add = true}
        %dma_wait3A_147 = arith.constant 0 : i32
        %dma_wait3A_148 = tpu.memref_slice %arg7[%add3A_139, %dma_wait3A_147] : memref<40x128xi32, #tpu.memory_space<vmem>> -> memref<1x128xi32, #tpu.memory_space<vmem>>
        %dma_wait3A_149 = tpu.memref_squeeze %dma_wait3A_148 : memref<1x128xi32, #tpu.memory_space<vmem>> -> memref<128xi32, #tpu.memory_space<vmem>>
        %dma_wait3A_150 = arith.constant 0 : i32
        %dma_wait3A_151 = arith.constant 0 : i32
        %dma_wait3A_152 = tpu.memref_slice %arg10[%dma_wait3A_150, %dma_wait3A_151] : memref<10240x128xf32, #tpu.memory_space<vmem_shared>> -> memref<10240x128xf32, #tpu.memory_space<vmem_shared>>
        tpu.wait_indirect_dma semaphore(%run_scoped3A_140 : memref<!tpu.dma_semaphore, #tpu.memory_space<semaphore_mem>>) src(%arg9 : memref<128x128xf32, #tpu.memory_space<vmem>>) dst(%dma_wait3A_152 : memref<10240x128xf32, #tpu.memory_space<vmem_shared>>)
        tpu.yield
      }) : () -> ()
    }
    %while3A_99 = arith.constant 1 : i32
    scf.for %while3A_110 = %while3A_97 to %while3A_93 step %while3A_99  : i32 {
      %mul3A_111 = arith.constant 2 : i32
      %mul3A_112 = arith.muli %mul3A_111, %while3A_110 : i32
      %add3A_113 = arith.constant 1 : i32
      %add3A_114 = arith.addi %mul3A_112, %add3A_113 : i32
      %dma_start3A = arith.constant 0 : i32
      %dma_start3A_115 = tpu.memref_slice %arg6[%add3A_114, %dma_start3A] : memref<40x128xi32, #tpu.memory_space<vmem>> -> memref<1x128xi32, #tpu.memory_space<vmem>>
      %dma_start3A_116 = tpu.memref_squeeze %dma_start3A_115 : memref<1x128xi32, #tpu.memory_space<vmem>> -> memref<128xi32, #tpu.memory_space<vmem>>
      %dma_start3A_117 = arith.constant 0 : i32
      %dma_start3A_118 = arith.constant 0 : i32
      %dma_start3A_119 = tpu.memref_slice %arg2[%dma_start3A_117, %dma_start3A_118] : memref<10000x128xf32, #tpu.memory_space<hbm>> -> memref<10000x128xf32, #tpu.memory_space<hbm>>
      tpu.enqueue_indirect_dma source(%dma_start3A_119 : memref<10000x128xf32, #tpu.memory_space<hbm>>) target(%arg9 : memref<128x128xf32, #tpu.memory_space<vmem>>) offsets(%dma_start3A_116 : memref<128xi32, #tpu.memory_space<vmem>>) semaphore(%arg12 : memref<!tpu.dma_semaphore, #tpu.memory_space<semaphore_mem>>)
      %dma_wait3A = arith.constant 0 : i32
      %dma_wait3A_120 = arith.constant 0 : i32
      %dma_wait3A_121 = tpu.memref_slice %arg2[%dma_wait3A, %dma_wait3A_120] : memref<10000x128xf32, #tpu.memory_space<hbm>> -> memref<128x128xf32, #tpu.memory_space<hbm>>
      %dma_wait3A_122 = arith.constant 0 : i32
      %dma_wait3A_123 = arith.constant 0 : i32
      %dma_wait3A_124 = tpu.memref_slice %arg2[%dma_wait3A_122, %dma_wait3A_123] : memref<10000x128xf32, #tpu.memory_space<hbm>> -> memref<128x128xf32, #tpu.memory_space<hbm>>
      tpu.wait_dma2 semaphore(%arg11 : memref<!tpu.dma_semaphore, #tpu.memory_space<semaphore_mem>>) src(%dma_wait3A_124 : memref<128x128xf32, #tpu.memory_space<hbm>>) dst(%arg8 : memref<128x128xf32, #tpu.memory_space<vmem>>)
      "tpu.region"() ({
        %run_scoped3A_140 = tpu.sem_alloc : memref<!tpu.dma_semaphore, #tpu.memory_space<semaphore_mem>>
        %dma_start3A_141 = arith.constant 0 : i32
        %dma_start3A_142 = tpu.memref_slice %arg7[%mul3A_112, %dma_start3A_141] : memref<40x128xi32, #tpu.memory_space<vmem>> -> memref<1x128xi32, #tpu.memory_space<vmem>>
        %dma_start3A_143 = tpu.memref_squeeze %dma_start3A_142 : memref<1x128xi32, #tpu.memory_space<vmem>> -> memref<128xi32, #tpu.memory_space<vmem>>
        %dma_start3A_144 = arith.constant 0 : i32
        %dma_start3A_145 = arith.constant 0 : i32
        %dma_start3A_146 = tpu.memref_slice %arg10[%dma_start3A_144, %dma_start3A_145] : memref<10240x128xf32, #tpu.memory_space<vmem_shared>> -> memref<10240x128xf32, #tpu.memory_space<vmem_shared>>
        tpu.enqueue_indirect_dma source(%arg8 : memref<128x128xf32, #tpu.memory_space<vmem>>) target(%dma_start3A_146 : memref<10240x128xf32, #tpu.memory_space<vmem_shared>>) offsets(%dma_start3A_143 : memref<128xi32, #tpu.memory_space<vmem>>) semaphore(%run_scoped3A_140 : memref<!tpu.dma_semaphore, #tpu.memory_space<semaphore_mem>>) {add = true}
        %dma_wait3A_147 = arith.constant 0 : i32
        %dma_wait3A_148 = tpu.memref_slice %arg7[%mul3A_112, %dma_wait3A_147] : memref<40x128xi32, #tpu.memory_space<vmem>> -> memref<1x128xi32, #tpu.memory_space<vmem>>
        %dma_wait3A_149 = tpu.memref_squeeze %dma_wait3A_148 : memref<1x128xi32, #tpu.memory_space<vmem>> -> memref<128xi32, #tpu.memory_space<vmem>>
        %dma_wait3A_150 = arith.constant 0 : i32
        %dma_wait3A_151 = arith.constant 0 : i32
        %dma_wait3A_152 = tpu.memref_slice %arg10[%dma_wait3A_150, %dma_wait3A_151] : memref<10240x128xf32, #tpu.memory_space<vmem_shared>> -> memref<10240x128xf32, #tpu.memory_space<vmem_shared>>
        tpu.wait_indirect_dma semaphore(%run_scoped3A_140 : memref<!tpu.dma_semaphore, #tpu.memory_space<semaphore_mem>>) src(%arg8 : memref<128x128xf32, #tpu.memory_space<vmem>>) dst(%dma_wait3A_152 : memref<10240x128xf32, #tpu.memory_space<vmem_shared>>)
        tpu.yield
      }) : () -> ()
      %add3A_125 = arith.constant 2 : i32
      %add3A_126 = arith.addi %mul3A_112, %add3A_125 : i32
      %lt3A_127 = arith.constant 40 : i32
      %lt3A_128 = arith.cmpi slt, %add3A_126, %lt3A_127 : i32
      %convert_element_type3A_129 = arith.extui %lt3A_128 : i1 to i32
      %cond3A_130 = arith.constant 0 : i32
      %cond3A_131 = arith.cmpi ne, %convert_element_type3A_129, %cond3A_130 : i32
      scf.if %cond3A_131 {
        %add3A_140 = arith.constant 2 : i32
        %add3A_141 = arith.addi %mul3A_112, %add3A_140 : i32
        %dma_start3A_142 = arith.constant 0 : i32
        %dma_start3A_143 = tpu.memref_slice %arg6[%add3A_141, %dma_start3A_142] : memref<40x128xi32, #tpu.memory_space<vmem>> -> memref<1x128xi32, #tpu.memory_space<vmem>>
        %dma_start3A_144 = tpu.memref_squeeze %dma_start3A_143 : memref<1x128xi32, #tpu.memory_space<vmem>> -> memref<128xi32, #tpu.memory_space<vmem>>
        %dma_start3A_145 = arith.constant 0 : i32
        %dma_start3A_146 = arith.constant 0 : i32
        %dma_start3A_147 = tpu.memref_slice %arg2[%dma_start3A_145, %dma_start3A_146] : memref<10000x128xf32, #tpu.memory_space<hbm>> -> memref<10000x128xf32, #tpu.memory_space<hbm>>
        tpu.enqueue_indirect_dma source(%dma_start3A_147 : memref<10000x128xf32, #tpu.memory_space<hbm>>) target(%arg8 : memref<128x128xf32, #tpu.memory_space<vmem>>) offsets(%dma_start3A_144 : memref<128xi32, #tpu.memory_space<vmem>>) semaphore(%arg11 : memref<!tpu.dma_semaphore, #tpu.memory_space<semaphore_mem>>)
      } else {
      }
      %dma_wait3A_132 = arith.constant 0 : i32
      %dma_wait3A_133 = arith.constant 0 : i32
      %dma_wait3A_134 = tpu.memref_slice %arg2[%dma_wait3A_132, %dma_wait3A_133] : memref<10000x128xf32, #tpu.memory_space<hbm>> -> memref<128x128xf32, #tpu.memory_space<hbm>>
      %dma_wait3A_135 = arith.constant 0 : i32
      %dma_wait3A_136 = arith.constant 0 : i32
      %dma_wait3A_137 = tpu.memref_slice %arg2[%dma_wait3A_135, %dma_wait3A_136] : memref<10000x128xf32, #tpu.memory_space<hbm>> -> memref<128x128xf32, #tpu.memory_space<hbm>>
      tpu.wait_dma2 semaphore(%arg12 : memref<!tpu.dma_semaphore, #tpu.memory_space<semaphore_mem>>) src(%dma_wait3A_137 : memref<128x128xf32, #tpu.memory_space<hbm>>) dst(%arg9 : memref<128x128xf32, #tpu.memory_space<vmem>>)
      %add3A_138 = arith.constant 1 : i32
      %add3A_139 = arith.addi %mul3A_112, %add3A_138 : i32
      "tpu.region"() ({
        %run_scoped3A_140 = tpu.sem_alloc : memref<!tpu.dma_semaphore, #tpu.memory_space<semaphore_mem>>
        %dma_start3A_141 = arith.constant 0 : i32
        %dma_start3A_142 = tpu.memref_slice %arg7[%add3A_139, %dma_start3A_141] : memref<40x128xi32, #tpu.memory_space<vmem>> -> memref<1x128xi32, #tpu.memory_space<vmem>>
        %dma_start3A_143 = tpu.memref_squeeze %dma_start3A_142 : memref<1x128xi32, #tpu.memory_space<vmem>> -> memref<128xi32, #tpu.memory_space<vmem>>
        %dma_start3A_144 = arith.constant 0 : i32
        %dma_start3A_145 = arith.constant 0 : i32
        %dma_start3A_146 = tpu.memref_slice %arg10[%dma_start3A_144, %dma_start3A_145] : memref<10240x128xf32, #tpu.memory_space<vmem_shared>> -> memref<10240x128xf32, #tpu.memory_space<vmem_shared>>
        tpu.enqueue_indirect_dma source(%arg9 : memref<128x128xf32, #tpu.memory_space<vmem>>) target(%dma_start3A_146 : memref<10240x128xf32, #tpu.memory_space<vmem_shared>>) offsets(%dma_start3A_143 : memref<128xi32, #tpu.memory_space<vmem>>) semaphore(%run_scoped3A_140 : memref<!tpu.dma_semaphore, #tpu.memory_space<semaphore_mem>>) {add = true}
        %dma_wait3A_147 = arith.constant 0 : i32
        %dma_wait3A_148 = tpu.memref_slice %arg7[%add3A_139, %dma_wait3A_147] : memref<40x128xi32, #tpu.memory_space<vmem>> -> memref<1x128xi32, #tpu.memory_space<vmem>>
        %dma_wait3A_149 = tpu.memref_squeeze %dma_wait3A_148 : memref<1x128xi32, #tpu.memory_space<vmem>> -> memref<128xi32, #tpu.memory_space<vmem>>
        %dma_wait3A_150 = arith.constant 0 : i32
        %dma_wait3A_151 = arith.constant 0 : i32
        %dma_wait3A_152 = tpu.memref_slice %arg10[%dma_wait3A_150, %dma_wait3A_151] : memref<10240x128xf32, #tpu.memory_space<vmem_shared>> -> memref<10240x128xf32, #tpu.memory_space<vmem_shared>>
        tpu.wait_indirect_dma semaphore(%run_scoped3A_140 : memref<!tpu.dma_semaphore, #tpu.memory_space<semaphore_mem>>) src(%arg9 : memref<128x128xf32, #tpu.memory_space<vmem>>) dst(%dma_wait3A_152 : memref<10240x128xf32, #tpu.memory_space<vmem_shared>>)
        tpu.yield
      }) : () -> ()
    }
    %eq3A_100 = arith.constant 31 : i32
    %eq3A_101 = arith.cmpi eq, %add3A, %eq3A_100 : i32
    %convert_element_type3A_102 = arith.extui %eq3A_101 : i1 to i32
    %cond3A_103 = arith.constant 0 : i32
    %cond3A_104 = arith.cmpi ne, %convert_element_type3A_102, %cond3A_103 : i32
    scf.if %cond3A_104 {
      %run_scoped3A_110 = arith.constant 0 : i32
      "tpu.region"() ({
        %run_scoped3A_117 = tpu.sem_alloc : memref<!tpu.dma_semaphore, #tpu.memory_space<semaphore_mem>>
        %dma_start3A = arith.constant 0 : i32
        %dma_start3A_118 = arith.constant 0 : i32
        %dma_start3A_119 = tpu.memref_slice %arg6[%dma_start3A, %dma_start3A_118] : memref<40x128xi32, #tpu.memory_space<vmem>> -> memref<4x128xi32, #tpu.memory_space<vmem>>
        %dma_start3A_120 = arith.constant 2496 : i32
        %dma_start3A_121 = arith.constant 0 : i32
        %dma_start3A_122 = tpu.memref_slice %arg4[%run_scoped3A_110, %dma_start3A_120, %dma_start3A_121] : memref<2x2500x128xi32, #tpu.memory_space<hbm>> -> memref<1x4x128xi32, #tpu.memory_space<hbm>>
        %dma_start3A_123 = tpu.memref_squeeze %dma_start3A_122 : memref<1x4x128xi32, #tpu.memory_space<hbm>> -> memref<4x128xi32, #tpu.memory_space<hbm>>
        %dma_start3A_124 = arith.constant 0 : i32
        %dma_start3A_125 = arith.constant 0 : i32
        %dma_start3A_126 = tpu.memref_slice %arg6[%dma_start3A_124, %dma_start3A_125] : memref<40x128xi32, #tpu.memory_space<vmem>> -> memref<4x128xi32, #tpu.memory_space<vmem>>
        %dma_start3A_127 = arith.constant 2496 : i32
        %dma_start3A_128 = arith.constant 0 : i32
        %dma_start3A_129 = tpu.memref_slice %arg4[%run_scoped3A_110, %dma_start3A_127, %dma_start3A_128] : memref<2x2500x128xi32, #tpu.memory_space<hbm>> -> memref<1x4x128xi32, #tpu.memory_space<hbm>>
        %dma_start3A_130 = tpu.memref_squeeze %dma_start3A_129 : memref<1x4x128xi32, #tpu.memory_space<hbm>> -> memref<4x128xi32, #tpu.memory_space<hbm>>
        tpu.enqueue_dma source(%dma_start3A_130 : memref<4x128xi32, #tpu.memory_space<hbm>>) target(%dma_start3A_126 : memref<4x128xi32, #tpu.memory_space<vmem>>) target_semaphore(%run_scoped3A_117 : memref<!tpu.dma_semaphore, #tpu.memory_space<semaphore_mem>>)
        %dma_wait3A = arith.constant 0 : i32
        %dma_wait3A_131 = arith.constant 0 : i32
        %dma_wait3A_132 = tpu.memref_slice %arg6[%dma_wait3A, %dma_wait3A_131] : memref<40x128xi32, #tpu.memory_space<vmem>> -> memref<4x128xi32, #tpu.memory_space<vmem>>
        %dma_wait3A_133 = arith.constant 2496 : i32
        %dma_wait3A_134 = arith.constant 0 : i32
        %dma_wait3A_135 = tpu.memref_slice %arg4[%run_scoped3A_110, %dma_wait3A_133, %dma_wait3A_134] : memref<2x2500x128xi32, #tpu.memory_space<hbm>> -> memref<1x4x128xi32, #tpu.memory_space<hbm>>
        %dma_wait3A_136 = tpu.memref_squeeze %dma_wait3A_135 : memref<1x4x128xi32, #tpu.memory_space<hbm>> -> memref<4x128xi32, #tpu.memory_space<hbm>>
        %dma_wait3A_137 = arith.constant 0 : i32
        %dma_wait3A_138 = arith.constant 0 : i32
        %dma_wait3A_139 = tpu.memref_slice %arg6[%dma_wait3A_137, %dma_wait3A_138] : memref<40x128xi32, #tpu.memory_space<vmem>> -> memref<4x128xi32, #tpu.memory_space<vmem>>
        %dma_wait3A_140 = arith.constant 2496 : i32
        %dma_wait3A_141 = arith.constant 0 : i32
        %dma_wait3A_142 = tpu.memref_slice %arg4[%run_scoped3A_110, %dma_wait3A_140, %dma_wait3A_141] : memref<2x2500x128xi32, #tpu.memory_space<hbm>> -> memref<1x4x128xi32, #tpu.memory_space<hbm>>
        %dma_wait3A_143 = tpu.memref_squeeze %dma_wait3A_142 : memref<1x4x128xi32, #tpu.memory_space<hbm>> -> memref<4x128xi32, #tpu.memory_space<hbm>>
        tpu.wait_dma2 semaphore(%run_scoped3A_117 : memref<!tpu.dma_semaphore, #tpu.memory_space<semaphore_mem>>) src(%dma_wait3A_143 : memref<4x128xi32, #tpu.memory_space<hbm>>) dst(%dma_wait3A_139 : memref<4x128xi32, #tpu.memory_space<vmem>>)
        tpu.yield
      }) : () -> ()
      %run_scoped3A_111 = arith.constant 1 : i32
      "tpu.region"() ({
        %run_scoped3A_117 = tpu.sem_alloc : memref<!tpu.dma_semaphore, #tpu.memory_space<semaphore_mem>>
        %dma_start3A = arith.constant 0 : i32
        %dma_start3A_118 = arith.constant 0 : i32
        %dma_start3A_119 = tpu.memref_slice %arg7[%dma_start3A, %dma_start3A_118] : memref<40x128xi32, #tpu.memory_space<vmem>> -> memref<4x128xi32, #tpu.memory_space<vmem>>
        %dma_start3A_120 = arith.constant 2496 : i32
        %dma_start3A_121 = arith.constant 0 : i32
        %dma_start3A_122 = tpu.memref_slice %arg4[%run_scoped3A_111, %dma_start3A_120, %dma_start3A_121] : memref<2x2500x128xi32, #tpu.memory_space<hbm>> -> memref<1x4x128xi32, #tpu.memory_space<hbm>>
        %dma_start3A_123 = tpu.memref_squeeze %dma_start3A_122 : memref<1x4x128xi32, #tpu.memory_space<hbm>> -> memref<4x128xi32, #tpu.memory_space<hbm>>
        %dma_start3A_124 = arith.constant 0 : i32
        %dma_start3A_125 = arith.constant 0 : i32
        %dma_start3A_126 = tpu.memref_slice %arg7[%dma_start3A_124, %dma_start3A_125] : memref<40x128xi32, #tpu.memory_space<vmem>> -> memref<4x128xi32, #tpu.memory_space<vmem>>
        %dma_start3A_127 = arith.constant 2496 : i32
        %dma_start3A_128 = arith.constant 0 : i32
        %dma_start3A_129 = tpu.memref_slice %arg4[%run_scoped3A_111, %dma_start3A_127, %dma_start3A_128] : memref<2x2500x128xi32, #tpu.memory_space<hbm>> -> memref<1x4x128xi32, #tpu.memory_space<hbm>>
        %dma_start3A_130 = tpu.memref_squeeze %dma_start3A_129 : memref<1x4x128xi32, #tpu.memory_space<hbm>> -> memref<4x128xi32, #tpu.memory_space<hbm>>
        tpu.enqueue_dma source(%dma_start3A_130 : memref<4x128xi32, #tpu.memory_space<hbm>>) target(%dma_start3A_126 : memref<4x128xi32, #tpu.memory_space<vmem>>) target_semaphore(%run_scoped3A_117 : memref<!tpu.dma_semaphore, #tpu.memory_space<semaphore_mem>>)
        %dma_wait3A = arith.constant 0 : i32
        %dma_wait3A_131 = arith.constant 0 : i32
        %dma_wait3A_132 = tpu.memref_slice %arg7[%dma_wait3A, %dma_wait3A_131] : memref<40x128xi32, #tpu.memory_space<vmem>> -> memref<4x128xi32, #tpu.memory_space<vmem>>
        %dma_wait3A_133 = arith.constant 2496 : i32
        %dma_wait3A_134 = arith.constant 0 : i32
        %dma_wait3A_135 = tpu.memref_slice %arg4[%run_scoped3A_111, %dma_wait3A_133, %dma_wait3A_134] : memref<2x2500x128xi32, #tpu.memory_space<hbm>> -> memref<1x4x128xi32, #tpu.memory_space<hbm>>
        %dma_wait3A_136 = tpu.memref_squeeze %dma_wait3A_135 : memref<1x4x128xi32, #tpu.memory_space<hbm>> -> memref<4x128xi32, #tpu.memory_space<hbm>>
        %dma_wait3A_137 = arith.constant 0 : i32
        %dma_wait3A_138 = arith.constant 0 : i32
        %dma_wait3A_139 = tpu.memref_slice %arg7[%dma_wait3A_137, %dma_wait3A_138] : memref<40x128xi32, #tpu.memory_space<vmem>> -> memref<4x128xi32, #tpu.memory_space<vmem>>
        %dma_wait3A_140 = arith.constant 2496 : i32
        %dma_wait3A_141 = arith.constant 0 : i32
        %dma_wait3A_142 = tpu.memref_slice %arg4[%run_scoped3A_111, %dma_wait3A_140, %dma_wait3A_141] : memref<2x2500x128xi32, #tpu.memory_space<hbm>> -> memref<1x4x128xi32, #tpu.memory_space<hbm>>
        %dma_wait3A_143 = tpu.memref_squeeze %dma_wait3A_142 : memref<1x4x128xi32, #tpu.memory_space<hbm>> -> memref<4x128xi32, #tpu.memory_space<hbm>>
        tpu.wait_dma2 semaphore(%run_scoped3A_117 : memref<!tpu.dma_semaphore, #tpu.memory_space<semaphore_mem>>) src(%dma_wait3A_143 : memref<4x128xi32, #tpu.memory_space<hbm>>) dst(%dma_wait3A_139 : memref<4x128xi32, #tpu.memory_space<vmem>>)
        tpu.yield
      }) : () -> ()
      %scan3A = arith.constant 0 : i32
      %scan3A_112 = arith.constant 0 : i32
      %scan3A_113 = arith.constant 4 : i32
      %scan3A_114 = arith.addi %scan3A_112, %scan3A_113 : i32
      %scan3A_115 = arith.constant 1 : i32
      scf.for %scan3A_117 = %scan3A_112 to %scan3A_114 step %scan3A_115  : i32 {
        %dma_start3A = arith.constant 0 : i32
        %dma_start3A_118 = tpu.memref_slice %arg6[%scan3A_117, %dma_start3A] : memref<40x128xi32, #tpu.memory_space<vmem>> -> memref<1x128xi32, #tpu.memory_space<vmem>>
        %dma_start3A_119 = tpu.memref_squeeze %dma_start3A_118 : memref<1x128xi32, #tpu.memory_space<vmem>> -> memref<128xi32, #tpu.memory_space<vmem>>
        %dma_start3A_120 = arith.constant 0 : i32
        %dma_start3A_121 = arith.constant 0 : i32
        %dma_start3A_122 = tpu.memref_slice %arg2[%dma_start3A_120, %dma_start3A_121] : memref<10000x128xf32, #tpu.memory_space<hbm>> -> memref<10000x128xf32, #tpu.memory_space<hbm>>
        tpu.enqueue_indirect_dma source(%dma_start3A_122 : memref<10000x128xf32, #tpu.memory_space<hbm>>) target(%arg8 : memref<128x128xf32, #tpu.memory_space<vmem>>) offsets(%dma_start3A_119 : memref<128xi32, #tpu.memory_space<vmem>>) semaphore(%arg11 : memref<!tpu.dma_semaphore, #tpu.memory_space<semaphore_mem>>)
        %dma_wait3A = arith.constant 0 : i32
        %dma_wait3A_123 = tpu.memref_slice %arg6[%scan3A_117, %dma_wait3A] : memref<40x128xi32, #tpu.memory_space<vmem>> -> memref<1x128xi32, #tpu.memory_space<vmem>>
        %dma_wait3A_124 = tpu.memref_squeeze %dma_wait3A_123 : memref<1x128xi32, #tpu.memory_space<vmem>> -> memref<128xi32, #tpu.memory_space<vmem>>
        %dma_wait3A_125 = arith.constant 0 : i32
        %dma_wait3A_126 = arith.constant 0 : i32
        %dma_wait3A_127 = tpu.memref_slice %arg2[%dma_wait3A_125, %dma_wait3A_126] : memref<10000x128xf32, #tpu.memory_space<hbm>> -> memref<10000x128xf32, #tpu.memory_space<hbm>>
        tpu.wait_indirect_dma semaphore(%arg11 : memref<!tpu.dma_semaphore, #tpu.memory_space<semaphore_mem>>) src(%dma_wait3A_127 : memref<10000x128xf32, #tpu.memory_space<hbm>>) dst(%arg8 : memref<128x128xf32, #tpu.memory_space<vmem>>)
        "tpu.region"() ({
          %run_scoped3A_128 = tpu.sem_alloc : memref<!tpu.dma_semaphore, #tpu.memory_space<semaphore_mem>>
          %dma_start3A_129 = arith.constant 0 : i32
          %dma_start3A_130 = tpu.memref_slice %arg7[%scan3A_117, %dma_start3A_129] : memref<40x128xi32, #tpu.memory_space<vmem>> -> memref<1x128xi32, #tpu.memory_space<vmem>>
          %dma_start3A_131 = tpu.memref_squeeze %dma_start3A_130 : memref<1x128xi32, #tpu.memory_space<vmem>> -> memref<128xi32, #tpu.memory_space<vmem>>
          %dma_start3A_132 = arith.constant 0 : i32
          %dma_start3A_133 = arith.constant 0 : i32
          %dma_start3A_134 = tpu.memref_slice %arg10[%dma_start3A_132, %dma_start3A_133] : memref<10240x128xf32, #tpu.memory_space<vmem_shared>> -> memref<10240x128xf32, #tpu.memory_space<vmem_shared>>
          tpu.enqueue_indirect_dma source(%arg8 : memref<128x128xf32, #tpu.memory_space<vmem>>) target(%dma_start3A_134 : memref<10240x128xf32, #tpu.memory_space<vmem_shared>>) offsets(%dma_start3A_131 : memref<128xi32, #tpu.memory_space<vmem>>) semaphore(%run_scoped3A_128 : memref<!tpu.dma_semaphore, #tpu.memory_space<semaphore_mem>>) {add = true}
          %dma_wait3A_135 = arith.constant 0 : i32
          %dma_wait3A_136 = tpu.memref_slice %arg7[%scan3A_117, %dma_wait3A_135] : memref<40x128xi32, #tpu.memory_space<vmem>> -> memref<1x128xi32, #tpu.memory_space<vmem>>
          %dma_wait3A_137 = tpu.memref_squeeze %dma_wait3A_136 : memref<1x128xi32, #tpu.memory_space<vmem>> -> memref<128xi32, #tpu.memory_space<vmem>>
          %dma_wait3A_138 = arith.constant 0 : i32
          %dma_wait3A_139 = arith.constant 0 : i32
          %dma_wait3A_140 = tpu.memref_slice %arg10[%dma_wait3A_138, %dma_wait3A_139] : memref<10240x128xf32, #tpu.memory_space<vmem_shared>> -> memref<10240x128xf32, #tpu.memory_space<vmem_shared>>
          tpu.wait_indirect_dma semaphore(%run_scoped3A_128 : memref<!tpu.dma_semaphore, #tpu.memory_space<semaphore_mem>>) src(%arg8 : memref<128x128xf32, #tpu.memory_space<vmem>>) dst(%dma_wait3A_140 : memref<10240x128xf32, #tpu.memory_space<vmem_shared>>)
          tpu.yield
        }) : () -> ()
      }
      %scan3A_116 = arith.constant 4 : i32
    } else {
    }
    %barrier3A_105 = arith.constant 0 : index
    tpu.barrier barrier_id(%barrier3A_105)
    %mul3A_106 = arith.constant 640 : i32
    %mul3A_107 = arith.muli %arg1, %mul3A_106 : i32
    %mul3A_108 = arith.constant 640 : i32
    %mul3A_109 = arith.muli %arg1, %mul3A_108 : i32
    "tpu.region"() ({
      %run_scoped3A_110 = tpu.sem_alloc : memref<!tpu.dma_semaphore, #tpu.memory_space<semaphore_mem>>
      %dma_start3A = arith.constant 0 : i32
      %dma_start3A_111 = tpu.memref_slice %arg5[%arg0, %mul3A_109, %dma_start3A] : memref<2x10240x128xf32, #tpu.memory_space<hbm>> -> memref<1x640x128xf32, #tpu.memory_space<hbm>>
      %dma_start3A_112 = tpu.memref_squeeze %dma_start3A_111 : memref<1x640x128xf32, #tpu.memory_space<hbm>> -> memref<640x128xf32, #tpu.memory_space<hbm>>
      %dma_start3A_113 = arith.constant 0 : i32
      %dma_start3A_114 = tpu.memref_slice %arg10[%mul3A_107, %dma_start3A_113] : memref<10240x128xf32, #tpu.memory_space<vmem_shared>> -> memref<640x128xf32, #tpu.memory_space<vmem_shared>>
      tpu.enqueue_dma source(%dma_start3A_114 : memref<640x128xf32, #tpu.memory_space<vmem_shared>>) target(%dma_start3A_112 : memref<640x128xf32, #tpu.memory_space<hbm>>) target_semaphore(%run_scoped3A_110 : memref<!tpu.dma_semaphore, #tpu.memory_space<semaphore_mem>>)
      %dma_wait3A = arith.constant 0 : i32
      %dma_wait3A_115 = tpu.memref_slice %arg5[%arg0, %mul3A_109, %dma_wait3A] : memref<2x10240x128xf32, #tpu.memory_space<hbm>> -> memref<1x640x128xf32, #tpu.memory_space<hbm>>
      %dma_wait3A_116 = tpu.memref_squeeze %dma_wait3A_115 : memref<1x640x128xf32, #tpu.memory_space<hbm>> -> memref<640x128xf32, #tpu.memory_space<hbm>>
      %dma_wait3A_117 = arith.constant 0 : i32
      %dma_wait3A_118 = tpu.memref_slice %arg10[%mul3A_107, %dma_wait3A_117] : memref<10240x128xf32, #tpu.memory_space<vmem_shared>> -> memref<640x128xf32, #tpu.memory_space<vmem_shared>>
      tpu.wait_dma2 semaphore(%run_scoped3A_110 : memref<!tpu.dma_semaphore, #tpu.memory_space<semaphore_mem>>) src(%dma_wait3A_118 : memref<640x128xf32, #tpu.memory_space<vmem_shared>>) dst(%dma_wait3A_116 : memref<640x128xf32, #tpu.memory_space<hbm>>)
      tpu.yield
    }) : () -> ()
    return
  }
}

#map = affine_map<(d0, d1) -> (0, 0, 0)>
#map1 = affine_map<(d0, d1) -> (0, 0)>
module attributes {stable_mosaic.version = 14 : i64} {
  func.func @_deg_body(%arg0: i32, %arg1: i32, %arg2: memref<2x2500x128xi32, #tpu.memory_space<hbm>>, %arg3: memref<2x10240xf32, #tpu.memory_space<hbm>>, %arg4: memref<40x128xi32, #tpu.memory_space<vmem>>, %arg5: memref<128xf32, #tpu.memory_space<vmem>>, %arg6: memref<640xf32, #tpu.memory_space<vmem>>, %arg7: memref<10240xf32, #tpu.memory_space<vmem_shared>>) attributes {dimension_semantics = [#tpu.dimension_semantics<core_parallel>, #tpu.dimension_semantics<subcore_parallel>], iteration_bounds = array<i64: 2, 16>, scalar_prefetch = 0 : i64, scratch_operands = 4 : i64, tpu.core_type = #tpu.core_type<sc_vector_subcore>, window_params = [{transform_indices = #map}, {transform_indices = #map1}]} {
    %mul3A = arith.constant 16 : i32
    %mul3A_0 = arith.muli %arg0, %mul3A : i32
    %add3A = arith.addi %mul3A_0, %arg1 : i32
    %lt3A = arith.constant 30 : i32
    %lt3A_1 = arith.cmpi slt, %add3A, %lt3A : i32
    %mul3A_2 = arith.constant 80 : i32
    %mul3A_3 = arith.muli %mul3A_2, %add3A : i32
    %eq3A = arith.constant 30 : i32
    %eq3A_4 = arith.cmpi eq, %add3A, %eq3A : i32
    %jit3A = arith.constant 2400 : i32
    %jit3A_5 = arith.constant 2456 : i32
    %select_n3A = arith.select %eq3A_4, %jit3A, %jit3A_5 : i32
    %select_n3A_6 = arith.select %lt3A_1, %mul3A_3, %select_n3A : i32
    %lt3A_7 = arith.constant 30 : i32
    %lt3A_8 = arith.cmpi slt, %add3A, %lt3A_7 : i32
    %eq3A_9 = arith.constant 30 : i32
    %eq3A_10 = arith.cmpi eq, %add3A, %eq3A_9 : i32
    %jit3A_11 = arith.constant 56 : i32
    %jit3A_12 = arith.constant 40 : i32
    %select_n3A_13 = arith.select %eq3A_10, %jit3A_11, %jit3A_12 : i32
    %jit3A_14 = arith.constant 80 : i32
    %select_n3A_15 = arith.select %lt3A_8, %jit3A_14, %select_n3A_13 : i32
    %scan3A = arith.constant 0 : i32
    %scan3A_16 = arith.constant 0 : i32
    %scan3A_17 = arith.constant 40 : i32
    %scan3A_18 = arith.addi %scan3A_16, %scan3A_17 : i32
    %scan3A_19 = arith.constant 1 : i32
    scf.for %scan3A_57 = %scan3A_16 to %scan3A_18 step %scan3A_19  : i32 {
      %broadcast_in_dim3A = arith.constant 0.000000e+00 : f32
      %broadcast_in_dim3A_58 = vector.broadcast %broadcast_in_dim3A : f32 to vector<16xf32>
      %mul3A_59 = arith.constant 16 : i32
      %mul3A_60 = arith.muli %scan3A_57, %mul3A_59 : i32
      %swap3A = arith.index_cast %mul3A_60 : i32 to index
      %swap3A_61 = tpu.vector_load %arg6[%swap3A] {strides = array<i32>} : memref<640xf32, #tpu.memory_space<vmem>>, vector<16xf32>,
      %swap3A_62 = vector.shape_cast %swap3A_61 : vector<16xf32> to vector<16xf32>
      %swap3A_63 = vector.shape_cast %broadcast_in_dim3A_58 : vector<16xf32> to vector<16xf32>
      tpu.vector_store %arg6[%swap3A], %swap3A_63 {strides = array<i32>} : memref<640xf32, #tpu.memory_space<vmem>>, vector<16xf32>,
    }
    %scan3A_20 = arith.constant 40 : i32
    %scan3A_21 = arith.constant 0 : i32
    %scan3A_22 = arith.constant 0 : i32
    %scan3A_23 = arith.constant 8 : i32
    %scan3A_24 = arith.addi %scan3A_22, %scan3A_23 : i32
    %scan3A_25 = arith.constant 1 : i32
    scf.for %scan3A_57 = %scan3A_22 to %scan3A_24 step %scan3A_25  : i32 {
      %broadcast_in_dim3A = arith.constant 1.000000e+00 : f32
      %broadcast_in_dim3A_58 = vector.broadcast %broadcast_in_dim3A : f32 to vector<16xf32>
      %mul3A_59 = arith.constant 16 : i32
      %mul3A_60 = arith.muli %scan3A_57, %mul3A_59 : i32
      %swap3A = arith.index_cast %mul3A_60 : i32 to index
      %swap3A_61 = tpu.vector_load %arg5[%swap3A] {strides = array<i32>} : memref<128xf32, #tpu.memory_space<vmem>>, vector<16xf32>,
      %swap3A_62 = vector.shape_cast %swap3A_61 : vector<16xf32> to vector<16xf32>
      %swap3A_63 = vector.shape_cast %broadcast_in_dim3A_58 : vector<16xf32> to vector<16xf32>
      tpu.vector_store %arg5[%swap3A], %swap3A_63 {strides = array<i32>} : memref<128xf32, #tpu.memory_space<vmem>>, vector<16xf32>,
    }
    %scan3A_26 = arith.constant 8 : i32
    %mul3A_27 = arith.constant 640 : i32
    %mul3A_28 = arith.muli %arg1, %mul3A_27 : i32
    "tpu.region"() ({
      %run_scoped3A_57 = tpu.sem_alloc : memref<!tpu.dma_semaphore, #tpu.memory_space<semaphore_mem>>
      %dma_start3A = tpu.memref_slice %arg7[%mul3A_28] : memref<10240xf32, #tpu.memory_space<vmem_shared>> -> memref<640xf32, #tpu.memory_space<vmem_shared>>
      %dma_start3A_58 = tpu.memref_slice %arg7[%mul3A_28] : memref<10240xf32, #tpu.memory_space<vmem_shared>> -> memref<640xf32, #tpu.memory_space<vmem_shared>>
      tpu.enqueue_dma source(%arg6 : memref<640xf32, #tpu.memory_space<vmem>>) target(%dma_start3A_58 : memref<640xf32, #tpu.memory_space<vmem_shared>>) target_semaphore(%run_scoped3A_57 : memref<!tpu.dma_semaphore, #tpu.memory_space<semaphore_mem>>)
      %dma_wait3A = tpu.memref_slice %arg7[%mul3A_28] : memref<10240xf32, #tpu.memory_space<vmem_shared>> -> memref<640xf32, #tpu.memory_space<vmem_shared>>
      %dma_wait3A_59 = tpu.memref_slice %arg7[%mul3A_28] : memref<10240xf32, #tpu.memory_space<vmem_shared>> -> memref<640xf32, #tpu.memory_space<vmem_shared>>
      tpu.wait_dma2 semaphore(%run_scoped3A_57 : memref<!tpu.dma_semaphore, #tpu.memory_space<semaphore_mem>>) src(%arg6 : memref<640xf32, #tpu.memory_space<vmem>>) dst(%dma_wait3A_59 : memref<640xf32, #tpu.memory_space<vmem_shared>>)
      tpu.yield
    }) : () -> ()
    %barrier3A = arith.constant 0 : index
    tpu.barrier barrier_id(%barrier3A)
    %run_scoped3A = arith.constant 1 : i32
    "tpu.region"() ({
      %run_scoped3A_57 = tpu.sem_alloc : memref<!tpu.dma_semaphore, #tpu.memory_space<semaphore_mem>>
      %dma_start3A = arith.constant 0 : i32
      %dma_start3A_58 = tpu.memref_slice %arg2[%run_scoped3A, %select_n3A_6, %dma_start3A] : memref<2x2500x128xi32, #tpu.memory_space<hbm>> -> memref<1x40x128xi32, #tpu.memory_space<hbm>>
      %dma_start3A_59 = tpu.memref_squeeze %dma_start3A_58 : memref<1x40x128xi32, #tpu.memory_space<hbm>> -> memref<40x128xi32, #tpu.memory_space<hbm>>
      %dma_start3A_60 = arith.constant 0 : i32
      %dma_start3A_61 = tpu.memref_slice %arg2[%run_scoped3A, %select_n3A_6, %dma_start3A_60] : memref<2x2500x128xi32, #tpu.memory_space<hbm>> -> memref<1x40x128xi32, #tpu.memory_space<hbm>>
      %dma_start3A_62 = tpu.memref_squeeze %dma_start3A_61 : memref<1x40x128xi32, #tpu.memory_space<hbm>> -> memref<40x128xi32, #tpu.memory_space<hbm>>
      tpu.enqueue_dma source(%dma_start3A_62 : memref<40x128xi32, #tpu.memory_space<hbm>>) target(%arg4 : memref<40x128xi32, #tpu.memory_space<vmem>>) target_semaphore(%run_scoped3A_57 : memref<!tpu.dma_semaphore, #tpu.memory_space<semaphore_mem>>)
      %dma_wait3A = arith.constant 0 : i32
      %dma_wait3A_63 = tpu.memref_slice %arg2[%run_scoped3A, %select_n3A_6, %dma_wait3A] : memref<2x2500x128xi32, #tpu.memory_space<hbm>> -> memref<1x40x128xi32, #tpu.memory_space<hbm>>
      %dma_wait3A_64 = tpu.memref_squeeze %dma_wait3A_63 : memref<1x40x128xi32, #tpu.memory_space<hbm>> -> memref<40x128xi32, #tpu.memory_space<hbm>>
      %dma_wait3A_65 = arith.constant 0 : i32
      %dma_wait3A_66 = tpu.memref_slice %arg2[%run_scoped3A, %select_n3A_6, %dma_wait3A_65] : memref<2x2500x128xi32, #tpu.memory_space<hbm>> -> memref<1x40x128xi32, #tpu.memory_space<hbm>>
      %dma_wait3A_67 = tpu.memref_squeeze %dma_wait3A_66 : memref<1x40x128xi32, #tpu.memory_space<hbm>> -> memref<40x128xi32, #tpu.memory_space<hbm>>
      tpu.wait_dma2 semaphore(%run_scoped3A_57 : memref<!tpu.dma_semaphore, #tpu.memory_space<semaphore_mem>>) src(%dma_wait3A_67 : memref<40x128xi32, #tpu.memory_space<hbm>>) dst(%arg4 : memref<40x128xi32, #tpu.memory_space<vmem>>)
      tpu.yield
    }) : () -> ()
    %scan3A_29 = arith.constant 0 : i32
    %scan3A_30 = arith.constant 0 : i32
    %scan3A_31 = arith.constant 40 : i32
    %scan3A_32 = arith.addi %scan3A_30, %scan3A_31 : i32
    %scan3A_33 = arith.constant 1 : i32
    scf.for %scan3A_57 = %scan3A_30 to %scan3A_32 step %scan3A_33  : i32 {
      "tpu.region"() ({
        %run_scoped3A_58 = tpu.sem_alloc : memref<!tpu.dma_semaphore, #tpu.memory_space<semaphore_mem>>
        %dma_start3A = arith.constant 0 : i32
        %dma_start3A_59 = tpu.memref_slice %arg4[%scan3A_57, %dma_start3A] : memref<40x128xi32, #tpu.memory_space<vmem>> -> memref<1x128xi32, #tpu.memory_space<vmem>>
        %dma_start3A_60 = tpu.memref_squeeze %dma_start3A_59 : memref<1x128xi32, #tpu.memory_space<vmem>> -> memref<128xi32, #tpu.memory_space<vmem>>
        %dma_start3A_61 = arith.constant 0 : i32
        %dma_start3A_62 = tpu.memref_slice %arg7[%dma_start3A_61] : memref<10240xf32, #tpu.memory_space<vmem_shared>> -> memref<10240xf32, #tpu.memory_space<vmem_shared>>
        tpu.enqueue_indirect_dma source(%arg5 : memref<128xf32, #tpu.memory_space<vmem>>) target(%dma_start3A_62 : memref<10240xf32, #tpu.memory_space<vmem_shared>>) offsets(%dma_start3A_60 : memref<128xi32, #tpu.memory_space<vmem>>) semaphore(%run_scoped3A_58 : memref<!tpu.dma_semaphore, #tpu.memory_space<semaphore_mem>>) {add = true}
        %dma_wait3A = arith.constant 0 : i32
        %dma_wait3A_63 = tpu.memref_slice %arg4[%scan3A_57, %dma_wait3A] : memref<40x128xi32, #tpu.memory_space<vmem>> -> memref<1x128xi32, #tpu.memory_space<vmem>>
        %dma_wait3A_64 = tpu.memref_squeeze %dma_wait3A_63 : memref<1x128xi32, #tpu.memory_space<vmem>> -> memref<128xi32, #tpu.memory_space<vmem>>
        %dma_wait3A_65 = arith.constant 0 : i32
        %dma_wait3A_66 = tpu.memref_slice %arg7[%dma_wait3A_65] : memref<10240xf32, #tpu.memory_space<vmem_shared>> -> memref<10240xf32, #tpu.memory_space<vmem_shared>>
        tpu.wait_indirect_dma semaphore(%run_scoped3A_58 : memref<!tpu.dma_semaphore, #tpu.memory_space<semaphore_mem>>) src(%arg5 : memref<128xf32, #tpu.memory_space<vmem>>) dst(%dma_wait3A_66 : memref<10240xf32, #tpu.memory_space<vmem_shared>>)
        tpu.yield
      }) : () -> ()
    }
    %scan3A_34 = arith.constant 40 : i32
    %add3A_35 = arith.addi %select_n3A_6, %select_n3A_15 : i32
    %sub3A = arith.constant 40 : i32
    %sub3A_36 = arith.subi %add3A_35, %sub3A : i32
    %run_scoped3A_37 = arith.constant 1 : i32
    "tpu.region"() ({
      %run_scoped3A_57 = tpu.sem_alloc : memref<!tpu.dma_semaphore, #tpu.memory_space<semaphore_mem>>
      %dma_start3A = arith.constant 0 : i32
      %dma_start3A_58 = tpu.memref_slice %arg2[%run_scoped3A_37, %sub3A_36, %dma_start3A] : memref<2x2500x128xi32, #tpu.memory_space<hbm>> -> memref<1x40x128xi32, #tpu.memory_space<hbm>>
      %dma_start3A_59 = tpu.memref_squeeze %dma_start3A_58 : memref<1x40x128xi32, #tpu.memory_space<hbm>> -> memref<40x128xi32, #tpu.memory_space<hbm>>
      %dma_start3A_60 = arith.constant 0 : i32
      %dma_start3A_61 = tpu.memref_slice %arg2[%run_scoped3A_37, %sub3A_36, %dma_start3A_60] : memref<2x2500x128xi32, #tpu.memory_space<hbm>> -> memref<1x40x128xi32, #tpu.memory_space<hbm>>
      %dma_start3A_62 = tpu.memref_squeeze %dma_start3A_61 : memref<1x40x128xi32, #tpu.memory_space<hbm>> -> memref<40x128xi32, #tpu.memory_space<hbm>>
      tpu.enqueue_dma source(%dma_start3A_62 : memref<40x128xi32, #tpu.memory_space<hbm>>) target(%arg4 : memref<40x128xi32, #tpu.memory_space<vmem>>) target_semaphore(%run_scoped3A_57 : memref<!tpu.dma_semaphore, #tpu.memory_space<semaphore_mem>>)
      %dma_wait3A = arith.constant 0 : i32
      %dma_wait3A_63 = tpu.memref_slice %arg2[%run_scoped3A_37, %sub3A_36, %dma_wait3A] : memref<2x2500x128xi32, #tpu.memory_space<hbm>> -> memref<1x40x128xi32, #tpu.memory_space<hbm>>
      %dma_wait3A_64 = tpu.memref_squeeze %dma_wait3A_63 : memref<1x40x128xi32, #tpu.memory_space<hbm>> -> memref<40x128xi32, #tpu.memory_space<hbm>>
      %dma_wait3A_65 = arith.constant 0 : i32
      %dma_wait3A_66 = tpu.memref_slice %arg2[%run_scoped3A_37, %sub3A_36, %dma_wait3A_65] : memref<2x2500x128xi32, #tpu.memory_space<hbm>> -> memref<1x40x128xi32, #tpu.memory_space<hbm>>
      %dma_wait3A_67 = tpu.memref_squeeze %dma_wait3A_66 : memref<1x40x128xi32, #tpu.memory_space<hbm>> -> memref<40x128xi32, #tpu.memory_space<hbm>>
      tpu.wait_dma2 semaphore(%run_scoped3A_57 : memref<!tpu.dma_semaphore, #tpu.memory_space<semaphore_mem>>) src(%dma_wait3A_67 : memref<40x128xi32, #tpu.memory_space<hbm>>) dst(%arg4 : memref<40x128xi32, #tpu.memory_space<vmem>>)
      tpu.yield
    }) : () -> ()
    %sub3A_38 = arith.constant 80 : i32
    %sub3A_39 = arith.subi %sub3A_38, %select_n3A_15 : i32
    %while3A = arith.constant 0 : i32
    %while3A_40 = arith.constant 40 : i32
    %while3A_41 = arith.subi %while3A_40, %sub3A_39 : i32
    %while3A_42 = arith.addi %sub3A_39, %while3A_41 : i32
    %while3A_43 = arith.constant 1 : i32
    %while3A_44 = arith.divsi %while3A_41, %while3A_43 : i32
    %while3A_45 = arith.muli %while3A_44, %while3A_43 : i32
    %while3A_46 = arith.addi %sub3A_39, %while3A_45 : i32
    %while3A_47 = arith.constant 1 : i32
    scf.for %while3A_57 = %sub3A_39 to %while3A_46 step %while3A_47  : i32 {
      "tpu.region"() ({
        %run_scoped3A_58 = tpu.sem_alloc : memref<!tpu.dma_semaphore, #tpu.memory_space<semaphore_mem>>
        %dma_start3A = arith.constant 0 : i32
        %dma_start3A_59 = tpu.memref_slice %arg4[%while3A_57, %dma_start3A] : memref<40x128xi32, #tpu.memory_space<vmem>> -> memref<1x128xi32, #tpu.memory_space<vmem>>
        %dma_start3A_60 = tpu.memref_squeeze %dma_start3A_59 : memref<1x128xi32, #tpu.memory_space<vmem>> -> memref<128xi32, #tpu.memory_space<vmem>>
        %dma_start3A_61 = arith.constant 0 : i32
        %dma_start3A_62 = tpu.memref_slice %arg7[%dma_start3A_61] : memref<10240xf32, #tpu.memory_space<vmem_shared>> -> memref<10240xf32, #tpu.memory_space<vmem_shared>>
        tpu.enqueue_indirect_dma source(%arg5 : memref<128xf32, #tpu.memory_space<vmem>>) target(%dma_start3A_62 : memref<10240xf32, #tpu.memory_space<vmem_shared>>) offsets(%dma_start3A_60 : memref<128xi32, #tpu.memory_space<vmem>>) semaphore(%run_scoped3A_58 : memref<!tpu.dma_semaphore, #tpu.memory_space<semaphore_mem>>) {add = true}
        %dma_wait3A = arith.constant 0 : i32
        %dma_wait3A_63 = tpu.memref_slice %arg4[%while3A_57, %dma_wait3A] : memref<40x128xi32, #tpu.memory_space<vmem>> -> memref<1x128xi32, #tpu.memory_space<vmem>>
        %dma_wait3A_64 = tpu.memref_squeeze %dma_wait3A_63 : memref<1x128xi32, #tpu.memory_space<vmem>> -> memref<128xi32, #tpu.memory_space<vmem>>
        %dma_wait3A_65 = arith.constant 0 : i32
        %dma_wait3A_66 = tpu.memref_slice %arg7[%dma_wait3A_65] : memref<10240xf32, #tpu.memory_space<vmem_shared>> -> memref<10240xf32, #tpu.memory_space<vmem_shared>>
        tpu.wait_indirect_dma semaphore(%run_scoped3A_58 : memref<!tpu.dma_semaphore, #tpu.memory_space<semaphore_mem>>) src(%arg5 : memref<128xf32, #tpu.memory_space<vmem>>) dst(%dma_wait3A_66 : memref<10240xf32, #tpu.memory_space<vmem_shared>>)
        tpu.yield
      }) : () -> ()
    }
    %while3A_48 = arith.constant 1 : i32
    scf.for %while3A_57 = %while3A_46 to %while3A_42 step %while3A_48  : i32 {
      "tpu.region"() ({
        %run_scoped3A_58 = tpu.sem_alloc : memref<!tpu.dma_semaphore, #tpu.memory_space<semaphore_mem>>
        %dma_start3A = arith.constant 0 : i32
        %dma_start3A_59 = tpu.memref_slice %arg4[%while3A_57, %dma_start3A] : memref<40x128xi32, #tpu.memory_space<vmem>> -> memref<1x128xi32, #tpu.memory_space<vmem>>
        %dma_start3A_60 = tpu.memref_squeeze %dma_start3A_59 : memref<1x128xi32, #tpu.memory_space<vmem>> -> memref<128xi32, #tpu.memory_space<vmem>>
        %dma_start3A_61 = arith.constant 0 : i32
        %dma_start3A_62 = tpu.memref_slice %arg7[%dma_start3A_61] : memref<10240xf32, #tpu.memory_space<vmem_shared>> -> memref<10240xf32, #tpu.memory_space<vmem_shared>>
        tpu.enqueue_indirect_dma source(%arg5 : memref<128xf32, #tpu.memory_space<vmem>>) target(%dma_start3A_62 : memref<10240xf32, #tpu.memory_space<vmem_shared>>) offsets(%dma_start3A_60 : memref<128xi32, #tpu.memory_space<vmem>>) semaphore(%run_scoped3A_58 : memref<!tpu.dma_semaphore, #tpu.memory_space<semaphore_mem>>) {add = true}
        %dma_wait3A = arith.constant 0 : i32
        %dma_wait3A_63 = tpu.memref_slice %arg4[%while3A_57, %dma_wait3A] : memref<40x128xi32, #tpu.memory_space<vmem>> -> memref<1x128xi32, #tpu.memory_space<vmem>>
        %dma_wait3A_64 = tpu.memref_squeeze %dma_wait3A_63 : memref<1x128xi32, #tpu.memory_space<vmem>> -> memref<128xi32, #tpu.memory_space<vmem>>
        %dma_wait3A_65 = arith.constant 0 : i32
        %dma_wait3A_66 = tpu.memref_slice %arg7[%dma_wait3A_65] : memref<10240xf32, #tpu.memory_space<vmem_shared>> -> memref<10240xf32, #tpu.memory_space<vmem_shared>>
        tpu.wait_indirect_dma semaphore(%run_scoped3A_58 : memref<!tpu.dma_semaphore, #tpu.memory_space<semaphore_mem>>) src(%arg5 : memref<128xf32, #tpu.memory_space<vmem>>) dst(%dma_wait3A_66 : memref<10240xf32, #tpu.memory_space<vmem_shared>>)
        tpu.yield
      }) : () -> ()
    }
    %eq3A_49 = arith.constant 31 : i32
    %eq3A_50 = arith.cmpi eq, %add3A, %eq3A_49 : i32
    %convert_element_type3A = arith.extui %eq3A_50 : i1 to i32
    %cond3A = arith.constant 0 : i32
    %cond3A_51 = arith.cmpi ne, %convert_element_type3A, %cond3A : i32
    scf.if %cond3A_51 {
      %run_scoped3A_57 = arith.constant 1 : i32
      "tpu.region"() ({
        %run_scoped3A_64 = tpu.sem_alloc : memref<!tpu.dma_semaphore, #tpu.memory_space<semaphore_mem>>
        %dma_start3A = arith.constant 0 : i32
        %dma_start3A_65 = arith.constant 0 : i32
        %dma_start3A_66 = tpu.memref_slice %arg4[%dma_start3A, %dma_start3A_65] : memref<40x128xi32, #tpu.memory_space<vmem>> -> memref<4x128xi32, #tpu.memory_space<vmem>>
        %dma_start3A_67 = arith.constant 2496 : i32
        %dma_start3A_68 = arith.constant 0 : i32
        %dma_start3A_69 = tpu.memref_slice %arg2[%run_scoped3A_57, %dma_start3A_67, %dma_start3A_68] : memref<2x2500x128xi32, #tpu.memory_space<hbm>> -> memref<1x4x128xi32, #tpu.memory_space<hbm>>
        %dma_start3A_70 = tpu.memref_squeeze %dma_start3A_69 : memref<1x4x128xi32, #tpu.memory_space<hbm>> -> memref<4x128xi32, #tpu.memory_space<hbm>>
        %dma_start3A_71 = arith.constant 0 : i32
        %dma_start3A_72 = arith.constant 0 : i32
        %dma_start3A_73 = tpu.memref_slice %arg4[%dma_start3A_71, %dma_start3A_72] : memref<40x128xi32, #tpu.memory_space<vmem>> -> memref<4x128xi32, #tpu.memory_space<vmem>>
        %dma_start3A_74 = arith.constant 2496 : i32
        %dma_start3A_75 = arith.constant 0 : i32
        %dma_start3A_76 = tpu.memref_slice %arg2[%run_scoped3A_57, %dma_start3A_74, %dma_start3A_75] : memref<2x2500x128xi32, #tpu.memory_space<hbm>> -> memref<1x4x128xi32, #tpu.memory_space<hbm>>
        %dma_start3A_77 = tpu.memref_squeeze %dma_start3A_76 : memref<1x4x128xi32, #tpu.memory_space<hbm>> -> memref<4x128xi32, #tpu.memory_space<hbm>>
        tpu.enqueue_dma source(%dma_start3A_77 : memref<4x128xi32, #tpu.memory_space<hbm>>) target(%dma_start3A_73 : memref<4x128xi32, #tpu.memory_space<vmem>>) target_semaphore(%run_scoped3A_64 : memref<!tpu.dma_semaphore, #tpu.memory_space<semaphore_mem>>)
        %dma_wait3A = arith.constant 0 : i32
        %dma_wait3A_78 = arith.constant 0 : i32
        %dma_wait3A_79 = tpu.memref_slice %arg4[%dma_wait3A, %dma_wait3A_78] : memref<40x128xi32, #tpu.memory_space<vmem>> -> memref<4x128xi32, #tpu.memory_space<vmem>>
        %dma_wait3A_80 = arith.constant 2496 : i32
        %dma_wait3A_81 = arith.constant 0 : i32
        %dma_wait3A_82 = tpu.memref_slice %arg2[%run_scoped3A_57, %dma_wait3A_80, %dma_wait3A_81] : memref<2x2500x128xi32, #tpu.memory_space<hbm>> -> memref<1x4x128xi32, #tpu.memory_space<hbm>>
        %dma_wait3A_83 = tpu.memref_squeeze %dma_wait3A_82 : memref<1x4x128xi32, #tpu.memory_space<hbm>> -> memref<4x128xi32, #tpu.memory_space<hbm>>
        %dma_wait3A_84 = arith.constant 0 : i32
        %dma_wait3A_85 = arith.constant 0 : i32
        %dma_wait3A_86 = tpu.memref_slice %arg4[%dma_wait3A_84, %dma_wait3A_85] : memref<40x128xi32, #tpu.memory_space<vmem>> -> memref<4x128xi32, #tpu.memory_space<vmem>>
        %dma_wait3A_87 = arith.constant 2496 : i32
        %dma_wait3A_88 = arith.constant 0 : i32
        %dma_wait3A_89 = tpu.memref_slice %arg2[%run_scoped3A_57, %dma_wait3A_87, %dma_wait3A_88] : memref<2x2500x128xi32, #tpu.memory_space<hbm>> -> memref<1x4x128xi32, #tpu.memory_space<hbm>>
        %dma_wait3A_90 = tpu.memref_squeeze %dma_wait3A_89 : memref<1x4x128xi32, #tpu.memory_space<hbm>> -> memref<4x128xi32, #tpu.memory_space<hbm>>
        tpu.wait_dma2 semaphore(%run_scoped3A_64 : memref<!tpu.dma_semaphore, #tpu.memory_space<semaphore_mem>>) src(%dma_wait3A_90 : memref<4x128xi32, #tpu.memory_space<hbm>>) dst(%dma_wait3A_86 : memref<4x128xi32, #tpu.memory_space<vmem>>)
        tpu.yield
      }) : () -> ()
      %scan3A_58 = arith.constant 0 : i32
      %scan3A_59 = arith.constant 0 : i32
      %scan3A_60 = arith.constant 4 : i32
      %scan3A_61 = arith.addi %scan3A_59, %scan3A_60 : i32
      %scan3A_62 = arith.constant 1 : i32
      scf.for %scan3A_64 = %scan3A_59 to %scan3A_61 step %scan3A_62  : i32 {
        "tpu.region"() ({
          %run_scoped3A_65 = tpu.sem_alloc : memref<!tpu.dma_semaphore, #tpu.memory_space<semaphore_mem>>
          %dma_start3A = arith.constant 0 : i32
          %dma_start3A_66 = tpu.memref_slice %arg4[%scan3A_64, %dma_start3A] : memref<40x128xi32, #tpu.memory_space<vmem>> -> memref<1x128xi32, #tpu.memory_space<vmem>>
          %dma_start3A_67 = tpu.memref_squeeze %dma_start3A_66 : memref<1x128xi32, #tpu.memory_space<vmem>> -> memref<128xi32, #tpu.memory_space<vmem>>
          %dma_start3A_68 = arith.constant 0 : i32
          %dma_start3A_69 = tpu.memref_slice %arg7[%dma_start3A_68] : memref<10240xf32, #tpu.memory_space<vmem_shared>> -> memref<10240xf32, #tpu.memory_space<vmem_shared>>
          tpu.enqueue_indirect_dma source(%arg5 : memref<128xf32, #tpu.memory_space<vmem>>) target(%dma_start3A_69 : memref<10240xf32, #tpu.memory_space<vmem_shared>>) offsets(%dma_start3A_67 : memref<128xi32, #tpu.memory_space<vmem>>) semaphore(%run_scoped3A_65 : memref<!tpu.dma_semaphore, #tpu.memory_space<semaphore_mem>>) {add = true}
          %dma_wait3A = arith.constant 0 : i32
          %dma_wait3A_70 = tpu.memref_slice %arg4[%scan3A_64, %dma_wait3A] : memref<40x128xi32, #tpu.memory_space<vmem>> -> memref<1x128xi32, #tpu.memory_space<vmem>>
          %dma_wait3A_71 = tpu.memref_squeeze %dma_wait3A_70 : memref<1x128xi32, #tpu.memory_space<vmem>> -> memref<128xi32, #tpu.memory_space<vmem>>
          %dma_wait3A_72 = arith.constant 0 : i32
          %dma_wait3A_73 = tpu.memref_slice %arg7[%dma_wait3A_72] : memref<10240xf32, #tpu.memory_space<vmem_shared>> -> memref<10240xf32, #tpu.memory_space<vmem_shared>>
          tpu.wait_indirect_dma semaphore(%run_scoped3A_65 : memref<!tpu.dma_semaphore, #tpu.memory_space<semaphore_mem>>) src(%arg5 : memref<128xf32, #tpu.memory_space<vmem>>) dst(%dma_wait3A_73 : memref<10240xf32, #tpu.memory_space<vmem_shared>>)
          tpu.yield
        }) : () -> ()
      }
      %scan3A_63 = arith.constant 4 : i32
    } else {
    }
    %barrier3A_52 = arith.constant 0 : index
    tpu.barrier barrier_id(%barrier3A_52)
    %mul3A_53 = arith.constant 640 : i32
    %mul3A_54 = arith.muli %arg1, %mul3A_53 : i32
    "tpu.region"() ({
      %run_scoped3A_57 = tpu.sem_alloc : memref<!tpu.dma_semaphore, #tpu.memory_space<semaphore_mem>>
      %dma_start3A = tpu.memref_slice %arg7[%mul3A_54] : memref<10240xf32, #tpu.memory_space<vmem_shared>> -> memref<640xf32, #tpu.memory_space<vmem_shared>>
      %dma_start3A_58 = tpu.memref_slice %arg7[%mul3A_54] : memref<10240xf32, #tpu.memory_space<vmem_shared>> -> memref<640xf32, #tpu.memory_space<vmem_shared>>
      tpu.enqueue_dma source(%dma_start3A_58 : memref<640xf32, #tpu.memory_space<vmem_shared>>) target(%arg6 : memref<640xf32, #tpu.memory_space<vmem>>) target_semaphore(%run_scoped3A_57 : memref<!tpu.dma_semaphore, #tpu.memory_space<semaphore_mem>>)
      %dma_wait3A = tpu.memref_slice %arg7[%mul3A_54] : memref<10240xf32, #tpu.memory_space<vmem_shared>> -> memref<640xf32, #tpu.memory_space<vmem_shared>>
      %dma_wait3A_59 = tpu.memref_slice %arg7[%mul3A_54] : memref<10240xf32, #tpu.memory_space<vmem_shared>> -> memref<640xf32, #tpu.memory_space<vmem_shared>>
      tpu.wait_dma2 semaphore(%run_scoped3A_57 : memref<!tpu.dma_semaphore, #tpu.memory_space<semaphore_mem>>) src(%dma_wait3A_59 : memref<640xf32, #tpu.memory_space<vmem_shared>>) dst(%arg6 : memref<640xf32, #tpu.memory_space<vmem>>)
      tpu.yield
    }) : () -> ()
    %mul3A_55 = arith.constant 640 : i32
    %mul3A_56 = arith.muli %arg1, %mul3A_55 : i32
    "tpu.region"() ({
      %run_scoped3A_57 = tpu.sem_alloc : memref<!tpu.dma_semaphore, #tpu.memory_space<semaphore_mem>>
      %dma_start3A = tpu.memref_slice %arg3[%arg0, %mul3A_56] : memref<2x10240xf32, #tpu.memory_space<hbm>> -> memref<1x640xf32, #tpu.memory_space<hbm>>
      %dma_start3A_58 = tpu.memref_squeeze %dma_start3A : memref<1x640xf32, #tpu.memory_space<hbm>> -> memref<640xf32, #tpu.memory_space<hbm>>
      %dma_start3A_59 = tpu.memref_slice %arg3[%arg0, %mul3A_56] : memref<2x10240xf32, #tpu.memory_space<hbm>> -> memref<1x640xf32, #tpu.memory_space<hbm>>
      %dma_start3A_60 = tpu.memref_squeeze %dma_start3A_59 : memref<1x640xf32, #tpu.memory_space<hbm>> -> memref<640xf32, #tpu.memory_space<hbm>>
      tpu.enqueue_dma source(%arg6 : memref<640xf32, #tpu.memory_space<vmem>>) target(%dma_start3A_60 : memref<640xf32, #tpu.memory_space<hbm>>) target_semaphore(%run_scoped3A_57 : memref<!tpu.dma_semaphore, #tpu.memory_space<semaphore_mem>>)
      %dma_wait3A = tpu.memref_slice %arg3[%arg0, %mul3A_56] : memref<2x10240xf32, #tpu.memory_space<hbm>> -> memref<1x640xf32, #tpu.memory_space<hbm>>
      %dma_wait3A_61 = tpu.memref_squeeze %dma_wait3A : memref<1x640xf32, #tpu.memory_space<hbm>> -> memref<640xf32, #tpu.memory_space<hbm>>
      %dma_wait3A_62 = tpu.memref_slice %arg3[%arg0, %mul3A_56] : memref<2x10240xf32, #tpu.memory_space<hbm>> -> memref<1x640xf32, #tpu.memory_space<hbm>>
      %dma_wait3A_63 = tpu.memref_squeeze %dma_wait3A_62 : memref<1x640xf32, #tpu.memory_space<hbm>> -> memref<640xf32, #tpu.memory_space<hbm>>
      tpu.wait_dma2 semaphore(%run_scoped3A_57 : memref<!tpu.dma_semaphore, #tpu.memory_space<semaphore_mem>>) src(%arg6 : memref<640xf32, #tpu.memory_space<vmem>>) dst(%dma_wait3A_63 : memref<640xf32, #tpu.memory_space<hbm>>)
      tpu.yield
    }) : () -> ()
    return
  }
}

#map = affine_map<(d0, d1) -> (0, 0)>
#map1 = affine_map<(d0, d1) -> (0, 0, 0)>
module attributes {stable_mosaic.version = 14 : i64} {
  func.func @_hop_body(%arg0: i32, %arg1: i32, %arg2: memref<10000x128xf32, #tpu.memory_space<hbm>>, %arg3: memref<10240x128xf32, #tpu.memory_space<hbm>>, %arg4: memref<2x2500x128xi32, #tpu.memory_space<hbm>>, %arg5: memref<2x10240x128xf32, #tpu.memory_space<hbm>>, %arg6: memref<40x128xi32, #tpu.memory_space<vmem>>, %arg7: memref<40x128xi32, #tpu.memory_space<vmem>>, %arg8: memref<128x128xf32, #tpu.memory_space<vmem>>, %arg9: memref<128x128xf32, #tpu.memory_space<vmem>>, %arg10: memref<10240x128xf32, #tpu.memory_space<vmem_shared>>, %arg11: memref<!tpu.dma_semaphore, #tpu.memory_space<semaphore_mem>>, %arg12: memref<!tpu.dma_semaphore, #tpu.memory_space<semaphore_mem>>) attributes {dimension_semantics = [#tpu.dimension_semantics<core_parallel>, #tpu.dimension_semantics<subcore_parallel>], iteration_bounds = array<i64: 2, 16>, scalar_prefetch = 0 : i64, scratch_operands = 7 : i64, tpu.core_type = #tpu.core_type<sc_vector_subcore>, window_params = [{transform_indices = #map}, {transform_indices = #map}, {transform_indices = #map1}, {transform_indices = #map1}]} {
    %mul3A = arith.constant 16 : i32
    %mul3A_0 = arith.muli %arg0, %mul3A : i32
    %add3A = arith.addi %mul3A_0, %arg1 : i32
    %lt3A = arith.constant 30 : i32
    %lt3A_1 = arith.cmpi slt, %add3A, %lt3A : i32
    %mul3A_2 = arith.constant 80 : i32
    %mul3A_3 = arith.muli %mul3A_2, %add3A : i32
    %eq3A = arith.constant 30 : i32
    %eq3A_4 = arith.cmpi eq, %add3A, %eq3A : i32
    %jit3A = arith.constant 2400 : i32
    %jit3A_5 = arith.constant 2456 : i32
    %select_n3A = arith.select %eq3A_4, %jit3A, %jit3A_5 : i32
    %select_n3A_6 = arith.select %lt3A_1, %mul3A_3, %select_n3A : i32
    %lt3A_7 = arith.constant 30 : i32
    %lt3A_8 = arith.cmpi slt, %add3A, %lt3A_7 : i32
    %eq3A_9 = arith.constant 30 : i32
    %eq3A_10 = arith.cmpi eq, %add3A, %eq3A_9 : i32
    %jit3A_11 = arith.constant 56 : i32
    %jit3A_12 = arith.constant 40 : i32
    %select_n3A_13 = arith.select %eq3A_10, %jit3A_11, %jit3A_12 : i32
    %jit3A_14 = arith.constant 80 : i32
    %select_n3A_15 = arith.select %lt3A_8, %jit3A_14, %select_n3A_13 : i32
    %mul3A_16 = arith.constant 640 : i32
    %mul3A_17 = arith.muli %arg1, %mul3A_16 : i32
    %mul3A_18 = arith.constant 640 : i32
    %mul3A_19 = arith.muli %arg1, %mul3A_18 : i32
    "tpu.region"() ({
      %run_scoped3A_110 = tpu.sem_alloc : memref<!tpu.dma_semaphore, #tpu.memory_space<semaphore_mem>>
      %dma_start3A = arith.constant 0 : i32
      %dma_start3A_111 = tpu.memref_slice %arg10[%mul3A_19, %dma_start3A] : memref<10240x128xf32, #tpu.memory_space<vmem_shared>> -> memref<640x128xf32, #tpu.memory_space<vmem_shared>>
      %dma_start3A_112 = arith.constant 0 : i32
      %dma_start3A_113 = tpu.memref_slice %arg3[%mul3A_17, %dma_start3A_112] : memref<10240x128xf32, #tpu.memory_space<hbm>> -> memref<640x128xf32, #tpu.memory_space<hbm>>
      tpu.enqueue_dma source(%dma_start3A_113 : memref<640x128xf32, #tpu.memory_space<hbm>>) target(%dma_start3A_111 : memref<640x128xf32, #tpu.memory_space<vmem_shared>>) target_semaphore(%run_scoped3A_110 : memref<!tpu.dma_semaphore, #tpu.memory_space<semaphore_mem>>)
      %dma_wait3A = arith.constant 0 : i32
      %dma_wait3A_114 = tpu.memref_slice %arg10[%mul3A_19, %dma_wait3A] : memref<10240x128xf32, #tpu.memory_space<vmem_shared>> -> memref<640x128xf32, #tpu.memory_space<vmem_shared>>
      %dma_wait3A_115 = arith.constant 0 : i32
      %dma_wait3A_116 = tpu.memref_slice %arg3[%mul3A_17, %dma_wait3A_115] : memref<10240x128xf32, #tpu.memory_space<hbm>> -> memref<640x128xf32, #tpu.memory_space<hbm>>
      tpu.wait_dma2 semaphore(%run_scoped3A_110 : memref<!tpu.dma_semaphore, #tpu.memory_space<semaphore_mem>>) src(%dma_wait3A_116 : memref<640x128xf32, #tpu.memory_space<hbm>>) dst(%dma_wait3A_114 : memref<640x128xf32, #tpu.memory_space<vmem_shared>>)
      tpu.yield
    }) : () -> ()
    %barrier3A = arith.constant 0 : index
    tpu.barrier barrier_id(%barrier3A)
    %run_scoped3A = arith.constant 0 : i32
    "tpu.region"() ({
      %run_scoped3A_110 = tpu.sem_alloc : memref<!tpu.dma_semaphore, #tpu.memory_space<semaphore_mem>>
      %dma_start3A = arith.constant 0 : i32
      %dma_start3A_111 = tpu.memref_slice %arg4[%run_scoped3A, %select_n3A_6, %dma_start3A] : memref<2x2500x128xi32, #tpu.memory_space<hbm>> -> memref<1x40x128xi32, #tpu.memory_space<hbm>>
      %dma_start3A_112 = tpu.memref_squeeze %dma_start3A_111 : memref<1x40x128xi32, #tpu.memory_space<hbm>> -> memref<40x128xi32, #tpu.memory_space<hbm>>
      %dma_start3A_113 = arith.constant 0 : i32
      %dma_start3A_114 = tpu.memref_slice %arg4[%run_scoped3A, %select_n3A_6, %dma_start3A_113] : memref<2x2500x128xi32, #tpu.memory_space<hbm>> -> memref<1x40x128xi32, #tpu.memory_space<hbm>>
      %dma_start3A_115 = tpu.memref_squeeze %dma_start3A_114 : memref<1x40x128xi32, #tpu.memory_space<hbm>> -> memref<40x128xi32, #tpu.memory_space<hbm>>
      tpu.enqueue_dma source(%dma_start3A_115 : memref<40x128xi32, #tpu.memory_space<hbm>>) target(%arg6 : memref<40x128xi32, #tpu.memory_space<vmem>>) target_semaphore(%run_scoped3A_110 : memref<!tpu.dma_semaphore, #tpu.memory_space<semaphore_mem>>)
      %dma_wait3A = arith.constant 0 : i32
      %dma_wait3A_116 = tpu.memref_slice %arg4[%run_scoped3A, %select_n3A_6, %dma_wait3A] : memref<2x2500x128xi32, #tpu.memory_space<hbm>> -> memref<1x40x128xi32, #tpu.memory_space<hbm>>
      %dma_wait3A_117 = tpu.memref_squeeze %dma_wait3A_116 : memref<1x40x128xi32, #tpu.memory_space<hbm>> -> memref<40x128xi32, #tpu.memory_space<hbm>>
      %dma_wait3A_118 = arith.constant 0 : i32
      %dma_wait3A_119 = tpu.memref_slice %arg4[%run_scoped3A, %select_n3A_6, %dma_wait3A_118] : memref<2x2500x128xi32, #tpu.memory_space<hbm>> -> memref<1x40x128xi32, #tpu.memory_space<hbm>>
      %dma_wait3A_120 = tpu.memref_squeeze %dma_wait3A_119 : memref<1x40x128xi32, #tpu.memory_space<hbm>> -> memref<40x128xi32, #tpu.memory_space<hbm>>
      tpu.wait_dma2 semaphore(%run_scoped3A_110 : memref<!tpu.dma_semaphore, #tpu.memory_space<semaphore_mem>>) src(%dma_wait3A_120 : memref<40x128xi32, #tpu.memory_space<hbm>>) dst(%arg6 : memref<40x128xi32, #tpu.memory_space<vmem>>)
      tpu.yield
    }) : () -> ()
    %run_scoped3A_20 = arith.constant 1 : i32
    "tpu.region"() ({
      %run_scoped3A_110 = tpu.sem_alloc : memref<!tpu.dma_semaphore, #tpu.memory_space<semaphore_mem>>
      %dma_start3A = arith.constant 0 : i32
      %dma_start3A_111 = tpu.memref_slice %arg4[%run_scoped3A_20, %select_n3A_6, %dma_start3A] : memref<2x2500x128xi32, #tpu.memory_space<hbm>> -> memref<1x40x128xi32, #tpu.memory_space<hbm>>
      %dma_start3A_112 = tpu.memref_squeeze %dma_start3A_111 : memref<1x40x128xi32, #tpu.memory_space<hbm>> -> memref<40x128xi32, #tpu.memory_space<hbm>>
      %dma_start3A_113 = arith.constant 0 : i32
      %dma_start3A_114 = tpu.memref_slice %arg4[%run_scoped3A_20, %select_n3A_6, %dma_start3A_113] : memref<2x2500x128xi32, #tpu.memory_space<hbm>> -> memref<1x40x128xi32, #tpu.memory_space<hbm>>
      %dma_start3A_115 = tpu.memref_squeeze %dma_start3A_114 : memref<1x40x128xi32, #tpu.memory_space<hbm>> -> memref<40x128xi32, #tpu.memory_space<hbm>>
      tpu.enqueue_dma source(%dma_start3A_115 : memref<40x128xi32, #tpu.memory_space<hbm>>) target(%arg7 : memref<40x128xi32, #tpu.memory_space<vmem>>) target_semaphore(%run_scoped3A_110 : memref<!tpu.dma_semaphore, #tpu.memory_space<semaphore_mem>>)
      %dma_wait3A = arith.constant 0 : i32
      %dma_wait3A_116 = tpu.memref_slice %arg4[%run_scoped3A_20, %select_n3A_6, %dma_wait3A] : memref<2x2500x128xi32, #tpu.memory_space<hbm>> -> memref<1x40x128xi32, #tpu.memory_space<hbm>>
      %dma_wait3A_117 = tpu.memref_squeeze %dma_wait3A_116 : memref<1x40x128xi32, #tpu.memory_space<hbm>> -> memref<40x128xi32, #tpu.memory_space<hbm>>
      %dma_wait3A_118 = arith.constant 0 : i32
      %dma_wait3A_119 = tpu.memref_slice %arg4[%run_scoped3A_20, %select_n3A_6, %dma_wait3A_118] : memref<2x2500x128xi32, #tpu.memory_space<hbm>> -> memref<1x40x128xi32, #tpu.memory_space<hbm>>
      %dma_wait3A_120 = tpu.memref_squeeze %dma_wait3A_119 : memref<1x40x128xi32, #tpu.memory_space<hbm>> -> memref<40x128xi32, #tpu.memory_space<hbm>>
      tpu.wait_dma2 semaphore(%run_scoped3A_110 : memref<!tpu.dma_semaphore, #tpu.memory_space<semaphore_mem>>) src(%dma_wait3A_120 : memref<40x128xi32, #tpu.memory_space<hbm>>) dst(%arg7 : memref<40x128xi32, #tpu.memory_space<vmem>>)
      tpu.yield
    }) : () -> ()
    %lt3A_21 = arith.constant 0 : i32
    %lt3A_22 = arith.constant 40 : i32
    %lt3A_23 = arith.cmpi slt, %lt3A_21, %lt3A_22 : i32
    %convert_element_type3A = arith.extui %lt3A_23 : i1 to i32
    %cond3A = arith.constant 0 : i32
    %cond3A_24 = arith.constant 0 : i32
    %cond3A_25 = arith.cmpi ne, %convert_element_type3A, %cond3A_24 : i32
    scf.if %cond3A_25 {
      %dma_start3A = arith.constant 0 : i32
      %dma_start3A_110 = tpu.memref_slice %arg6[%cond3A, %dma_start3A] : memref<40x128xi32, #tpu.memory_space<vmem>> -> memref<1x128xi32, #tpu.memory_space<vmem>>
      %dma_start3A_111 = tpu.memref_squeeze %dma_start3A_110 : memref<1x128xi32, #tpu.memory_space<vmem>> -> memref<128xi32, #tpu.memory_space<vmem>>
      %dma_start3A_112 = arith.constant 0 : i32
      %dma_start3A_113 = arith.constant 0 : i32
      %dma_start3A_114 = tpu.memref_slice %arg2[%dma_start3A_112, %dma_start3A_113] : memref<10000x128xf32, #tpu.memory_space<hbm>> -> memref<10000x128xf32, #tpu.memory_space<hbm>>
      tpu.enqueue_indirect_dma source(%dma_start3A_114 : memref<10000x128xf32, #tpu.memory_space<hbm>>) target(%arg8 : memref<128x128xf32, #tpu.memory_space<vmem>>) offsets(%dma_start3A_111 : memref<128xi32, #tpu.memory_space<vmem>>) semaphore(%arg11 : memref<!tpu.dma_semaphore, #tpu.memory_space<semaphore_mem>>)
    } else {
    }
    %jit3A_26 = arith.constant 0 : i32
    %jit3A_27 = arith.constant 2 : i32
    %div3A = arith.divsi %jit3A_26, %jit3A_27 : i32
    %sign3A = arith.constant 0 : i32
    %sign3A_28 = arith.cmpi sgt, %jit3A_26, %sign3A : i32
    %sign3A_29 = arith.extui %sign3A_28 : i1 to i32
    %sign3A_30 = arith.constant 0 : i32
    %sign3A_31 = arith.cmpi slt, %jit3A_26, %sign3A_30 : i32
    %sign3A_32 = arith.extui %sign3A_31 : i1 to i32
    %sign3A_33 = arith.subi %sign3A_29, %sign3A_32 : i32
    %sign3A_34 = arith.constant 0 : i32
    %sign3A_35 = arith.cmpi sgt, %jit3A_27, %sign3A_34 : i32
    %sign3A_36 = arith.extui %sign3A_35 : i1 to i32
    %sign3A_37 = arith.constant 0 : i32
    %sign3A_38 = arith.cmpi slt, %jit3A_27, %sign3A_37 : i32
    %sign3A_39 = arith.extui %sign3A_38 : i1 to i32
    %sign3A_40 = arith.subi %sign3A_36, %sign3A_39 : i32
    %ne3A = arith.cmpi ne, %sign3A_33, %sign3A_40 : i32
    %rem3A = arith.remsi %jit3A_26, %jit3A_27 : i32
    %ne3A_41 = arith.constant 0 : i32
    %ne3A_42 = arith.cmpi ne, %rem3A, %ne3A_41 : i32
    %and3A = arith.andi %ne3A, %ne3A_42 : i1
    %sub3A = arith.constant 1 : i32
    %sub3A_43 = arith.subi %div3A, %sub3A : i32
    %select_n3A_44 = arith.select %and3A, %sub3A_43, %div3A : i32
    %while3A = arith.constant 0 : i32
    %while3A_45 = arith.constant 20 : i32
    %while3A_46 = arith.subi %while3A_45, %select_n3A_44 : i32
    %while3A_47 = arith.addi %select_n3A_44, %while3A_46 : i32
    %while3A_48 = arith.constant 1 : i32
    %while3A_49 = arith.divsi %while3A_46, %while3A_48 : i32
    %while3A_50 = arith.muli %while3A_49, %while3A_48 : i32
    %while3A_51 = arith.addi %select_n3A_44, %while3A_50 : i32
    %while3A_52 = arith.constant 1 : i32
    scf.for %while3A_110 = %select_n3A_44 to %while3A_51 step %while3A_52  : i32 {
      %mul3A_111 = arith.constant 2 : i32
      %mul3A_112 = arith.muli %mul3A_111, %while3A_110 : i32
      %add3A_113 = arith.constant 1 : i32
      %add3A_114 = arith.addi %mul3A_112, %add3A_113 : i32
      %dma_start3A = arith.constant 0 : i32
      %dma_start3A_115 = tpu.memref_slice %arg6[%add3A_114, %dma_start3A] : memref<40x128xi32, #tpu.memory_space<vmem>> -> memref<1x128xi32, #tpu.memory_space<vmem>>
      %dma_start3A_116 = tpu.memref_squeeze %dma_start3A_115 : memref<1x128xi32, #tpu.memory_space<vmem>> -> memref<128xi32, #tpu.memory_space<vmem>>
      %dma_start3A_117 = arith.constant 0 : i32
      %dma_start3A_118 = arith.constant 0 : i32
      %dma_start3A_119 = tpu.memref_slice %arg2[%dma_start3A_117, %dma_start3A_118] : memref<10000x128xf32, #tpu.memory_space<hbm>> -> memref<10000x128xf32, #tpu.memory_space<hbm>>
      tpu.enqueue_indirect_dma source(%dma_start3A_119 : memref<10000x128xf32, #tpu.memory_space<hbm>>) target(%arg9 : memref<128x128xf32, #tpu.memory_space<vmem>>) offsets(%dma_start3A_116 : memref<128xi32, #tpu.memory_space<vmem>>) semaphore(%arg12 : memref<!tpu.dma_semaphore, #tpu.memory_space<semaphore_mem>>)
      %dma_wait3A = arith.constant 0 : i32
      %dma_wait3A_120 = arith.constant 0 : i32
      %dma_wait3A_121 = tpu.memref_slice %arg2[%dma_wait3A, %dma_wait3A_120] : memref<10000x128xf32, #tpu.memory_space<hbm>> -> memref<128x128xf32, #tpu.memory_space<hbm>>
      %dma_wait3A_122 = arith.constant 0 : i32
      %dma_wait3A_123 = arith.constant 0 : i32
      %dma_wait3A_124 = tpu.memref_slice %arg2[%dma_wait3A_122, %dma_wait3A_123] : memref<10000x128xf32, #tpu.memory_space<hbm>> -> memref<128x128xf32, #tpu.memory_space<hbm>>
      tpu.wait_dma2 semaphore(%arg11 : memref<!tpu.dma_semaphore, #tpu.memory_space<semaphore_mem>>) src(%dma_wait3A_124 : memref<128x128xf32, #tpu.memory_space<hbm>>) dst(%arg8 : memref<128x128xf32, #tpu.memory_space<vmem>>)
      "tpu.region"() ({
        %run_scoped3A_140 = tpu.sem_alloc : memref<!tpu.dma_semaphore, #tpu.memory_space<semaphore_mem>>
        %dma_start3A_141 = arith.constant 0 : i32
        %dma_start3A_142 = tpu.memref_slice %arg7[%mul3A_112, %dma_start3A_141] : memref<40x128xi32, #tpu.memory_space<vmem>> -> memref<1x128xi32, #tpu.memory_space<vmem>>
        %dma_start3A_143 = tpu.memref_squeeze %dma_start3A_142 : memref<1x128xi32, #tpu.memory_space<vmem>> -> memref<128xi32, #tpu.memory_space<vmem>>
        %dma_start3A_144 = arith.constant 0 : i32
        %dma_start3A_145 = arith.constant 0 : i32
        %dma_start3A_146 = tpu.memref_slice %arg10[%dma_start3A_144, %dma_start3A_145] : memref<10240x128xf32, #tpu.memory_space<vmem_shared>> -> memref<10240x128xf32, #tpu.memory_space<vmem_shared>>
        tpu.enqueue_indirect_dma source(%arg8 : memref<128x128xf32, #tpu.memory_space<vmem>>) target(%dma_start3A_146 : memref<10240x128xf32, #tpu.memory_space<vmem_shared>>) offsets(%dma_start3A_143 : memref<128xi32, #tpu.memory_space<vmem>>) semaphore(%run_scoped3A_140 : memref<!tpu.dma_semaphore, #tpu.memory_space<semaphore_mem>>) {add = true}
        %dma_wait3A_147 = arith.constant 0 : i32
        %dma_wait3A_148 = tpu.memref_slice %arg7[%mul3A_112, %dma_wait3A_147] : memref<40x128xi32, #tpu.memory_space<vmem>> -> memref<1x128xi32, #tpu.memory_space<vmem>>
        %dma_wait3A_149 = tpu.memref_squeeze %dma_wait3A_148 : memref<1x128xi32, #tpu.memory_space<vmem>> -> memref<128xi32, #tpu.memory_space<vmem>>
        %dma_wait3A_150 = arith.constant 0 : i32
        %dma_wait3A_151 = arith.constant 0 : i32
        %dma_wait3A_152 = tpu.memref_slice %arg10[%dma_wait3A_150, %dma_wait3A_151] : memref<10240x128xf32, #tpu.memory_space<vmem_shared>> -> memref<10240x128xf32, #tpu.memory_space<vmem_shared>>
        tpu.wait_indirect_dma semaphore(%run_scoped3A_140 : memref<!tpu.dma_semaphore, #tpu.memory_space<semaphore_mem>>) src(%arg8 : memref<128x128xf32, #tpu.memory_space<vmem>>) dst(%dma_wait3A_152 : memref<10240x128xf32, #tpu.memory_space<vmem_shared>>)
        tpu.yield
      }) : () -> ()
      %add3A_125 = arith.constant 2 : i32
      %add3A_126 = arith.addi %mul3A_112, %add3A_125 : i32
      %lt3A_127 = arith.constant 40 : i32
      %lt3A_128 = arith.cmpi slt, %add3A_126, %lt3A_127 : i32
      %convert_element_type3A_129 = arith.extui %lt3A_128 : i1 to i32
      %cond3A_130 = arith.constant 0 : i32
      %cond3A_131 = arith.cmpi ne, %convert_element_type3A_129, %cond3A_130 : i32
      scf.if %cond3A_131 {
        %add3A_140 = arith.constant 2 : i32
        %add3A_141 = arith.addi %mul3A_112, %add3A_140 : i32
        %dma_start3A_142 = arith.constant 0 : i32
        %dma_start3A_143 = tpu.memref_slice %arg6[%add3A_141, %dma_start3A_142] : memref<40x128xi32, #tpu.memory_space<vmem>> -> memref<1x128xi32, #tpu.memory_space<vmem>>
        %dma_start3A_144 = tpu.memref_squeeze %dma_start3A_143 : memref<1x128xi32, #tpu.memory_space<vmem>> -> memref<128xi32, #tpu.memory_space<vmem>>
        %dma_start3A_145 = arith.constant 0 : i32
        %dma_start3A_146 = arith.constant 0 : i32
        %dma_start3A_147 = tpu.memref_slice %arg2[%dma_start3A_145, %dma_start3A_146] : memref<10000x128xf32, #tpu.memory_space<hbm>> -> memref<10000x128xf32, #tpu.memory_space<hbm>>
        tpu.enqueue_indirect_dma source(%dma_start3A_147 : memref<10000x128xf32, #tpu.memory_space<hbm>>) target(%arg8 : memref<128x128xf32, #tpu.memory_space<vmem>>) offsets(%dma_start3A_144 : memref<128xi32, #tpu.memory_space<vmem>>) semaphore(%arg11 : memref<!tpu.dma_semaphore, #tpu.memory_space<semaphore_mem>>)
      } else {
      }
      %dma_wait3A_132 = arith.constant 0 : i32
      %dma_wait3A_133 = arith.constant 0 : i32
      %dma_wait3A_134 = tpu.memref_slice %arg2[%dma_wait3A_132, %dma_wait3A_133] : memref<10000x128xf32, #tpu.memory_space<hbm>> -> memref<128x128xf32, #tpu.memory_space<hbm>>
      %dma_wait3A_135 = arith.constant 0 : i32
      %dma_wait3A_136 = arith.constant 0 : i32
      %dma_wait3A_137 = tpu.memref_slice %arg2[%dma_wait3A_135, %dma_wait3A_136] : memref<10000x128xf32, #tpu.memory_space<hbm>> -> memref<128x128xf32, #tpu.memory_space<hbm>>
      tpu.wait_dma2 semaphore(%arg12 : memref<!tpu.dma_semaphore, #tpu.memory_space<semaphore_mem>>) src(%dma_wait3A_137 : memref<128x128xf32, #tpu.memory_space<hbm>>) dst(%arg9 : memref<128x128xf32, #tpu.memory_space<vmem>>)
      %add3A_138 = arith.constant 1 : i32
      %add3A_139 = arith.addi %mul3A_112, %add3A_138 : i32
      "tpu.region"() ({
        %run_scoped3A_140 = tpu.sem_alloc : memref<!tpu.dma_semaphore, #tpu.memory_space<semaphore_mem>>
        %dma_start3A_141 = arith.constant 0 : i32
        %dma_start3A_142 = tpu.memref_slice %arg7[%add3A_139, %dma_start3A_141] : memref<40x128xi32, #tpu.memory_space<vmem>> -> memref<1x128xi32, #tpu.memory_space<vmem>>
        %dma_start3A_143 = tpu.memref_squeeze %dma_start3A_142 : memref<1x128xi32, #tpu.memory_space<vmem>> -> memref<128xi32, #tpu.memory_space<vmem>>
        %dma_start3A_144 = arith.constant 0 : i32
        %dma_start3A_145 = arith.constant 0 : i32
        %dma_start3A_146 = tpu.memref_slice %arg10[%dma_start3A_144, %dma_start3A_145] : memref<10240x128xf32, #tpu.memory_space<vmem_shared>> -> memref<10240x128xf32, #tpu.memory_space<vmem_shared>>
        tpu.enqueue_indirect_dma source(%arg9 : memref<128x128xf32, #tpu.memory_space<vmem>>) target(%dma_start3A_146 : memref<10240x128xf32, #tpu.memory_space<vmem_shared>>) offsets(%dma_start3A_143 : memref<128xi32, #tpu.memory_space<vmem>>) semaphore(%run_scoped3A_140 : memref<!tpu.dma_semaphore, #tpu.memory_space<semaphore_mem>>) {add = true}
        %dma_wait3A_147 = arith.constant 0 : i32
        %dma_wait3A_148 = tpu.memref_slice %arg7[%add3A_139, %dma_wait3A_147] : memref<40x128xi32, #tpu.memory_space<vmem>> -> memref<1x128xi32, #tpu.memory_space<vmem>>
        %dma_wait3A_149 = tpu.memref_squeeze %dma_wait3A_148 : memref<1x128xi32, #tpu.memory_space<vmem>> -> memref<128xi32, #tpu.memory_space<vmem>>
        %dma_wait3A_150 = arith.constant 0 : i32
        %dma_wait3A_151 = arith.constant 0 : i32
        %dma_wait3A_152 = tpu.memref_slice %arg10[%dma_wait3A_150, %dma_wait3A_151] : memref<10240x128xf32, #tpu.memory_space<vmem_shared>> -> memref<10240x128xf32, #tpu.memory_space<vmem_shared>>
        tpu.wait_indirect_dma semaphore(%run_scoped3A_140 : memref<!tpu.dma_semaphore, #tpu.memory_space<semaphore_mem>>) src(%arg9 : memref<128x128xf32, #tpu.memory_space<vmem>>) dst(%dma_wait3A_152 : memref<10240x128xf32, #tpu.memory_space<vmem_shared>>)
        tpu.yield
      }) : () -> ()
    }
    %while3A_53 = arith.constant 1 : i32
    scf.for %while3A_110 = %while3A_51 to %while3A_47 step %while3A_53  : i32 {
      %mul3A_111 = arith.constant 2 : i32
      %mul3A_112 = arith.muli %mul3A_111, %while3A_110 : i32
      %add3A_113 = arith.constant 1 : i32
      %add3A_114 = arith.addi %mul3A_112, %add3A_113 : i32
      %dma_start3A = arith.constant 0 : i32
      %dma_start3A_115 = tpu.memref_slice %arg6[%add3A_114, %dma_start3A] : memref<40x128xi32, #tpu.memory_space<vmem>> -> memref<1x128xi32, #tpu.memory_space<vmem>>
      %dma_start3A_116 = tpu.memref_squeeze %dma_start3A_115 : memref<1x128xi32, #tpu.memory_space<vmem>> -> memref<128xi32, #tpu.memory_space<vmem>>
      %dma_start3A_117 = arith.constant 0 : i32
      %dma_start3A_118 = arith.constant 0 : i32
      %dma_start3A_119 = tpu.memref_slice %arg2[%dma_start3A_117, %dma_start3A_118] : memref<10000x128xf32, #tpu.memory_space<hbm>> -> memref<10000x128xf32, #tpu.memory_space<hbm>>
      tpu.enqueue_indirect_dma source(%dma_start3A_119 : memref<10000x128xf32, #tpu.memory_space<hbm>>) target(%arg9 : memref<128x128xf32, #tpu.memory_space<vmem>>) offsets(%dma_start3A_116 : memref<128xi32, #tpu.memory_space<vmem>>) semaphore(%arg12 : memref<!tpu.dma_semaphore, #tpu.memory_space<semaphore_mem>>)
      %dma_wait3A = arith.constant 0 : i32
      %dma_wait3A_120 = arith.constant 0 : i32
      %dma_wait3A_121 = tpu.memref_slice %arg2[%dma_wait3A, %dma_wait3A_120] : memref<10000x128xf32, #tpu.memory_space<hbm>> -> memref<128x128xf32, #tpu.memory_space<hbm>>
      %dma_wait3A_122 = arith.constant 0 : i32
      %dma_wait3A_123 = arith.constant 0 : i32
      %dma_wait3A_124 = tpu.memref_slice %arg2[%dma_wait3A_122, %dma_wait3A_123] : memref<10000x128xf32, #tpu.memory_space<hbm>> -> memref<128x128xf32, #tpu.memory_space<hbm>>
      tpu.wait_dma2 semaphore(%arg11 : memref<!tpu.dma_semaphore, #tpu.memory_space<semaphore_mem>>) src(%dma_wait3A_124 : memref<128x128xf32, #tpu.memory_space<hbm>>) dst(%arg8 : memref<128x128xf32, #tpu.memory_space<vmem>>)
      "tpu.region"() ({
        %run_scoped3A_140 = tpu.sem_alloc : memref<!tpu.dma_semaphore, #tpu.memory_space<semaphore_mem>>
        %dma_start3A_141 = arith.constant 0 : i32
        %dma_start3A_142 = tpu.memref_slice %arg7[%mul3A_112, %dma_start3A_141] : memref<40x128xi32, #tpu.memory_space<vmem>> -> memref<1x128xi32, #tpu.memory_space<vmem>>
        %dma_start3A_143 = tpu.memref_squeeze %dma_start3A_142 : memref<1x128xi32, #tpu.memory_space<vmem>> -> memref<128xi32, #tpu.memory_space<vmem>>
        %dma_start3A_144 = arith.constant 0 : i32
        %dma_start3A_145 = arith.constant 0 : i32
        %dma_start3A_146 = tpu.memref_slice %arg10[%dma_start3A_144, %dma_start3A_145] : memref<10240x128xf32, #tpu.memory_space<vmem_shared>> -> memref<10240x128xf32, #tpu.memory_space<vmem_shared>>
        tpu.enqueue_indirect_dma source(%arg8 : memref<128x128xf32, #tpu.memory_space<vmem>>) target(%dma_start3A_146 : memref<10240x128xf32, #tpu.memory_space<vmem_shared>>) offsets(%dma_start3A_143 : memref<128xi32, #tpu.memory_space<vmem>>) semaphore(%run_scoped3A_140 : memref<!tpu.dma_semaphore, #tpu.memory_space<semaphore_mem>>) {add = true}
        %dma_wait3A_147 = arith.constant 0 : i32
        %dma_wait3A_148 = tpu.memref_slice %arg7[%mul3A_112, %dma_wait3A_147] : memref<40x128xi32, #tpu.memory_space<vmem>> -> memref<1x128xi32, #tpu.memory_space<vmem>>
        %dma_wait3A_149 = tpu.memref_squeeze %dma_wait3A_148 : memref<1x128xi32, #tpu.memory_space<vmem>> -> memref<128xi32, #tpu.memory_space<vmem>>
        %dma_wait3A_150 = arith.constant 0 : i32
        %dma_wait3A_151 = arith.constant 0 : i32
        %dma_wait3A_152 = tpu.memref_slice %arg10[%dma_wait3A_150, %dma_wait3A_151] : memref<10240x128xf32, #tpu.memory_space<vmem_shared>> -> memref<10240x128xf32, #tpu.memory_space<vmem_shared>>
        tpu.wait_indirect_dma semaphore(%run_scoped3A_140 : memref<!tpu.dma_semaphore, #tpu.memory_space<semaphore_mem>>) src(%arg8 : memref<128x128xf32, #tpu.memory_space<vmem>>) dst(%dma_wait3A_152 : memref<10240x128xf32, #tpu.memory_space<vmem_shared>>)
        tpu.yield
      }) : () -> ()
      %add3A_125 = arith.constant 2 : i32
      %add3A_126 = arith.addi %mul3A_112, %add3A_125 : i32
      %lt3A_127 = arith.constant 40 : i32
      %lt3A_128 = arith.cmpi slt, %add3A_126, %lt3A_127 : i32
      %convert_element_type3A_129 = arith.extui %lt3A_128 : i1 to i32
      %cond3A_130 = arith.constant 0 : i32
      %cond3A_131 = arith.cmpi ne, %convert_element_type3A_129, %cond3A_130 : i32
      scf.if %cond3A_131 {
        %add3A_140 = arith.constant 2 : i32
        %add3A_141 = arith.addi %mul3A_112, %add3A_140 : i32
        %dma_start3A_142 = arith.constant 0 : i32
        %dma_start3A_143 = tpu.memref_slice %arg6[%add3A_141, %dma_start3A_142] : memref<40x128xi32, #tpu.memory_space<vmem>> -> memref<1x128xi32, #tpu.memory_space<vmem>>
        %dma_start3A_144 = tpu.memref_squeeze %dma_start3A_143 : memref<1x128xi32, #tpu.memory_space<vmem>> -> memref<128xi32, #tpu.memory_space<vmem>>
        %dma_start3A_145 = arith.constant 0 : i32
        %dma_start3A_146 = arith.constant 0 : i32
        %dma_start3A_147 = tpu.memref_slice %arg2[%dma_start3A_145, %dma_start3A_146] : memref<10000x128xf32, #tpu.memory_space<hbm>> -> memref<10000x128xf32, #tpu.memory_space<hbm>>
        tpu.enqueue_indirect_dma source(%dma_start3A_147 : memref<10000x128xf32, #tpu.memory_space<hbm>>) target(%arg8 : memref<128x128xf32, #tpu.memory_space<vmem>>) offsets(%dma_start3A_144 : memref<128xi32, #tpu.memory_space<vmem>>) semaphore(%arg11 : memref<!tpu.dma_semaphore, #tpu.memory_space<semaphore_mem>>)
      } else {
      }
      %dma_wait3A_132 = arith.constant 0 : i32
      %dma_wait3A_133 = arith.constant 0 : i32
      %dma_wait3A_134 = tpu.memref_slice %arg2[%dma_wait3A_132, %dma_wait3A_133] : memref<10000x128xf32, #tpu.memory_space<hbm>> -> memref<128x128xf32, #tpu.memory_space<hbm>>
      %dma_wait3A_135 = arith.constant 0 : i32
      %dma_wait3A_136 = arith.constant 0 : i32
      %dma_wait3A_137 = tpu.memref_slice %arg2[%dma_wait3A_135, %dma_wait3A_136] : memref<10000x128xf32, #tpu.memory_space<hbm>> -> memref<128x128xf32, #tpu.memory_space<hbm>>
      tpu.wait_dma2 semaphore(%arg12 : memref<!tpu.dma_semaphore, #tpu.memory_space<semaphore_mem>>) src(%dma_wait3A_137 : memref<128x128xf32, #tpu.memory_space<hbm>>) dst(%arg9 : memref<128x128xf32, #tpu.memory_space<vmem>>)
      %add3A_138 = arith.constant 1 : i32
      %add3A_139 = arith.addi %mul3A_112, %add3A_138 : i32
      "tpu.region"() ({
        %run_scoped3A_140 = tpu.sem_alloc : memref<!tpu.dma_semaphore, #tpu.memory_space<semaphore_mem>>
        %dma_start3A_141 = arith.constant 0 : i32
        %dma_start3A_142 = tpu.memref_slice %arg7[%add3A_139, %dma_start3A_141] : memref<40x128xi32, #tpu.memory_space<vmem>> -> memref<1x128xi32, #tpu.memory_space<vmem>>
        %dma_start3A_143 = tpu.memref_squeeze %dma_start3A_142 : memref<1x128xi32, #tpu.memory_space<vmem>> -> memref<128xi32, #tpu.memory_space<vmem>>
        %dma_start3A_144 = arith.constant 0 : i32
        %dma_start3A_145 = arith.constant 0 : i32
        %dma_start3A_146 = tpu.memref_slice %arg10[%dma_start3A_144, %dma_start3A_145] : memref<10240x128xf32, #tpu.memory_space<vmem_shared>> -> memref<10240x128xf32, #tpu.memory_space<vmem_shared>>
        tpu.enqueue_indirect_dma source(%arg9 : memref<128x128xf32, #tpu.memory_space<vmem>>) target(%dma_start3A_146 : memref<10240x128xf32, #tpu.memory_space<vmem_shared>>) offsets(%dma_start3A_143 : memref<128xi32, #tpu.memory_space<vmem>>) semaphore(%run_scoped3A_140 : memref<!tpu.dma_semaphore, #tpu.memory_space<semaphore_mem>>) {add = true}
        %dma_wait3A_147 = arith.constant 0 : i32
        %dma_wait3A_148 = tpu.memref_slice %arg7[%add3A_139, %dma_wait3A_147] : memref<40x128xi32, #tpu.memory_space<vmem>> -> memref<1x128xi32, #tpu.memory_space<vmem>>
        %dma_wait3A_149 = tpu.memref_squeeze %dma_wait3A_148 : memref<1x128xi32, #tpu.memory_space<vmem>> -> memref<128xi32, #tpu.memory_space<vmem>>
        %dma_wait3A_150 = arith.constant 0 : i32
        %dma_wait3A_151 = arith.constant 0 : i32
        %dma_wait3A_152 = tpu.memref_slice %arg10[%dma_wait3A_150, %dma_wait3A_151] : memref<10240x128xf32, #tpu.memory_space<vmem_shared>> -> memref<10240x128xf32, #tpu.memory_space<vmem_shared>>
        tpu.wait_indirect_dma semaphore(%run_scoped3A_140 : memref<!tpu.dma_semaphore, #tpu.memory_space<semaphore_mem>>) src(%arg9 : memref<128x128xf32, #tpu.memory_space<vmem>>) dst(%dma_wait3A_152 : memref<10240x128xf32, #tpu.memory_space<vmem_shared>>)
        tpu.yield
      }) : () -> ()
    }
    %add3A_54 = arith.addi %select_n3A_6, %select_n3A_15 : i32
    %sub3A_55 = arith.constant 40 : i32
    %sub3A_56 = arith.subi %add3A_54, %sub3A_55 : i32
    %sub3A_57 = arith.constant 80 : i32
    %sub3A_58 = arith.subi %sub3A_57, %select_n3A_15 : i32
    %run_scoped3A_59 = arith.constant 0 : i32
    "tpu.region"() ({
      %run_scoped3A_110 = tpu.sem_alloc : memref<!tpu.dma_semaphore, #tpu.memory_space<semaphore_mem>>
      %dma_start3A = arith.constant 0 : i32
      %dma_start3A_111 = tpu.memref_slice %arg4[%run_scoped3A_59, %sub3A_56, %dma_start3A] : memref<2x2500x128xi32, #tpu.memory_space<hbm>> -> memref<1x40x128xi32, #tpu.memory_space<hbm>>
      %dma_start3A_112 = tpu.memref_squeeze %dma_start3A_111 : memref<1x40x128xi32, #tpu.memory_space<hbm>> -> memref<40x128xi32, #tpu.memory_space<hbm>>
      %dma_start3A_113 = arith.constant 0 : i32
      %dma_start3A_114 = tpu.memref_slice %arg4[%run_scoped3A_59, %sub3A_56, %dma_start3A_113] : memref<2x2500x128xi32, #tpu.memory_space<hbm>> -> memref<1x40x128xi32, #tpu.memory_space<hbm>>
      %dma_start3A_115 = tpu.memref_squeeze %dma_start3A_114 : memref<1x40x128xi32, #tpu.memory_space<hbm>> -> memref<40x128xi32, #tpu.memory_space<hbm>>
      tpu.enqueue_dma source(%dma_start3A_115 : memref<40x128xi32, #tpu.memory_space<hbm>>) target(%arg6 : memref<40x128xi32, #tpu.memory_space<vmem>>) target_semaphore(%run_scoped3A_110 : memref<!tpu.dma_semaphore, #tpu.memory_space<semaphore_mem>>)
      %dma_wait3A = arith.constant 0 : i32
      %dma_wait3A_116 = tpu.memref_slice %arg4[%run_scoped3A_59, %sub3A_56, %dma_wait3A] : memref<2x2500x128xi32, #tpu.memory_space<hbm>> -> memref<1x40x128xi32, #tpu.memory_space<hbm>>
      %dma_wait3A_117 = tpu.memref_squeeze %dma_wait3A_116 : memref<1x40x128xi32, #tpu.memory_space<hbm>> -> memref<40x128xi32, #tpu.memory_space<hbm>>
      %dma_wait3A_118 = arith.constant 0 : i32
      %dma_wait3A_119 = tpu.memref_slice %arg4[%run_scoped3A_59, %sub3A_56, %dma_wait3A_118] : memref<2x2500x128xi32, #tpu.memory_space<hbm>> -> memref<1x40x128xi32, #tpu.memory_space<hbm>>
      %dma_wait3A_120 = tpu.memref_squeeze %dma_wait3A_119 : memref<1x40x128xi32, #tpu.memory_space<hbm>> -> memref<40x128xi32, #tpu.memory_space<hbm>>
      tpu.wait_dma2 semaphore(%run_scoped3A_110 : memref<!tpu.dma_semaphore, #tpu.memory_space<semaphore_mem>>) src(%dma_wait3A_120 : memref<40x128xi32, #tpu.memory_space<hbm>>) dst(%arg6 : memref<40x128xi32, #tpu.memory_space<vmem>>)
      tpu.yield
    }) : () -> ()
    %run_scoped3A_60 = arith.constant 1 : i32
    "tpu.region"() ({
      %run_scoped3A_110 = tpu.sem_alloc : memref<!tpu.dma_semaphore, #tpu.memory_space<semaphore_mem>>
      %dma_start3A = arith.constant 0 : i32
      %dma_start3A_111 = tpu.memref_slice %arg4[%run_scoped3A_60, %sub3A_56, %dma_start3A] : memref<2x2500x128xi32, #tpu.memory_space<hbm>> -> memref<1x40x128xi32, #tpu.memory_space<hbm>>
      %dma_start3A_112 = tpu.memref_squeeze %dma_start3A_111 : memref<1x40x128xi32, #tpu.memory_space<hbm>> -> memref<40x128xi32, #tpu.memory_space<hbm>>
      %dma_start3A_113 = arith.constant 0 : i32
      %dma_start3A_114 = tpu.memref_slice %arg4[%run_scoped3A_60, %sub3A_56, %dma_start3A_113] : memref<2x2500x128xi32, #tpu.memory_space<hbm>> -> memref<1x40x128xi32, #tpu.memory_space<hbm>>
      %dma_start3A_115 = tpu.memref_squeeze %dma_start3A_114 : memref<1x40x128xi32, #tpu.memory_space<hbm>> -> memref<40x128xi32, #tpu.memory_space<hbm>>
      tpu.enqueue_dma source(%dma_start3A_115 : memref<40x128xi32, #tpu.memory_space<hbm>>) target(%arg7 : memref<40x128xi32, #tpu.memory_space<vmem>>) target_semaphore(%run_scoped3A_110 : memref<!tpu.dma_semaphore, #tpu.memory_space<semaphore_mem>>)
      %dma_wait3A = arith.constant 0 : i32
      %dma_wait3A_116 = tpu.memref_slice %arg4[%run_scoped3A_60, %sub3A_56, %dma_wait3A] : memref<2x2500x128xi32, #tpu.memory_space<hbm>> -> memref<1x40x128xi32, #tpu.memory_space<hbm>>
      %dma_wait3A_117 = tpu.memref_squeeze %dma_wait3A_116 : memref<1x40x128xi32, #tpu.memory_space<hbm>> -> memref<40x128xi32, #tpu.memory_space<hbm>>
      %dma_wait3A_118 = arith.constant 0 : i32
      %dma_wait3A_119 = tpu.memref_slice %arg4[%run_scoped3A_60, %sub3A_56, %dma_wait3A_118] : memref<2x2500x128xi32, #tpu.memory_space<hbm>> -> memref<1x40x128xi32, #tpu.memory_space<hbm>>
      %dma_wait3A_120 = tpu.memref_squeeze %dma_wait3A_119 : memref<1x40x128xi32, #tpu.memory_space<hbm>> -> memref<40x128xi32, #tpu.memory_space<hbm>>
      tpu.wait_dma2 semaphore(%run_scoped3A_110 : memref<!tpu.dma_semaphore, #tpu.memory_space<semaphore_mem>>) src(%dma_wait3A_120 : memref<40x128xi32, #tpu.memory_space<hbm>>) dst(%arg7 : memref<40x128xi32, #tpu.memory_space<vmem>>)
      tpu.yield
    }) : () -> ()
    %lt3A_61 = arith.constant 40 : i32
    %lt3A_62 = arith.cmpi slt, %sub3A_58, %lt3A_61 : i32
    %convert_element_type3A_63 = arith.extui %lt3A_62 : i1 to i32
    %cond3A_64 = arith.constant 0 : i32
    %cond3A_65 = arith.cmpi ne, %convert_element_type3A_63, %cond3A_64 : i32
    scf.if %cond3A_65 {
      %dma_start3A = arith.constant 0 : i32
      %dma_start3A_110 = tpu.memref_slice %arg6[%sub3A_58, %dma_start3A] : memref<40x128xi32, #tpu.memory_space<vmem>> -> memref<1x128xi32, #tpu.memory_space<vmem>>
      %dma_start3A_111 = tpu.memref_squeeze %dma_start3A_110 : memref<1x128xi32, #tpu.memory_space<vmem>> -> memref<128xi32, #tpu.memory_space<vmem>>
      %dma_start3A_112 = arith.constant 0 : i32
      %dma_start3A_113 = arith.constant 0 : i32
      %dma_start3A_114 = tpu.memref_slice %arg2[%dma_start3A_112, %dma_start3A_113] : memref<10000x128xf32, #tpu.memory_space<hbm>> -> memref<10000x128xf32, #tpu.memory_space<hbm>>
      tpu.enqueue_indirect_dma source(%dma_start3A_114 : memref<10000x128xf32, #tpu.memory_space<hbm>>) target(%arg8 : memref<128x128xf32, #tpu.memory_space<vmem>>) offsets(%dma_start3A_111 : memref<128xi32, #tpu.memory_space<vmem>>) semaphore(%arg11 : memref<!tpu.dma_semaphore, #tpu.memory_space<semaphore_mem>>)
    } else {
    }
    %jit3A_66 = arith.constant 2 : i32
    %div3A_67 = arith.divsi %sub3A_58, %jit3A_66 : i32
    %sign3A_68 = arith.constant 0 : i32
    %sign3A_69 = arith.cmpi sgt, %sub3A_58, %sign3A_68 : i32
    %sign3A_70 = arith.extui %sign3A_69 : i1 to i32
    %sign3A_71 = arith.constant 0 : i32
    %sign3A_72 = arith.cmpi slt, %sub3A_58, %sign3A_71 : i32
    %sign3A_73 = arith.extui %sign3A_72 : i1 to i32
    %sign3A_74 = arith.subi %sign3A_70, %sign3A_73 : i32
    %sign3A_75 = arith.constant 0 : i32
    %sign3A_76 = arith.cmpi sgt, %jit3A_66, %sign3A_75 : i32
    %sign3A_77 = arith.extui %sign3A_76 : i1 to i32
    %sign3A_78 = arith.constant 0 : i32
    %sign3A_79 = arith.cmpi slt, %jit3A_66, %sign3A_78 : i32
    %sign3A_80 = arith.extui %sign3A_79 : i1 to i32
    %sign3A_81 = arith.subi %sign3A_77, %sign3A_80 : i32
    %ne3A_82 = arith.cmpi ne, %sign3A_74, %sign3A_81 : i32
    %rem3A_83 = arith.remsi %sub3A_58, %jit3A_66 : i32
    %ne3A_84 = arith.constant 0 : i32
    %ne3A_85 = arith.cmpi ne, %rem3A_83, %ne3A_84 : i32
    %and3A_86 = arith.andi %ne3A_82, %ne3A_85 : i1
    %sub3A_87 = arith.constant 1 : i32
    %sub3A_88 = arith.subi %div3A_67, %sub3A_87 : i32
    %select_n3A_89 = arith.select %and3A_86, %sub3A_88, %div3A_67 : i32
    %while3A_90 = arith.constant 0 : i32
    %while3A_91 = arith.constant 20 : i32
    %while3A_92 = arith.subi %while3A_91, %select_n3A_89 : i32
    %while3A_93 = arith.addi %select_n3A_89, %while3A_92 : i32
    %while3A_94 = arith.constant 1 : i32
    %while3A_95 = arith.divsi %while3A_92, %while3A_94 : i32
    %while3A_96 = arith.muli %while3A_95, %while3A_94 : i32
    %while3A_97 = arith.addi %select_n3A_89, %while3A_96 : i32
    %while3A_98 = arith.constant 1 : i32
    scf.for %while3A_110 = %select_n3A_89 to %while3A_97 step %while3A_98  : i32 {
      %mul3A_111 = arith.constant 2 : i32
      %mul3A_112 = arith.muli %mul3A_111, %while3A_110 : i32
      %add3A_113 = arith.constant 1 : i32
      %add3A_114 = arith.addi %mul3A_112, %add3A_113 : i32
      %dma_start3A = arith.constant 0 : i32
      %dma_start3A_115 = tpu.memref_slice %arg6[%add3A_114, %dma_start3A] : memref<40x128xi32, #tpu.memory_space<vmem>> -> memref<1x128xi32, #tpu.memory_space<vmem>>
      %dma_start3A_116 = tpu.memref_squeeze %dma_start3A_115 : memref<1x128xi32, #tpu.memory_space<vmem>> -> memref<128xi32, #tpu.memory_space<vmem>>
      %dma_start3A_117 = arith.constant 0 : i32
      %dma_start3A_118 = arith.constant 0 : i32
      %dma_start3A_119 = tpu.memref_slice %arg2[%dma_start3A_117, %dma_start3A_118] : memref<10000x128xf32, #tpu.memory_space<hbm>> -> memref<10000x128xf32, #tpu.memory_space<hbm>>
      tpu.enqueue_indirect_dma source(%dma_start3A_119 : memref<10000x128xf32, #tpu.memory_space<hbm>>) target(%arg9 : memref<128x128xf32, #tpu.memory_space<vmem>>) offsets(%dma_start3A_116 : memref<128xi32, #tpu.memory_space<vmem>>) semaphore(%arg12 : memref<!tpu.dma_semaphore, #tpu.memory_space<semaphore_mem>>)
      %dma_wait3A = arith.constant 0 : i32
      %dma_wait3A_120 = arith.constant 0 : i32
      %dma_wait3A_121 = tpu.memref_slice %arg2[%dma_wait3A, %dma_wait3A_120] : memref<10000x128xf32, #tpu.memory_space<hbm>> -> memref<128x128xf32, #tpu.memory_space<hbm>>
      %dma_wait3A_122 = arith.constant 0 : i32
      %dma_wait3A_123 = arith.constant 0 : i32
      %dma_wait3A_124 = tpu.memref_slice %arg2[%dma_wait3A_122, %dma_wait3A_123] : memref<10000x128xf32, #tpu.memory_space<hbm>> -> memref<128x128xf32, #tpu.memory_space<hbm>>
      tpu.wait_dma2 semaphore(%arg11 : memref<!tpu.dma_semaphore, #tpu.memory_space<semaphore_mem>>) src(%dma_wait3A_124 : memref<128x128xf32, #tpu.memory_space<hbm>>) dst(%arg8 : memref<128x128xf32, #tpu.memory_space<vmem>>)
      "tpu.region"() ({
        %run_scoped3A_140 = tpu.sem_alloc : memref<!tpu.dma_semaphore, #tpu.memory_space<semaphore_mem>>
        %dma_start3A_141 = arith.constant 0 : i32
        %dma_start3A_142 = tpu.memref_slice %arg7[%mul3A_112, %dma_start3A_141] : memref<40x128xi32, #tpu.memory_space<vmem>> -> memref<1x128xi32, #tpu.memory_space<vmem>>
        %dma_start3A_143 = tpu.memref_squeeze %dma_start3A_142 : memref<1x128xi32, #tpu.memory_space<vmem>> -> memref<128xi32, #tpu.memory_space<vmem>>
        %dma_start3A_144 = arith.constant 0 : i32
        %dma_start3A_145 = arith.constant 0 : i32
        %dma_start3A_146 = tpu.memref_slice %arg10[%dma_start3A_144, %dma_start3A_145] : memref<10240x128xf32, #tpu.memory_space<vmem_shared>> -> memref<10240x128xf32, #tpu.memory_space<vmem_shared>>
        tpu.enqueue_indirect_dma source(%arg8 : memref<128x128xf32, #tpu.memory_space<vmem>>) target(%dma_start3A_146 : memref<10240x128xf32, #tpu.memory_space<vmem_shared>>) offsets(%dma_start3A_143 : memref<128xi32, #tpu.memory_space<vmem>>) semaphore(%run_scoped3A_140 : memref<!tpu.dma_semaphore, #tpu.memory_space<semaphore_mem>>) {add = true}
        %dma_wait3A_147 = arith.constant 0 : i32
        %dma_wait3A_148 = tpu.memref_slice %arg7[%mul3A_112, %dma_wait3A_147] : memref<40x128xi32, #tpu.memory_space<vmem>> -> memref<1x128xi32, #tpu.memory_space<vmem>>
        %dma_wait3A_149 = tpu.memref_squeeze %dma_wait3A_148 : memref<1x128xi32, #tpu.memory_space<vmem>> -> memref<128xi32, #tpu.memory_space<vmem>>
        %dma_wait3A_150 = arith.constant 0 : i32
        %dma_wait3A_151 = arith.constant 0 : i32
        %dma_wait3A_152 = tpu.memref_slice %arg10[%dma_wait3A_150, %dma_wait3A_151] : memref<10240x128xf32, #tpu.memory_space<vmem_shared>> -> memref<10240x128xf32, #tpu.memory_space<vmem_shared>>
        tpu.wait_indirect_dma semaphore(%run_scoped3A_140 : memref<!tpu.dma_semaphore, #tpu.memory_space<semaphore_mem>>) src(%arg8 : memref<128x128xf32, #tpu.memory_space<vmem>>) dst(%dma_wait3A_152 : memref<10240x128xf32, #tpu.memory_space<vmem_shared>>)
        tpu.yield
      }) : () -> ()
      %add3A_125 = arith.constant 2 : i32
      %add3A_126 = arith.addi %mul3A_112, %add3A_125 : i32
      %lt3A_127 = arith.constant 40 : i32
      %lt3A_128 = arith.cmpi slt, %add3A_126, %lt3A_127 : i32
      %convert_element_type3A_129 = arith.extui %lt3A_128 : i1 to i32
      %cond3A_130 = arith.constant 0 : i32
      %cond3A_131 = arith.cmpi ne, %convert_element_type3A_129, %cond3A_130 : i32
      scf.if %cond3A_131 {
        %add3A_140 = arith.constant 2 : i32
        %add3A_141 = arith.addi %mul3A_112, %add3A_140 : i32
        %dma_start3A_142 = arith.constant 0 : i32
        %dma_start3A_143 = tpu.memref_slice %arg6[%add3A_141, %dma_start3A_142] : memref<40x128xi32, #tpu.memory_space<vmem>> -> memref<1x128xi32, #tpu.memory_space<vmem>>
        %dma_start3A_144 = tpu.memref_squeeze %dma_start3A_143 : memref<1x128xi32, #tpu.memory_space<vmem>> -> memref<128xi32, #tpu.memory_space<vmem>>
        %dma_start3A_145 = arith.constant 0 : i32
        %dma_start3A_146 = arith.constant 0 : i32
        %dma_start3A_147 = tpu.memref_slice %arg2[%dma_start3A_145, %dma_start3A_146] : memref<10000x128xf32, #tpu.memory_space<hbm>> -> memref<10000x128xf32, #tpu.memory_space<hbm>>
        tpu.enqueue_indirect_dma source(%dma_start3A_147 : memref<10000x128xf32, #tpu.memory_space<hbm>>) target(%arg8 : memref<128x128xf32, #tpu.memory_space<vmem>>) offsets(%dma_start3A_144 : memref<128xi32, #tpu.memory_space<vmem>>) semaphore(%arg11 : memref<!tpu.dma_semaphore, #tpu.memory_space<semaphore_mem>>)
      } else {
      }
      %dma_wait3A_132 = arith.constant 0 : i32
      %dma_wait3A_133 = arith.constant 0 : i32
      %dma_wait3A_134 = tpu.memref_slice %arg2[%dma_wait3A_132, %dma_wait3A_133] : memref<10000x128xf32, #tpu.memory_space<hbm>> -> memref<128x128xf32, #tpu.memory_space<hbm>>
      %dma_wait3A_135 = arith.constant 0 : i32
      %dma_wait3A_136 = arith.constant 0 : i32
      %dma_wait3A_137 = tpu.memref_slice %arg2[%dma_wait3A_135, %dma_wait3A_136] : memref<10000x128xf32, #tpu.memory_space<hbm>> -> memref<128x128xf32, #tpu.memory_space<hbm>>
      tpu.wait_dma2 semaphore(%arg12 : memref<!tpu.dma_semaphore, #tpu.memory_space<semaphore_mem>>) src(%dma_wait3A_137 : memref<128x128xf32, #tpu.memory_space<hbm>>) dst(%arg9 : memref<128x128xf32, #tpu.memory_space<vmem>>)
      %add3A_138 = arith.constant 1 : i32
      %add3A_139 = arith.addi %mul3A_112, %add3A_138 : i32
      "tpu.region"() ({
        %run_scoped3A_140 = tpu.sem_alloc : memref<!tpu.dma_semaphore, #tpu.memory_space<semaphore_mem>>
        %dma_start3A_141 = arith.constant 0 : i32
        %dma_start3A_142 = tpu.memref_slice %arg7[%add3A_139, %dma_start3A_141] : memref<40x128xi32, #tpu.memory_space<vmem>> -> memref<1x128xi32, #tpu.memory_space<vmem>>
        %dma_start3A_143 = tpu.memref_squeeze %dma_start3A_142 : memref<1x128xi32, #tpu.memory_space<vmem>> -> memref<128xi32, #tpu.memory_space<vmem>>
        %dma_start3A_144 = arith.constant 0 : i32
        %dma_start3A_145 = arith.constant 0 : i32
        %dma_start3A_146 = tpu.memref_slice %arg10[%dma_start3A_144, %dma_start3A_145] : memref<10240x128xf32, #tpu.memory_space<vmem_shared>> -> memref<10240x128xf32, #tpu.memory_space<vmem_shared>>
        tpu.enqueue_indirect_dma source(%arg9 : memref<128x128xf32, #tpu.memory_space<vmem>>) target(%dma_start3A_146 : memref<10240x128xf32, #tpu.memory_space<vmem_shared>>) offsets(%dma_start3A_143 : memref<128xi32, #tpu.memory_space<vmem>>) semaphore(%run_scoped3A_140 : memref<!tpu.dma_semaphore, #tpu.memory_space<semaphore_mem>>) {add = true}
        %dma_wait3A_147 = arith.constant 0 : i32
        %dma_wait3A_148 = tpu.memref_slice %arg7[%add3A_139, %dma_wait3A_147] : memref<40x128xi32, #tpu.memory_space<vmem>> -> memref<1x128xi32, #tpu.memory_space<vmem>>
        %dma_wait3A_149 = tpu.memref_squeeze %dma_wait3A_148 : memref<1x128xi32, #tpu.memory_space<vmem>> -> memref<128xi32, #tpu.memory_space<vmem>>
        %dma_wait3A_150 = arith.constant 0 : i32
        %dma_wait3A_151 = arith.constant 0 : i32
        %dma_wait3A_152 = tpu.memref_slice %arg10[%dma_wait3A_150, %dma_wait3A_151] : memref<10240x128xf32, #tpu.memory_space<vmem_shared>> -> memref<10240x128xf32, #tpu.memory_space<vmem_shared>>
        tpu.wait_indirect_dma semaphore(%run_scoped3A_140 : memref<!tpu.dma_semaphore, #tpu.memory_space<semaphore_mem>>) src(%arg9 : memref<128x128xf32, #tpu.memory_space<vmem>>) dst(%dma_wait3A_152 : memref<10240x128xf32, #tpu.memory_space<vmem_shared>>)
        tpu.yield
      }) : () -> ()
    }
    %while3A_99 = arith.constant 1 : i32
    scf.for %while3A_110 = %while3A_97 to %while3A_93 step %while3A_99  : i32 {
      %mul3A_111 = arith.constant 2 : i32
      %mul3A_112 = arith.muli %mul3A_111, %while3A_110 : i32
      %add3A_113 = arith.constant 1 : i32
      %add3A_114 = arith.addi %mul3A_112, %add3A_113 : i32
      %dma_start3A = arith.constant 0 : i32
      %dma_start3A_115 = tpu.memref_slice %arg6[%add3A_114, %dma_start3A] : memref<40x128xi32, #tpu.memory_space<vmem>> -> memref<1x128xi32, #tpu.memory_space<vmem>>
      %dma_start3A_116 = tpu.memref_squeeze %dma_start3A_115 : memref<1x128xi32, #tpu.memory_space<vmem>> -> memref<128xi32, #tpu.memory_space<vmem>>
      %dma_start3A_117 = arith.constant 0 : i32
      %dma_start3A_118 = arith.constant 0 : i32
      %dma_start3A_119 = tpu.memref_slice %arg2[%dma_start3A_117, %dma_start3A_118] : memref<10000x128xf32, #tpu.memory_space<hbm>> -> memref<10000x128xf32, #tpu.memory_space<hbm>>
      tpu.enqueue_indirect_dma source(%dma_start3A_119 : memref<10000x128xf32, #tpu.memory_space<hbm>>) target(%arg9 : memref<128x128xf32, #tpu.memory_space<vmem>>) offsets(%dma_start3A_116 : memref<128xi32, #tpu.memory_space<vmem>>) semaphore(%arg12 : memref<!tpu.dma_semaphore, #tpu.memory_space<semaphore_mem>>)
      %dma_wait3A = arith.constant 0 : i32
      %dma_wait3A_120 = arith.constant 0 : i32
      %dma_wait3A_121 = tpu.memref_slice %arg2[%dma_wait3A, %dma_wait3A_120] : memref<10000x128xf32, #tpu.memory_space<hbm>> -> memref<128x128xf32, #tpu.memory_space<hbm>>
      %dma_wait3A_122 = arith.constant 0 : i32
      %dma_wait3A_123 = arith.constant 0 : i32
      %dma_wait3A_124 = tpu.memref_slice %arg2[%dma_wait3A_122, %dma_wait3A_123] : memref<10000x128xf32, #tpu.memory_space<hbm>> -> memref<128x128xf32, #tpu.memory_space<hbm>>
      tpu.wait_dma2 semaphore(%arg11 : memref<!tpu.dma_semaphore, #tpu.memory_space<semaphore_mem>>) src(%dma_wait3A_124 : memref<128x128xf32, #tpu.memory_space<hbm>>) dst(%arg8 : memref<128x128xf32, #tpu.memory_space<vmem>>)
      "tpu.region"() ({
        %run_scoped3A_140 = tpu.sem_alloc : memref<!tpu.dma_semaphore, #tpu.memory_space<semaphore_mem>>
        %dma_start3A_141 = arith.constant 0 : i32
        %dma_start3A_142 = tpu.memref_slice %arg7[%mul3A_112, %dma_start3A_141] : memref<40x128xi32, #tpu.memory_space<vmem>> -> memref<1x128xi32, #tpu.memory_space<vmem>>
        %dma_start3A_143 = tpu.memref_squeeze %dma_start3A_142 : memref<1x128xi32, #tpu.memory_space<vmem>> -> memref<128xi32, #tpu.memory_space<vmem>>
        %dma_start3A_144 = arith.constant 0 : i32
        %dma_start3A_145 = arith.constant 0 : i32
        %dma_start3A_146 = tpu.memref_slice %arg10[%dma_start3A_144, %dma_start3A_145] : memref<10240x128xf32, #tpu.memory_space<vmem_shared>> -> memref<10240x128xf32, #tpu.memory_space<vmem_shared>>
        tpu.enqueue_indirect_dma source(%arg8 : memref<128x128xf32, #tpu.memory_space<vmem>>) target(%dma_start3A_146 : memref<10240x128xf32, #tpu.memory_space<vmem_shared>>) offsets(%dma_start3A_143 : memref<128xi32, #tpu.memory_space<vmem>>) semaphore(%run_scoped3A_140 : memref<!tpu.dma_semaphore, #tpu.memory_space<semaphore_mem>>) {add = true}
        %dma_wait3A_147 = arith.constant 0 : i32
        %dma_wait3A_148 = tpu.memref_slice %arg7[%mul3A_112, %dma_wait3A_147] : memref<40x128xi32, #tpu.memory_space<vmem>> -> memref<1x128xi32, #tpu.memory_space<vmem>>
        %dma_wait3A_149 = tpu.memref_squeeze %dma_wait3A_148 : memref<1x128xi32, #tpu.memory_space<vmem>> -> memref<128xi32, #tpu.memory_space<vmem>>
        %dma_wait3A_150 = arith.constant 0 : i32
        %dma_wait3A_151 = arith.constant 0 : i32
        %dma_wait3A_152 = tpu.memref_slice %arg10[%dma_wait3A_150, %dma_wait3A_151] : memref<10240x128xf32, #tpu.memory_space<vmem_shared>> -> memref<10240x128xf32, #tpu.memory_space<vmem_shared>>
        tpu.wait_indirect_dma semaphore(%run_scoped3A_140 : memref<!tpu.dma_semaphore, #tpu.memory_space<semaphore_mem>>) src(%arg8 : memref<128x128xf32, #tpu.memory_space<vmem>>) dst(%dma_wait3A_152 : memref<10240x128xf32, #tpu.memory_space<vmem_shared>>)
        tpu.yield
      }) : () -> ()
      %add3A_125 = arith.constant 2 : i32
      %add3A_126 = arith.addi %mul3A_112, %add3A_125 : i32
      %lt3A_127 = arith.constant 40 : i32
      %lt3A_128 = arith.cmpi slt, %add3A_126, %lt3A_127 : i32
      %convert_element_type3A_129 = arith.extui %lt3A_128 : i1 to i32
      %cond3A_130 = arith.constant 0 : i32
      %cond3A_131 = arith.cmpi ne, %convert_element_type3A_129, %cond3A_130 : i32
      scf.if %cond3A_131 {
        %add3A_140 = arith.constant 2 : i32
        %add3A_141 = arith.addi %mul3A_112, %add3A_140 : i32
        %dma_start3A_142 = arith.constant 0 : i32
        %dma_start3A_143 = tpu.memref_slice %arg6[%add3A_141, %dma_start3A_142] : memref<40x128xi32, #tpu.memory_space<vmem>> -> memref<1x128xi32, #tpu.memory_space<vmem>>
        %dma_start3A_144 = tpu.memref_squeeze %dma_start3A_143 : memref<1x128xi32, #tpu.memory_space<vmem>> -> memref<128xi32, #tpu.memory_space<vmem>>
        %dma_start3A_145 = arith.constant 0 : i32
        %dma_start3A_146 = arith.constant 0 : i32
        %dma_start3A_147 = tpu.memref_slice %arg2[%dma_start3A_145, %dma_start3A_146] : memref<10000x128xf32, #tpu.memory_space<hbm>> -> memref<10000x128xf32, #tpu.memory_space<hbm>>
        tpu.enqueue_indirect_dma source(%dma_start3A_147 : memref<10000x128xf32, #tpu.memory_space<hbm>>) target(%arg8 : memref<128x128xf32, #tpu.memory_space<vmem>>) offsets(%dma_start3A_144 : memref<128xi32, #tpu.memory_space<vmem>>) semaphore(%arg11 : memref<!tpu.dma_semaphore, #tpu.memory_space<semaphore_mem>>)
      } else {
      }
      %dma_wait3A_132 = arith.constant 0 : i32
      %dma_wait3A_133 = arith.constant 0 : i32
      %dma_wait3A_134 = tpu.memref_slice %arg2[%dma_wait3A_132, %dma_wait3A_133] : memref<10000x128xf32, #tpu.memory_space<hbm>> -> memref<128x128xf32, #tpu.memory_space<hbm>>
      %dma_wait3A_135 = arith.constant 0 : i32
      %dma_wait3A_136 = arith.constant 0 : i32
      %dma_wait3A_137 = tpu.memref_slice %arg2[%dma_wait3A_135, %dma_wait3A_136] : memref<10000x128xf32, #tpu.memory_space<hbm>> -> memref<128x128xf32, #tpu.memory_space<hbm>>
      tpu.wait_dma2 semaphore(%arg12 : memref<!tpu.dma_semaphore, #tpu.memory_space<semaphore_mem>>) src(%dma_wait3A_137 : memref<128x128xf32, #tpu.memory_space<hbm>>) dst(%arg9 : memref<128x128xf32, #tpu.memory_space<vmem>>)
      %add3A_138 = arith.constant 1 : i32
      %add3A_139 = arith.addi %mul3A_112, %add3A_138 : i32
      "tpu.region"() ({
        %run_scoped3A_140 = tpu.sem_alloc : memref<!tpu.dma_semaphore, #tpu.memory_space<semaphore_mem>>
        %dma_start3A_141 = arith.constant 0 : i32
        %dma_start3A_142 = tpu.memref_slice %arg7[%add3A_139, %dma_start3A_141] : memref<40x128xi32, #tpu.memory_space<vmem>> -> memref<1x128xi32, #tpu.memory_space<vmem>>
        %dma_start3A_143 = tpu.memref_squeeze %dma_start3A_142 : memref<1x128xi32, #tpu.memory_space<vmem>> -> memref<128xi32, #tpu.memory_space<vmem>>
        %dma_start3A_144 = arith.constant 0 : i32
        %dma_start3A_145 = arith.constant 0 : i32
        %dma_start3A_146 = tpu.memref_slice %arg10[%dma_start3A_144, %dma_start3A_145] : memref<10240x128xf32, #tpu.memory_space<vmem_shared>> -> memref<10240x128xf32, #tpu.memory_space<vmem_shared>>
        tpu.enqueue_indirect_dma source(%arg9 : memref<128x128xf32, #tpu.memory_space<vmem>>) target(%dma_start3A_146 : memref<10240x128xf32, #tpu.memory_space<vmem_shared>>) offsets(%dma_start3A_143 : memref<128xi32, #tpu.memory_space<vmem>>) semaphore(%run_scoped3A_140 : memref<!tpu.dma_semaphore, #tpu.memory_space<semaphore_mem>>) {add = true}
        %dma_wait3A_147 = arith.constant 0 : i32
        %dma_wait3A_148 = tpu.memref_slice %arg7[%add3A_139, %dma_wait3A_147] : memref<40x128xi32, #tpu.memory_space<vmem>> -> memref<1x128xi32, #tpu.memory_space<vmem>>
        %dma_wait3A_149 = tpu.memref_squeeze %dma_wait3A_148 : memref<1x128xi32, #tpu.memory_space<vmem>> -> memref<128xi32, #tpu.memory_space<vmem>>
        %dma_wait3A_150 = arith.constant 0 : i32
        %dma_wait3A_151 = arith.constant 0 : i32
        %dma_wait3A_152 = tpu.memref_slice %arg10[%dma_wait3A_150, %dma_wait3A_151] : memref<10240x128xf32, #tpu.memory_space<vmem_shared>> -> memref<10240x128xf32, #tpu.memory_space<vmem_shared>>
        tpu.wait_indirect_dma semaphore(%run_scoped3A_140 : memref<!tpu.dma_semaphore, #tpu.memory_space<semaphore_mem>>) src(%arg9 : memref<128x128xf32, #tpu.memory_space<vmem>>) dst(%dma_wait3A_152 : memref<10240x128xf32, #tpu.memory_space<vmem_shared>>)
        tpu.yield
      }) : () -> ()
    }
    %eq3A_100 = arith.constant 31 : i32
    %eq3A_101 = arith.cmpi eq, %add3A, %eq3A_100 : i32
    %convert_element_type3A_102 = arith.extui %eq3A_101 : i1 to i32
    %cond3A_103 = arith.constant 0 : i32
    %cond3A_104 = arith.cmpi ne, %convert_element_type3A_102, %cond3A_103 : i32
    scf.if %cond3A_104 {
      %run_scoped3A_110 = arith.constant 0 : i32
      "tpu.region"() ({
        %run_scoped3A_117 = tpu.sem_alloc : memref<!tpu.dma_semaphore, #tpu.memory_space<semaphore_mem>>
        %dma_start3A = arith.constant 0 : i32
        %dma_start3A_118 = arith.constant 0 : i32
        %dma_start3A_119 = tpu.memref_slice %arg6[%dma_start3A, %dma_start3A_118] : memref<40x128xi32, #tpu.memory_space<vmem>> -> memref<4x128xi32, #tpu.memory_space<vmem>>
        %dma_start3A_120 = arith.constant 2496 : i32
        %dma_start3A_121 = arith.constant 0 : i32
        %dma_start3A_122 = tpu.memref_slice %arg4[%run_scoped3A_110, %dma_start3A_120, %dma_start3A_121] : memref<2x2500x128xi32, #tpu.memory_space<hbm>> -> memref<1x4x128xi32, #tpu.memory_space<hbm>>
        %dma_start3A_123 = tpu.memref_squeeze %dma_start3A_122 : memref<1x4x128xi32, #tpu.memory_space<hbm>> -> memref<4x128xi32, #tpu.memory_space<hbm>>
        %dma_start3A_124 = arith.constant 0 : i32
        %dma_start3A_125 = arith.constant 0 : i32
        %dma_start3A_126 = tpu.memref_slice %arg6[%dma_start3A_124, %dma_start3A_125] : memref<40x128xi32, #tpu.memory_space<vmem>> -> memref<4x128xi32, #tpu.memory_space<vmem>>
        %dma_start3A_127 = arith.constant 2496 : i32
        %dma_start3A_128 = arith.constant 0 : i32
        %dma_start3A_129 = tpu.memref_slice %arg4[%run_scoped3A_110, %dma_start3A_127, %dma_start3A_128] : memref<2x2500x128xi32, #tpu.memory_space<hbm>> -> memref<1x4x128xi32, #tpu.memory_space<hbm>>
        %dma_start3A_130 = tpu.memref_squeeze %dma_start3A_129 : memref<1x4x128xi32, #tpu.memory_space<hbm>> -> memref<4x128xi32, #tpu.memory_space<hbm>>
        tpu.enqueue_dma source(%dma_start3A_130 : memref<4x128xi32, #tpu.memory_space<hbm>>) target(%dma_start3A_126 : memref<4x128xi32, #tpu.memory_space<vmem>>) target_semaphore(%run_scoped3A_117 : memref<!tpu.dma_semaphore, #tpu.memory_space<semaphore_mem>>)
        %dma_wait3A = arith.constant 0 : i32
        %dma_wait3A_131 = arith.constant 0 : i32
        %dma_wait3A_132 = tpu.memref_slice %arg6[%dma_wait3A, %dma_wait3A_131] : memref<40x128xi32, #tpu.memory_space<vmem>> -> memref<4x128xi32, #tpu.memory_space<vmem>>
        %dma_wait3A_133 = arith.constant 2496 : i32
        %dma_wait3A_134 = arith.constant 0 : i32
        %dma_wait3A_135 = tpu.memref_slice %arg4[%run_scoped3A_110, %dma_wait3A_133, %dma_wait3A_134] : memref<2x2500x128xi32, #tpu.memory_space<hbm>> -> memref<1x4x128xi32, #tpu.memory_space<hbm>>
        %dma_wait3A_136 = tpu.memref_squeeze %dma_wait3A_135 : memref<1x4x128xi32, #tpu.memory_space<hbm>> -> memref<4x128xi32, #tpu.memory_space<hbm>>
        %dma_wait3A_137 = arith.constant 0 : i32
        %dma_wait3A_138 = arith.constant 0 : i32
        %dma_wait3A_139 = tpu.memref_slice %arg6[%dma_wait3A_137, %dma_wait3A_138] : memref<40x128xi32, #tpu.memory_space<vmem>> -> memref<4x128xi32, #tpu.memory_space<vmem>>
        %dma_wait3A_140 = arith.constant 2496 : i32
        %dma_wait3A_141 = arith.constant 0 : i32
        %dma_wait3A_142 = tpu.memref_slice %arg4[%run_scoped3A_110, %dma_wait3A_140, %dma_wait3A_141] : memref<2x2500x128xi32, #tpu.memory_space<hbm>> -> memref<1x4x128xi32, #tpu.memory_space<hbm>>
        %dma_wait3A_143 = tpu.memref_squeeze %dma_wait3A_142 : memref<1x4x128xi32, #tpu.memory_space<hbm>> -> memref<4x128xi32, #tpu.memory_space<hbm>>
        tpu.wait_dma2 semaphore(%run_scoped3A_117 : memref<!tpu.dma_semaphore, #tpu.memory_space<semaphore_mem>>) src(%dma_wait3A_143 : memref<4x128xi32, #tpu.memory_space<hbm>>) dst(%dma_wait3A_139 : memref<4x128xi32, #tpu.memory_space<vmem>>)
        tpu.yield
      }) : () -> ()
      %run_scoped3A_111 = arith.constant 1 : i32
      "tpu.region"() ({
        %run_scoped3A_117 = tpu.sem_alloc : memref<!tpu.dma_semaphore, #tpu.memory_space<semaphore_mem>>
        %dma_start3A = arith.constant 0 : i32
        %dma_start3A_118 = arith.constant 0 : i32
        %dma_start3A_119 = tpu.memref_slice %arg7[%dma_start3A, %dma_start3A_118] : memref<40x128xi32, #tpu.memory_space<vmem>> -> memref<4x128xi32, #tpu.memory_space<vmem>>
        %dma_start3A_120 = arith.constant 2496 : i32
        %dma_start3A_121 = arith.constant 0 : i32
        %dma_start3A_122 = tpu.memref_slice %arg4[%run_scoped3A_111, %dma_start3A_120, %dma_start3A_121] : memref<2x2500x128xi32, #tpu.memory_space<hbm>> -> memref<1x4x128xi32, #tpu.memory_space<hbm>>
        %dma_start3A_123 = tpu.memref_squeeze %dma_start3A_122 : memref<1x4x128xi32, #tpu.memory_space<hbm>> -> memref<4x128xi32, #tpu.memory_space<hbm>>
        %dma_start3A_124 = arith.constant 0 : i32
        %dma_start3A_125 = arith.constant 0 : i32
        %dma_start3A_126 = tpu.memref_slice %arg7[%dma_start3A_124, %dma_start3A_125] : memref<40x128xi32, #tpu.memory_space<vmem>> -> memref<4x128xi32, #tpu.memory_space<vmem>>
        %dma_start3A_127 = arith.constant 2496 : i32
        %dma_start3A_128 = arith.constant 0 : i32
        %dma_start3A_129 = tpu.memref_slice %arg4[%run_scoped3A_111, %dma_start3A_127, %dma_start3A_128] : memref<2x2500x128xi32, #tpu.memory_space<hbm>> -> memref<1x4x128xi32, #tpu.memory_space<hbm>>
        %dma_start3A_130 = tpu.memref_squeeze %dma_start3A_129 : memref<1x4x128xi32, #tpu.memory_space<hbm>> -> memref<4x128xi32, #tpu.memory_space<hbm>>
        tpu.enqueue_dma source(%dma_start3A_130 : memref<4x128xi32, #tpu.memory_space<hbm>>) target(%dma_start3A_126 : memref<4x128xi32, #tpu.memory_space<vmem>>) target_semaphore(%run_scoped3A_117 : memref<!tpu.dma_semaphore, #tpu.memory_space<semaphore_mem>>)
        %dma_wait3A = arith.constant 0 : i32
        %dma_wait3A_131 = arith.constant 0 : i32
        %dma_wait3A_132 = tpu.memref_slice %arg7[%dma_wait3A, %dma_wait3A_131] : memref<40x128xi32, #tpu.memory_space<vmem>> -> memref<4x128xi32, #tpu.memory_space<vmem>>
        %dma_wait3A_133 = arith.constant 2496 : i32
        %dma_wait3A_134 = arith.constant 0 : i32
        %dma_wait3A_135 = tpu.memref_slice %arg4[%run_scoped3A_111, %dma_wait3A_133, %dma_wait3A_134] : memref<2x2500x128xi32, #tpu.memory_space<hbm>> -> memref<1x4x128xi32, #tpu.memory_space<hbm>>
        %dma_wait3A_136 = tpu.memref_squeeze %dma_wait3A_135 : memref<1x4x128xi32, #tpu.memory_space<hbm>> -> memref<4x128xi32, #tpu.memory_space<hbm>>
        %dma_wait3A_137 = arith.constant 0 : i32
        %dma_wait3A_138 = arith.constant 0 : i32
        %dma_wait3A_139 = tpu.memref_slice %arg7[%dma_wait3A_137, %dma_wait3A_138] : memref<40x128xi32, #tpu.memory_space<vmem>> -> memref<4x128xi32, #tpu.memory_space<vmem>>
        %dma_wait3A_140 = arith.constant 2496 : i32
        %dma_wait3A_141 = arith.constant 0 : i32
        %dma_wait3A_142 = tpu.memref_slice %arg4[%run_scoped3A_111, %dma_wait3A_140, %dma_wait3A_141] : memref<2x2500x128xi32, #tpu.memory_space<hbm>> -> memref<1x4x128xi32, #tpu.memory_space<hbm>>
        %dma_wait3A_143 = tpu.memref_squeeze %dma_wait3A_142 : memref<1x4x128xi32, #tpu.memory_space<hbm>> -> memref<4x128xi32, #tpu.memory_space<hbm>>
        tpu.wait_dma2 semaphore(%run_scoped3A_117 : memref<!tpu.dma_semaphore, #tpu.memory_space<semaphore_mem>>) src(%dma_wait3A_143 : memref<4x128xi32, #tpu.memory_space<hbm>>) dst(%dma_wait3A_139 : memref<4x128xi32, #tpu.memory_space<vmem>>)
        tpu.yield
      }) : () -> ()
      %scan3A = arith.constant 0 : i32
      %scan3A_112 = arith.constant 0 : i32
      %scan3A_113 = arith.constant 4 : i32
      %scan3A_114 = arith.addi %scan3A_112, %scan3A_113 : i32
      %scan3A_115 = arith.constant 1 : i32
      scf.for %scan3A_117 = %scan3A_112 to %scan3A_114 step %scan3A_115  : i32 {
        %dma_start3A = arith.constant 0 : i32
        %dma_start3A_118 = tpu.memref_slice %arg6[%scan3A_117, %dma_start3A] : memref<40x128xi32, #tpu.memory_space<vmem>> -> memref<1x128xi32, #tpu.memory_space<vmem>>
        %dma_start3A_119 = tpu.memref_squeeze %dma_start3A_118 : memref<1x128xi32, #tpu.memory_space<vmem>> -> memref<128xi32, #tpu.memory_space<vmem>>
        %dma_start3A_120 = arith.constant 0 : i32
        %dma_start3A_121 = arith.constant 0 : i32
        %dma_start3A_122 = tpu.memref_slice %arg2[%dma_start3A_120, %dma_start3A_121] : memref<10000x128xf32, #tpu.memory_space<hbm>> -> memref<10000x128xf32, #tpu.memory_space<hbm>>
        tpu.enqueue_indirect_dma source(%dma_start3A_122 : memref<10000x128xf32, #tpu.memory_space<hbm>>) target(%arg8 : memref<128x128xf32, #tpu.memory_space<vmem>>) offsets(%dma_start3A_119 : memref<128xi32, #tpu.memory_space<vmem>>) semaphore(%arg11 : memref<!tpu.dma_semaphore, #tpu.memory_space<semaphore_mem>>)
        %dma_wait3A = arith.constant 0 : i32
        %dma_wait3A_123 = tpu.memref_slice %arg6[%scan3A_117, %dma_wait3A] : memref<40x128xi32, #tpu.memory_space<vmem>> -> memref<1x128xi32, #tpu.memory_space<vmem>>
        %dma_wait3A_124 = tpu.memref_squeeze %dma_wait3A_123 : memref<1x128xi32, #tpu.memory_space<vmem>> -> memref<128xi32, #tpu.memory_space<vmem>>
        %dma_wait3A_125 = arith.constant 0 : i32
        %dma_wait3A_126 = arith.constant 0 : i32
        %dma_wait3A_127 = tpu.memref_slice %arg2[%dma_wait3A_125, %dma_wait3A_126] : memref<10000x128xf32, #tpu.memory_space<hbm>> -> memref<10000x128xf32, #tpu.memory_space<hbm>>
        tpu.wait_indirect_dma semaphore(%arg11 : memref<!tpu.dma_semaphore, #tpu.memory_space<semaphore_mem>>) src(%dma_wait3A_127 : memref<10000x128xf32, #tpu.memory_space<hbm>>) dst(%arg8 : memref<128x128xf32, #tpu.memory_space<vmem>>)
        "tpu.region"() ({
          %run_scoped3A_128 = tpu.sem_alloc : memref<!tpu.dma_semaphore, #tpu.memory_space<semaphore_mem>>
          %dma_start3A_129 = arith.constant 0 : i32
          %dma_start3A_130 = tpu.memref_slice %arg7[%scan3A_117, %dma_start3A_129] : memref<40x128xi32, #tpu.memory_space<vmem>> -> memref<1x128xi32, #tpu.memory_space<vmem>>
          %dma_start3A_131 = tpu.memref_squeeze %dma_start3A_130 : memref<1x128xi32, #tpu.memory_space<vmem>> -> memref<128xi32, #tpu.memory_space<vmem>>
          %dma_start3A_132 = arith.constant 0 : i32
          %dma_start3A_133 = arith.constant 0 : i32
          %dma_start3A_134 = tpu.memref_slice %arg10[%dma_start3A_132, %dma_start3A_133] : memref<10240x128xf32, #tpu.memory_space<vmem_shared>> -> memref<10240x128xf32, #tpu.memory_space<vmem_shared>>
          tpu.enqueue_indirect_dma source(%arg8 : memref<128x128xf32, #tpu.memory_space<vmem>>) target(%dma_start3A_134 : memref<10240x128xf32, #tpu.memory_space<vmem_shared>>) offsets(%dma_start3A_131 : memref<128xi32, #tpu.memory_space<vmem>>) semaphore(%run_scoped3A_128 : memref<!tpu.dma_semaphore, #tpu.memory_space<semaphore_mem>>) {add = true}
          %dma_wait3A_135 = arith.constant 0 : i32
          %dma_wait3A_136 = tpu.memref_slice %arg7[%scan3A_117, %dma_wait3A_135] : memref<40x128xi32, #tpu.memory_space<vmem>> -> memref<1x128xi32, #tpu.memory_space<vmem>>
          %dma_wait3A_137 = tpu.memref_squeeze %dma_wait3A_136 : memref<1x128xi32, #tpu.memory_space<vmem>> -> memref<128xi32, #tpu.memory_space<vmem>>
          %dma_wait3A_138 = arith.constant 0 : i32
          %dma_wait3A_139 = arith.constant 0 : i32
          %dma_wait3A_140 = tpu.memref_slice %arg10[%dma_wait3A_138, %dma_wait3A_139] : memref<10240x128xf32, #tpu.memory_space<vmem_shared>> -> memref<10240x128xf32, #tpu.memory_space<vmem_shared>>
          tpu.wait_indirect_dma semaphore(%run_scoped3A_128 : memref<!tpu.dma_semaphore, #tpu.memory_space<semaphore_mem>>) src(%arg8 : memref<128x128xf32, #tpu.memory_space<vmem>>) dst(%dma_wait3A_140 : memref<10240x128xf32, #tpu.memory_space<vmem_shared>>)
          tpu.yield
        }) : () -> ()
      }
      %scan3A_116 = arith.constant 4 : i32
    } else {
    }
    %barrier3A_105 = arith.constant 0 : index
    tpu.barrier barrier_id(%barrier3A_105)
    %mul3A_106 = arith.constant 640 : i32
    %mul3A_107 = arith.muli %arg1, %mul3A_106 : i32
    %mul3A_108 = arith.constant 640 : i32
    %mul3A_109 = arith.muli %arg1, %mul3A_108 : i32
    "tpu.region"() ({
      %run_scoped3A_110 = tpu.sem_alloc : memref<!tpu.dma_semaphore, #tpu.memory_space<semaphore_mem>>
      %dma_start3A = arith.constant 0 : i32
      %dma_start3A_111 = tpu.memref_slice %arg5[%arg0, %mul3A_109, %dma_start3A] : memref<2x10240x128xf32, #tpu.memory_space<hbm>> -> memref<1x640x128xf32, #tpu.memory_space<hbm>>
      %dma_start3A_112 = tpu.memref_squeeze %dma_start3A_111 : memref<1x640x128xf32, #tpu.memory_space<hbm>> -> memref<640x128xf32, #tpu.memory_space<hbm>>
      %dma_start3A_113 = arith.constant 0 : i32
      %dma_start3A_114 = tpu.memref_slice %arg10[%mul3A_107, %dma_start3A_113] : memref<10240x128xf32, #tpu.memory_space<vmem_shared>> -> memref<640x128xf32, #tpu.memory_space<vmem_shared>>
      tpu.enqueue_dma source(%dma_start3A_114 : memref<640x128xf32, #tpu.memory_space<vmem_shared>>) target(%dma_start3A_112 : memref<640x128xf32, #tpu.memory_space<hbm>>) target_semaphore(%run_scoped3A_110 : memref<!tpu.dma_semaphore, #tpu.memory_space<semaphore_mem>>)
      %dma_wait3A = arith.constant 0 : i32
      %dma_wait3A_115 = tpu.memref_slice %arg5[%arg0, %mul3A_109, %dma_wait3A] : memref<2x10240x128xf32, #tpu.memory_space<hbm>> -> memref<1x640x128xf32, #tpu.memory_space<hbm>>
      %dma_wait3A_116 = tpu.memref_squeeze %dma_wait3A_115 : memref<1x640x128xf32, #tpu.memory_space<hbm>> -> memref<640x128xf32, #tpu.memory_space<hbm>>
      %dma_wait3A_117 = arith.constant 0 : i32
      %dma_wait3A_118 = tpu.memref_slice %arg10[%mul3A_107, %dma_wait3A_117] : memref<10240x128xf32, #tpu.memory_space<vmem_shared>> -> memref<640x128xf32, #tpu.memory_space<vmem_shared>>
      tpu.wait_dma2 semaphore(%run_scoped3A_110 : memref<!tpu.dma_semaphore, #tpu.memory_space<semaphore_mem>>) src(%dma_wait3A_118 : memref<640x128xf32, #tpu.memory_space<vmem_shared>>) dst(%dma_wait3A_116 : memref<640x128xf32, #tpu.memory_space<hbm>>)
      tpu.yield
    }) : () -> ()
    return
  }
}

module attributes {stable_mosaic.version = 14 : i64} {
  func.func @_prep_body(%arg0: i32, %arg1: memref<2000x2xf32, #tpu.memory_space<vmem>>, %arg2: memref<2000x128xf32, #tpu.memory_space<vmem>>, %arg3: memref<2000x128xf32, #tpu.memory_space<vmem>>, %arg4: memref<2000x1xf32, #tpu.memory_space<vmem>>, %arg5: memref<2000x1xf32, #tpu.memory_space<vmem>>) attributes {dimension_semantics = [#tpu.dimension_semantics<arbitrary>], iteration_bounds = array<i64: 5>, scalar_prefetch = 0 : i64, scratch_operands = 0 : i64, tpu.core_type = #tpu.core_type<tc>, window_params = [{transform_indices = @transform_0, window_bounds = array<i64: 2000, 2>}, {transform_indices = @transform_1, window_bounds = array<i64: 2000, 128>}, {transform_indices = @transform_2, window_bounds = array<i64: 2000, 128>}, {transform_indices = @transform_3, window_bounds = array<i64: 2000, 1>}, {transform_indices = @transform_4, window_bounds = array<i64: 2000, 1>}]} {
    %get3A = arith.constant 0 : index
    %get3A_0 = arith.constant 0 : index
    %get3A_1 = vector.load %arg1[%get3A, %get3A_0] : memref<2000x2xf32, #tpu.memory_space<vmem>>, vector<2000x1xf32>
    %get3A_2 = arith.constant 0 : index
    %get3A_3 = arith.constant 1 : index
    %get3A_4 = vector.load %arg1[%get3A_2, %get3A_3] : memref<2000x2xf32, #tpu.memory_space<vmem>>, vector<2000x1xf32>
    %add3A = arith.addf %get3A_1, %get3A_4 : vector<2000x1xf32>
    %add3A_5 = arith.constant 1.000000e+00 : f32
    %add3A_6 = vector.broadcast %add3A_5 : f32 to vector<2000x1xf32>
    %add3A_7 = arith.addf %add3A, %add3A_6 : vector<2000x1xf32>
    %rsqrt3A = math.rsqrt %add3A_7 : vector<2000x1xf32>
    %swap3A = arith.constant 0 : index
    %swap3A_8 = arith.constant 0 : index
    %swap3A_9 = vector.load %arg4[%swap3A, %swap3A_8] : memref<2000x1xf32, #tpu.memory_space<vmem>>, vector<2000x1xf32>
    tpu.vector_store %arg4[%swap3A, %swap3A_8], %rsqrt3A {strides = array<i32>} : memref<2000x1xf32, #tpu.memory_space<vmem>>, vector<2000x1xf32>,
    %div3A = arith.constant 1.000000e+00 : f32
    %div3A_10 = vector.broadcast %div3A : f32 to vector<2000x1xf32>
    %div3A_11 = arith.divf %div3A_10, %add3A_7 : vector<2000x1xf32>
    %swap3A_12 = arith.constant 0 : index
    %swap3A_13 = arith.constant 0 : index
    %swap3A_14 = vector.load %arg5[%swap3A_12, %swap3A_13] : memref<2000x1xf32, #tpu.memory_space<vmem>>, vector<2000x1xf32>
    tpu.vector_store %arg5[%swap3A_12, %swap3A_13], %div3A_11 {strides = array<i32>} : memref<2000x1xf32, #tpu.memory_space<vmem>>, vector<2000x1xf32>,
    %get3A_15 = arith.constant 0 : index
    %get3A_16 = arith.constant 0 : index
    %get3A_17 = vector.load %arg2[%get3A_15, %get3A_16] : memref<2000x128xf32, #tpu.memory_space<vmem>>, vector<2000x128xf32>
    %mul3A = vector.broadcast %rsqrt3A : vector<2000x1xf32> to vector<2000x128xf32>
    %mul3A_18 = arith.mulf %get3A_17, %mul3A : vector<2000x128xf32>
    %swap3A_19 = arith.constant 0 : index
    %swap3A_20 = arith.constant 0 : index
    %swap3A_21 = vector.load %arg3[%swap3A_19, %swap3A_20] : memref<2000x128xf32, #tpu.memory_space<vmem>>, vector<2000x128xf32>
    tpu.vector_store %arg3[%swap3A_19, %swap3A_20], %mul3A_18 {strides = array<i32>} : memref<2000x128xf32, #tpu.memory_space<vmem>>, vector<2000x128xf32>,
    return
  }
  func.func @transform_0(%arg0: i32) -> (i32, i32) {
    %c0_i32 = arith.constant 0 : i32
    %c0_i32_0 = arith.constant 0 : i32
    return %arg0, %c0_i32 : i32, i32
  }
  func.func @transform_1(%arg0: i32) -> (i32, i32) {
    %c0_i32 = arith.constant 0 : i32
    %c0_i32_0 = arith.constant 0 : i32
    return %arg0, %c0_i32 : i32, i32
  }
  func.func @transform_2(%arg0: i32) -> (i32, i32) {
    %c0_i32 = arith.constant 0 : i32
    %c0_i32_0 = arith.constant 0 : i32
    return %arg0, %c0_i32 : i32, i32
  }
  func.func @transform_3(%arg0: i32) -> (i32, i32) {
    %c0_i32 = arith.constant 0 : i32
    %c0_i32_0 = arith.constant 0 : i32
    return %arg0, %c0_i32 : i32, i32
  }
  func.func @transform_4(%arg0: i32) -> (i32, i32) {
    %c0_i32 = arith.constant 0 : i32
    %c0_i32_0 = arith.constant 0 : i32
    return %arg0, %c0_i32 : i32, i32
  }
}

module attributes {stable_mosaic.version = 14 : i64} {
  func.func @_final_body(%arg0: i32, %arg1: memref<2x2000x128xf32, #tpu.memory_space<vmem>>, %arg2: memref<2000x128xf32, #tpu.memory_space<vmem>>, %arg3: memref<2000x1xf32, #tpu.memory_space<vmem>>, %arg4: memref<128x128xf32, #tpu.memory_space<vmem>>, %arg5: memref<1x128xf32, #tpu.memory_space<vmem>>, %arg6: memref<2000x128xf32, #tpu.memory_space<vmem>>) attributes {dimension_semantics = [#tpu.dimension_semantics<arbitrary>], iteration_bounds = array<i64: 5>, scalar_prefetch = 0 : i64, scratch_operands = 0 : i64, tpu.core_type = #tpu.core_type<tc>, window_params = [{transform_indices = @transform_0, window_bounds = array<i64: 2, 2000, 128>}, {transform_indices = @transform_1, window_bounds = array<i64: 2000, 128>}, {transform_indices = @transform_2, window_bounds = array<i64: 2000, 1>}, {pipeline_mode = #tpu.pipeline_mode<synchronous>, transform_indices = @transform_3, window_bounds = array<i64: 128, 128>}, {pipeline_mode = #tpu.pipeline_mode<synchronous>, transform_indices = @transform_4, window_bounds = array<i64: 1, 128>}, {transform_indices = @transform_5, window_bounds = array<i64: 2000, 128>}]} {
    %get3A = arith.constant 0 : index
    %get3A_0 = arith.constant 0 : index
    %get3A_1 = arith.constant 0 : index
    %get3A_2 = vector.load %arg1[%get3A, %get3A_0, %get3A_1] : memref<2x2000x128xf32, #tpu.memory_space<vmem>>, vector<1x2000x128xf32>
    %get3A_3 = vector.shape_cast %get3A_2 : vector<1x2000x128xf32> to vector<2000x128xf32>
    %get3A_4 = arith.constant 1 : index
    %get3A_5 = arith.constant 0 : index
    %get3A_6 = arith.constant 0 : index
    %get3A_7 = vector.load %arg1[%get3A_4, %get3A_5, %get3A_6] : memref<2x2000x128xf32, #tpu.memory_space<vmem>>, vector<1x2000x128xf32>
    %get3A_8 = vector.shape_cast %get3A_7 : vector<1x2000x128xf32> to vector<2000x128xf32>
    %add3A = arith.addf %get3A_3, %get3A_8 : vector<2000x128xf32>
    %get3A_9 = arith.constant 0 : index
    %get3A_10 = arith.constant 0 : index
    %get3A_11 = vector.load %arg2[%get3A_9, %get3A_10] : memref<2000x128xf32, #tpu.memory_space<vmem>>, vector<2000x128xf32>
    %add3A_12 = arith.addf %add3A, %get3A_11 : vector<2000x128xf32>
    %get3A_13 = arith.constant 0 : index
    %get3A_14 = arith.constant 0 : index
    %get3A_15 = vector.load %arg3[%get3A_13, %get3A_14] : memref<2000x1xf32, #tpu.memory_space<vmem>>, vector<2000x1xf32>
    %mul3A = vector.broadcast %get3A_15 : vector<2000x1xf32> to vector<2000x128xf32>
    %mul3A_16 = arith.mulf %add3A_12, %mul3A : vector<2000x128xf32>
    %get3A_17 = arith.constant 0 : index
    %get3A_18 = arith.constant 0 : index
    %get3A_19 = vector.load %arg4[%get3A_17, %get3A_18] : memref<128x128xf32, #tpu.memory_space<vmem>>, vector<128x128xf32>
    %dot_general3A = arith.constant dense<0.000000e+00> : vector<2000x128xf32>
    %dot_general3A_20 = tpu.matmul %mul3A_16, %get3A_19, %dot_general3A {dimension_numbers = #tpu.dot_dimension_numbers<[1], [0], [0], [1], [0, 0, 1, 1], [], []>, transpose_lhs_hint = false} : vector<2000x128xf32>, vector<128x128xf32>, vector<2000x128xf32> -> vector<2000x128xf32>
    %get3A_21 = arith.constant 0 : index
    %get3A_22 = arith.constant 0 : index
    %get3A_23 = vector.load %arg5[%get3A_21, %get3A_22] : memref<1x128xf32, #tpu.memory_space<vmem>>, vector<1x128xf32>
    %add3A_24 = vector.broadcast %get3A_23 : vector<1x128xf32> to vector<2000x128xf32>
    %add3A_25 = arith.addf %dot_general3A_20, %add3A_24 : vector<2000x128xf32>
    %swap3A = arith.constant 0 : index
    %swap3A_26 = arith.constant 0 : index
    %swap3A_27 = vector.load %arg6[%swap3A, %swap3A_26] : memref<2000x128xf32, #tpu.memory_space<vmem>>, vector<2000x128xf32>
    tpu.vector_store %arg6[%swap3A, %swap3A_26], %add3A_25 {strides = array<i32>} : memref<2000x128xf32, #tpu.memory_space<vmem>>, vector<2000x128xf32>,
    return
  }
  func.func @transform_0(%arg0: i32) -> (i32, i32, i32) {
    %c0_i32 = arith.constant 0 : i32
    %c0_i32_0 = arith.constant 0 : i32
    %c0_i32_1 = arith.constant 0 : i32
    return %c0_i32, %arg0, %c0_i32_0 : i32, i32, i32
  }
  func.func @transform_1(%arg0: i32) -> (i32, i32) {
    %c0_i32 = arith.constant 0 : i32
    %c0_i32_0 = arith.constant 0 : i32
    return %arg0, %c0_i32 : i32, i32
  }
  func.func @transform_2(%arg0: i32) -> (i32, i32) {
    %c0_i32 = arith.constant 0 : i32
    %c0_i32_0 = arith.constant 0 : i32
    return %arg0, %c0_i32 : i32, i32
  }
  func.func @transform_3(%arg0: i32) -> (i32, i32) {
    %c0_i32 = arith.constant 0 : i32
    %c0_i32_0 = arith.constant 0 : i32
    %c0_i32_1 = arith.constant 0 : i32
    return %c0_i32, %c0_i32_0 : i32, i32
  }
  func.func @transform_4(%arg0: i32) -> (i32, i32) {
    %c0_i32 = arith.constant 0 : i32
    %c0_i32_0 = arith.constant 0 : i32
    %c0_i32_1 = arith.constant 0 : i32
    return %c0_i32, %c0_i32_0 : i32, i32
  }
  func.func @transform_5(%arg0: i32) -> (i32, i32) {
    %c0_i32 = arith.constant 0 : i32
    %c0_i32_0 = arith.constant 0 : i32
    return %arg0, %c0_i32 : i32, i32
  }
}

module attributes {stable_mosaic.version = 14 : i64} {
  func.func @_combine_body(%arg0: i32, %arg1: memref<2x2000x128xf32, #tpu.memory_space<vmem>>, %arg2: memref<2000x128xf32, #tpu.memory_space<vmem>>, %arg3: memref<2000x1xf32, #tpu.memory_space<vmem>>, %arg4: memref<2000x128xf32, #tpu.memory_space<vmem>>) attributes {dimension_semantics = [#tpu.dimension_semantics<arbitrary>], iteration_bounds = array<i64: 5>, scalar_prefetch = 0 : i64, scratch_operands = 0 : i64, tpu.core_type = #tpu.core_type<tc>, window_params = [{transform_indices = @transform_0, window_bounds = array<i64: 2, 2000, 128>}, {transform_indices = @transform_1, window_bounds = array<i64: 2000, 128>}, {transform_indices = @transform_2, window_bounds = array<i64: 2000, 1>}, {transform_indices = @transform_3, window_bounds = array<i64: 2000, 128>}]} {
    %get3A = arith.constant 0 : index
    %get3A_0 = arith.constant 0 : index
    %get3A_1 = arith.constant 0 : index
    %get3A_2 = vector.load %arg1[%get3A, %get3A_0, %get3A_1] : memref<2x2000x128xf32, #tpu.memory_space<vmem>>, vector<1x2000x128xf32>
    %get3A_3 = vector.shape_cast %get3A_2 : vector<1x2000x128xf32> to vector<2000x128xf32>
    %get3A_4 = arith.constant 1 : index
    %get3A_5 = arith.constant 0 : index
    %get3A_6 = arith.constant 0 : index
    %get3A_7 = vector.load %arg1[%get3A_4, %get3A_5, %get3A_6] : memref<2x2000x128xf32, #tpu.memory_space<vmem>>, vector<1x2000x128xf32>
    %get3A_8 = vector.shape_cast %get3A_7 : vector<1x2000x128xf32> to vector<2000x128xf32>
    %add3A = arith.addf %get3A_3, %get3A_8 : vector<2000x128xf32>
    %get3A_9 = arith.constant 0 : index
    %get3A_10 = arith.constant 0 : index
    %get3A_11 = vector.load %arg2[%get3A_9, %get3A_10] : memref<2000x128xf32, #tpu.memory_space<vmem>>, vector<2000x128xf32>
    %add3A_12 = arith.addf %add3A, %get3A_11 : vector<2000x128xf32>
    %get3A_13 = arith.constant 0 : index
    %get3A_14 = arith.constant 0 : index
    %get3A_15 = vector.load %arg3[%get3A_13, %get3A_14] : memref<2000x1xf32, #tpu.memory_space<vmem>>, vector<2000x1xf32>
    %mul3A = vector.broadcast %get3A_15 : vector<2000x1xf32> to vector<2000x128xf32>
    %mul3A_16 = arith.mulf %add3A_12, %mul3A : vector<2000x128xf32>
    %swap3A = arith.constant 0 : index
    %swap3A_17 = arith.constant 0 : index
    %swap3A_18 = vector.load %arg4[%swap3A, %swap3A_17] : memref<2000x128xf32, #tpu.memory_space<vmem>>, vector<2000x128xf32>
    tpu.vector_store %arg4[%swap3A, %swap3A_17], %mul3A_16 {strides = array<i32>} : memref<2000x128xf32, #tpu.memory_space<vmem>>, vector<2000x128xf32>,
    return
  }
  func.func @transform_0(%arg0: i32) -> (i32, i32, i32) {
    %c0_i32 = arith.constant 0 : i32
    %c0_i32_0 = arith.constant 0 : i32
    %c0_i32_1 = arith.constant 0 : i32
    return %c0_i32, %arg0, %c0_i32_0 : i32, i32, i32
  }
  func.func @transform_1(%arg0: i32) -> (i32, i32) {
    %c0_i32 = arith.constant 0 : i32
    %c0_i32_0 = arith.constant 0 : i32
    return %arg0, %c0_i32 : i32, i32
  }
  func.func @transform_2(%arg0: i32) -> (i32, i32) {
    %c0_i32 = arith.constant 0 : i32
    %c0_i32_0 = arith.constant 0 : i32
    return %arg0, %c0_i32 : i32, i32
  }
  func.func @transform_3(%arg0: i32) -> (i32, i32) {
    %c0_i32 = arith.constant 0 : i32
    %c0_i32_0 = arith.constant 0 : i32
    return %arg0, %c0_i32 : i32, i32
  }
}

</mosaic_0001>

<sc_bundles>
// kernel: kernel.11.cloned.1.call-start
scs
__scs_entry_jumppad:
0x0: {  	(pc) =	sbr.rel $0x88, $3  }
0x1: {  	(tag) =	ssettag $0x0;
	lr =	simm.s32 $0x1  }
0x2: {  	[smem:$0x3F9D] =	sst lr;
	_ =	strace $0xD0000000  }
0x3: {  	_ = 	snop  }
0x4: {  	_ = 	snop  }
0x5: {  	_ = 	snop  }
0x6: {  	_ = 	snop  }
0x7: {  	_ = 	snop  }
__scs_overlays_trampoline_lowered:
0x8: {  	[smem:$0x3FAC] =	sst s0  }
0x9: {  	[smem:$0x3FAD] =	sst s1  }
0xa: {  	[smem:$0x3FAE] =	sst s2  }
0xb: {  	[smem:$0x3FAF] =	sst s3  }
0xc: {  	[smem:$0x3FB0] =	sst s4  }
0xd: {  	[smem:$0x3FB1] =	sst s5  }
0xe: {  	[smem:$0x3FB2] =	sst s6  }
0xf: {  	[smem:$0x3FB3] =	sst s7  }
0x10: {  	[smem:$0x3FB4] =	sst s8  }
0x11: {  	[smem:$0x3FB5] =	sst s9;
	s0 =	simm.s32 @!p0 $0x0  }
0x12: {  	s1 =	sld [smem:$0x3F9B];
	s0 =	simm.s32 @p0 $0x1  }
0x13: {  	[smem:$0x3FB6] =	sst s0;
	s0 =	simm.s32 @!p1 $0x0  }
0x14: {  	s2 =	sld [smem:$0x3F9A];
	s0 =	simm.s32 @p1 $0x1  }
0x15: {  	[smem:$0x3FB7] =	sst s0;
	s0 =	simm.s32 @!p2 $0x0  }
0x16: {  	s3 =	sld [smem:$0x3FDB];
	s0 =	simm.s32 @p2 $0x1  }
0x17: {  	s4 =	simm.s32 $0x1BF5;
	[smem:$0x3FB9] =	sst s0  }
0x18: {  	s0 =	sld [smem:$0x3F9C];
	_ =	swait.ge [sflag:s4], $0x0  }
0x19: {  	s7 =	sld [smem:$0x3F9D]  }
0x1a: {  	s8 =	sadd.s32 $0xFFFFE003, lr  }
0x1b: {  	s9 =	sadd.s32 $0xFFFFFEF7, lr;
	s5 =	simm.s32 $0xFFFFFFFF;
	p2 =	slt.u32 s8, $0xFFFFF086  }
0x1c: {  	p1 =	slt.u32 s9, $0xF7A;
	s5 =	simm.s32 @!p2 $0x0  }
0x1d: {  	s5 =	simm.s32 @p1 $0x1;
	p0 =	seq.s32 s7, s2  }
0x1e: {  	s7 =	smul.u32 @!p0 $0xF7A, s2;
	p2 =	seq.s32 @!p0 s5, $0x0  }
0x1f: {  	s9 =	smul.u32 $0xF7A, s1;
	s8 =	simm.s32 @!p0 $0x1BF5;
	p2 =	por !p2, p0  }
0x20: {  	[sflag:s8] =	ssyncset.s32 @!p0 $0xFFFFF086;
	s6 =	sadd.s32 @!p0 s3, s7;
	s7 =	simm.s32 @!p0 $0x108  }
0x21: {  	s3 =	sadd.s32 s3, s9;
	s6 =	sadd.s32 @!p0 $0x88, s6;
	s7 =	simm.s32 @p2 $0x1082  }
0x22: {  	[simem:s7], [sflag:s8] =	dma.local @!p0 [hbm:s6], $0xF7A  }
0x23: {  	s9 =	sor.u32 $0xD0000000, s2;
	s6 =	simm.s32 $0x108;
	_ =	swait.ge @!p0 [sflag:s8], $0x0  }
0x24: {  	s3 =	sadd.s32 $0x88, s3;
	s6 =	simm.s32 @!p1 $0x1082;
	[sflag:s4] =	ssyncset.s32 $0xFFFFF086  }
0x25: {  	[simem:s6], [sflag:s4] =	dma.local [hbm:s3], $0xF7A  }
0x26: {  	[smem:$0x3F9D] =	sst s1;
	(tag) =	ssettag s2;
	_ =	strace s9  }
0x27: {  	s1 =	sld [smem:$0x3FAD]  }
0x28: {  	s2 =	sld [smem:$0x3FAE]  }
0x29: {  	s4 =	sld [smem:$0x3FB0]  }
0x2a: {  	p0 =	seq.s32 s5, $0x0;
	s5 =	sld [smem:$0x3FB1]  }
0x2b: {  	s6 =	sld [smem:$0x3FB2]  }
0x2c: {  	s7 =	sld [smem:$0x3FB3]  }
0x2d: {  	s3 =	simm.s32 $0x108;
	s8 =	sld [smem:$0x3FB4]  }
0x2e: {  	s3 =	simm.s32 @!p0 $0x1082;
	s9 =	sld [smem:$0x3FB5]  }
0x2f: {  	lr =	sadd.s32 s0, s3;
	s0 =	sld [smem:$0x3FAC]  }
0x30: {  	s3 =	sld [smem:$0x3FAF]  }
0x31: {  	[smem:$0x3FB8] =	sst s10  }
0x32: {  	s10 =	sld [smem:$0x3FB6];
	_ =	sdelay $0x3  }
0x33: {  	p0 =	seq.s32 s10, $0x1;
	s10 =	sld [smem:$0x3FB8];
	_ =	sdelay $0x3  }
0x34: {  	[smem:$0x3FB8] =	sst s10  }
0x35: {  	s10 =	sld [smem:$0x3FB7];
	_ =	sdelay $0x3  }
0x36: {  	p1 =	seq.s32 s10, $0x1;
	s10 =	sld [smem:$0x3FB8];
	_ =	sdelay $0x3  }
0x37: {  	[smem:$0x3FB8] =	sst s10  }
0x38: {  	s10 =	sld [smem:$0x3FB9]  }
0x39: {  	_ = 	snop;
	(pc) =	sbr.ind lr, $3  }
0x3a: {  	_ = 	snop  }
0x3b: {  	_ = 	snop  }
0x3c: {  	p2 =	seq.s32 s10, $0x1;
	s10 =	sld [smem:$0x3FB8]  }
0x3d: {  	_ =	shalt  }
0x3e: {  	_ =	shalt  }
0x3f: {  	_ =	shalt  }
0x40: {  	_ =	shalt  }
0x41: {  	_ =	shalt  }
0x42: {  	_ =	shalt  }
0x43: {  	_ =	shalt  }
0x44: {  	_ =	shalt  }
0x45: {  	_ =	shalt  }
0x46: {  	_ =	shalt  }
0x47: {  	_ =	shalt  }
0x48: {  	_ =	shalt  }
0x49: {  	_ =	shalt  }
0x4a: {  	_ =	shalt  }
0x4b: {  	_ =	shalt  }
0x4c: {  	_ =	shalt  }
0x4d: {  	_ =	shalt  }
0x4e: {  	_ =	shalt  }
0x4f: {  	_ =	shalt  }
0x50: {  	_ =	shalt  }
0x51: {  	_ =	shalt  }
0x52: {  	_ =	shalt  }
0x53: {  	_ =	shalt  }
0x54: {  	_ =	shalt  }
0x55: {  	_ =	shalt  }
0x56: {  	_ =	shalt  }
0x57: {  	_ =	shalt  }
0x58: {  	_ =	shalt  }
0x59: {  	_ =	shalt  }
0x5a: {  	_ =	shalt  }
0x5b: {  	_ =	shalt  }
0x5c: {  	_ =	shalt  }
0x5d: {  	_ =	shalt  }
0x5e: {  	_ =	shalt  }
0x5f: {  	_ =	shalt  }
0x60: {  	_ =	shalt  }
0x61: {  	_ =	shalt  }
0x62: {  	_ =	shalt  }
0x63: {  	_ =	shalt  }
0x64: {  	_ =	shalt  }
0x65: {  	_ =	shalt  }
0x66: {  	_ =	shalt  }
0x67: {  	_ =	shalt  }
0x68: {  	_ =	shalt  }
0x69: {  	_ =	shalt  }
0x6a: {  	_ =	shalt  }
0x6b: {  	_ =	shalt  }
0x6c: {  	_ =	shalt  }
0x6d: {  	_ =	shalt  }
0x6e: {  	_ =	shalt  }
0x6f: {  	_ =	shalt  }
0x70: {  	_ =	shalt  }
0x71: {  	_ =	shalt  }
0x72: {  	_ =	shalt  }
0x73: {  	_ =	shalt  }
0x74: {  	_ =	shalt  }
0x75: {  	_ =	shalt  }
0x76: {  	_ =	shalt  }
0x77: {  	_ =	shalt  }
0x78: {  	_ =	shalt  }
0x79: {  	_ =	shalt  }
0x7a: {  	_ =	shalt  }
0x7b: {  	_ =	shalt  }
0x7c: {  	_ =	shalt  }
0x7d: {  	_ =	shalt  }
0x7e: {  	_ =	shalt  }
0x7f: {  	_ =	shalt  }
0x80: {  	_ =	shalt  }
0x81: {  	_ =	shalt  }
0x82: {  	_ =	shalt  }
0x83: {  	_ =	shalt  }
0x84: {  	_ =	shalt  }
0x85: {  	_ =	shalt  }
0x86: {  	_ =	shalt  }
0x87: {  	_ =	shalt  }
.Lfunc_end0:
.L_simem_size_0:
called_computation.1_lowered:
.L_overlay_start_0:
0x88: {  	s2 =	sld [smem:$0x3FD9]  }
0x89: {  	s3 =	sld [smem:$0x3FFE];
	_ =	sdelay $0x1  }
0x8a: {  	s1 =	srdreg.scid  }
0x8b: {  	s0 =	sand.u32 $0x1, s1  }
0x8c: {  	s17 =	sshll.u32 s0, $0xA;
	s2 =	sadd.s32 s3, s2  }
0x8d: {  	s2 =	sadd.s32 s2, s17  }
0x8e: {  	[smem:$0x3FC4] =	sst s2  }
0x8f: {  	_ = 	snop  }
0x90: {  	s2 =	sld [smem:$0x3FD0];
	(tm) =	ssettm $0x1  }
0x91: {  	s18 =	sld [smem:$0x3FFB];
	_ =	sdelay $0x3  }
0x92: {  	_ =	strace s18  }
0x93: {  	s3 =	sld [smem:$0x3FFC];
	_ =	sdelay $0x3  }
0x94: {  	_ =	strace s3  }
0x95: {  	s3 =	sld [smem:$0x3FFD];
	_ =	sdelay $0x3  }
0x96: {  	_ =	strace s3  }
0x97: {  	_ =	strace $0x8FFFFFFF  }
0x98: {  	s19 =	sld [smem:$0x3FDB];
	_ =	sdelay $0x1  }
0x99: {  	s4 =	simm.s32 $_scs_section_size  }
0x9a: {  	s5 =	simm.s32 $_size__tile_overlayer_lowered;
	s6 =	simm.s32 $_tile_overlayer_lowered  }
0x9b: {  	s22 =	simm.s32 $0x1BFF;
	s21 =	sshll.u32 s6, $0x1;
	s3 =	sadd.s32 s4, s19  }
0x9c: {  	s7 =	simm.s32 $0x0;
	s20 =	sshll.u32 s5, $0x1;
	s5 =	sadd.s32 s21, s3  }
0x9d: {  	[timem:s7], [sflag:s22] =	dma.local [hbm:s5], s20  }
0x9e: {  	_ =	swait.ge [sflag:s22], s20  }
0x9f: {  	s4 =	ssub.s32 $0x0, s20;
	[sflag:s22] =	ssyncset.done $0x0  }
0xa0: {  	[sflag:s22] =	ssyncadd.s32 s4;
	_ =	sdelay $0x1  }
0xa1: {  	s23 =	simm.s32 $0x1B8B  }
0xa2: {  	_ =	swait.ge [sflag:s23], $0x1  }
0xa3: {  	[sflag:s23] =	ssyncset.done $0x0  }
0xa4: {  	s25 =	simm.s32 $0x1B8E;
	s24 =	sld [smem:$0x3FFE];
	[sflag:s23] =	ssyncadd.s32 $0xFFFFFFFF  }
0xa5: {  	s26 =	simm.s32 $execute0_lowered;
	[smem:$0x3FD2] =	sst s25  }
0xa6: {  	s5 =	sshll.u32 s26, $0x1;
	_ =	strace $0x80000049;
	[dreg:$0x1] =	wrdreg $0xFFFFFFFF  }
0xa7: {  	s28 =	simm.s32 $_size_execute0_lowered;
	s3 =	sadd.s32 s3, s5;
	[dreg:$0x0] =	wrdreg $0x0  }
0xa8: {  	s5 =	sshll.u32 s28, $0x1;
	[dreg:$0x2] =	wrdreg s3  }
0xa9: {  	[dreg:$0x3] =	wrdreg s5  }
0xaa: {  	[dreg:$0x4] =	wrdreg $0xC0  }
0xab: {  	_ =	task [dreg:s7], $0x5FFFF  }
0xac: {  	[dreg:$0x1] =	wrdreg $0xFFFFFFFF  }
0xad: {  	[dreg:$0x0] =	wrdreg $0x60  }
0xae: {  	[dreg:$0x2] =	wrdreg s2  }
0xaf: {  	[dreg:$0x3] =	wrdreg s24  }
0xb0: {  	[dreg:$0x4] =	wrdreg $0xA8000  }
0xb1: {  	[dreg:$0x5] =	wrdreg $0x9  }
0xb2: {  	_ =	task.clear_ibuf [dreg:s7], $0x6FFFF;
	_ =	strace $0x90000049  }
0xb3: {  	s29 =	simm.s32 $0x9;
	_ =	strace $0x8000004B  }
0xb4: {  	_ =	swait.ge [sflag:s29], $0x1  }
0xb5: {  	[sflag:s29] =	ssyncadd.s32 $0xFFFFFFFF  }
0xb6: {  	_ =	strace $0x9000004B  }
0xb7: {  	_ =	sfence  }
0xb8: {  	s30 =	sld [smem:$0x0];
	_ =	sdelay $0x2  }
0xb9: {  	s31 =	sshll.u32 s1, $0xD;
	s1 =	sshrl.u32 s1, $0x2  }
0xba: {  	s3 =	sand.u32 $0x4000, s31;
	s1 =	sadd.s32 s1, s30  }
0xbb: {  	s0 =	sor.u32 s3, s0;
	s1 =	sshll.u32 s1, $0x11  }
0xbc: {  	s0 =	sor.u32 s1, s0  }
0xbd: {  	s0 =	sadd.s32 $0x8F2B, s0  }
0xbe: {  	[sflag:s0] =	ssyncadd.remote.s32 $0x1  }
0xbf: {  	_ =	sfence.sel $0xFFFF  }
0xc0: {  	[dreg:$0x0] =	wrdreg $0xFFFFFFFF;
	(pc) =	sbr.abs _section_cstart, $3  }
0xc1: {  	[dreg:$0x1] =	wrdreg $0xFFFFFFFF  }
0xc2: {  	_ =	task.clear_ibuf [dreg:s7], $0x2FFFF;
	_ =	strace $0x9FFFFFFF  }
0xc3: {  	(tm) =	ssettm $0x7FFFFFFF  }
tec
execute0_lowered:
.L_overlay_start_1:
0x0: {  	(tag) =	ssettag $0x1  }
0x1: {  	s2 =	rddreg [dreg:$0x0]  }
0x2: {  	s0 =	rddreg [dreg:$0x1]  }
0x3: {  	s3 =	rddreg [dreg:$0x2];
	s9 =	stileid.u32  }
0x4: {  	s5 =	srdreg.scid;
	s4 =	simm.s32 $0x0;
	s11 =	simm.s32 $0x38  }
0x5: {  	s29 =	simm.s32 $0x2700;
	s1 =	smul.u32 $0x14000, s9;
	s5 =	sand.u32 $0x1, s5  }
0x6: {  	[smem:$0x7FF] =	sst s4;
	s10 =	sadd.s32 $0x1C00, s0;
	s19 =	smul.u32 $0x50000, s9  }
0x7: {  	s21 =	sshll.u32 s9, $0x6;
	s28 =	sadd.s32 $0xB800, s0;
	s7 =	smul.u32 $0x140000, s5  }
0x8: {  	_ =	strace $0x8000004A;
	s18 =	ssub.s32 $0x2, s5;
	s5 =	sshll.u32 s5, $0x4  }
0x9: {  	[dreg:$0x5] =	wrdreg s28;
	s6 =	sshrl.u32 s1, $0x3;
	s8 =	sshrl.u32 s18, $0x1  }
0xa: {  	s13 =	sor.u32 s9, s5;
	s20 =	sshrl.u32 s19, $0x2;
	s6 =	sadd.s32 s6, s0  }
0xb: {  	s1 =	sadd.s32 s1, s7;
	s12 =	ssub.s32 s18, s8;
	s5 =	smul.u32 $0x50, s13  }
0xc: {  	p0 =	seq.s32 s13, $0x1E;
	s7 =	simm.s32 $0x960;
	p1 =	slt.u32 s13, $0x1E  }
0xd: {  	s30 =	sadd.s32 s20, s3;
	s20 =	simm.s32 $0x3;
	s1 =	sshrl.u32 s1, $0x3  }
0xe: {  	s7 =	simm.s32 @!p0 $0x998;
	s11 =	simm.s32 @!p0 $0x28;
	s12 =	smax.u32 s12, $0x1  }
0xf: {  	p0 =	seq.s32 s13, $0x1F;
	s1 =	sadd.s32 s1, s0;
	s7 =	smov.u32 @p1 s5  }
0x10: {  	s11 =	simm.s32 @p1 $0x50;
	s5 =	sadd.s32 $0x15600, s6;
	s0 =	sadd.s32 $0x15480, s0  }
0x11: {  	s22 =	sshll.u32 s7, $0x4;
	s14 =	sadd.s32 s11, s7;
	s7 =	sor.u32 $0x1C03, s21  }
0x12: {  	s16 =	ssub.s32 $0x50, s11;
	[dreg:$0x6] =	wrdreg s0;
	s21 =	simm.s32 $0x1400  }
0x13: {  	s0 =	simm.s32 $0x0;
	s8 =	sadd.s32 s10, s22;
	s14 =	sshll.u32 s14, $0x7  }
0x14: {  	s24 =	sshll.u32 s16, $0x7;
	s26 =	sshrl.u32 s16, $0x1;
	s16 =	sadd.s32 $0x3D600, s1  }
0x15: {  	s22 =	simm.s32 $0x80;
	s9 =	sadd.s32 $0x9C80, s8;
	s15 =	sadd.s32 $0xFFFFEC00, s14  }
0x16: {  	s14 =	sshrl.u32 s14, $0x3;
	s25 =	sand.u32 $0x3FFFFC00, s24;
	s31 =	smax.u32 s26, $0x13  }
.Ltmp0:
0x17: {  	s6 =	ssub.s32 $0x0, s26;
	s19 =	sshll.u32 s26, $0xA;
	(pc) =	sbr.rel .LBB2_1-.Ltmp0, $4  }
0x18: {  	s24 =	simm.s32 $0x6800;
	s26 =	simm.s32 $0x2;
	s23 =	sshrl.u32 s15, $0x3  }
0x19: {  	s14 =	sadd.s32 s10, s14;
	[dreg:$0x4] =	wrdreg s25;
	s17 =	sxor.u32 $0xFFFFFFFF, s31  }
0x1a: {  	s25 =	simm.s32 $0x1;
	[dreg:$0x7] =	wrdreg s6;
	s11 =	sadd.s32 s10, s23  }
0x1b: {  	s15 =	sadd.s32 $0x9A00, s14;
	s23 =	simm.s32 $0x2800;
	s10 =	simm.s32 $0x1380  }
.LBB2_11:
0x1c: {  	s1 =	rddreg [dreg:$0x5]  }
0x1d: {  	[tilespmem:s4], [sflag:$0x3] =	stream.linear.gather [hbm4b:s1+s4], $0x200, $0x38;
	[tilespmem:$0x1E800] =	vst v63  }
0x1e: {  	_ =	swait.ge [sflag:s20], $0x200  }
0x1f: {  	[sflag:s20] =	ssyncset.done $0x0  }
0x20: {  	s18 =	rddreg [dreg:$0x6];
	[sflag:s20] =	ssyncadd.s32 $0xFFFFFE00  }
0x21: {  	[tilespmem:s21], [sflag:$0x3] =	stream.linear.gather [hbm4b:s18+s4], $0x200, $0x38;
	[tilespmem:$0x1E800] =	vst v63  }
0x22: {  	_ =	swait.ge [sflag:s20], $0x200  }
0x23: {  	[sflag:s20] =	ssyncset.done $0x0  }
0x24: {  	[sflag:s20] =	ssyncadd.s32 $0xFFFFFE00  }
0x25: {  	[tilespmem:s23], [sflag:$0x1] =	stream.indirect.gather [hbm4b:s2+s22], $0x80, s4, s22, $0xb8;
	[tilespmem:$0x1E800] =	vst v63  }
0x26: {  	_ =	swait.ge [sflag:s25], $0x4000  }
0x27: {  	[sflag:s25] =	ssyncset.done $0x0  }
0x28: {  	[sflag:s25] =	ssyncadd.s32 $0xFFFFC000  }
0x29: {  	[spmem:s3] =	stream.indirect.scatter.add.f32 [tilespmem:s23], [sflag:$0x3], $0x80, s21, s22, $0xb8;
	[tilespmem:$0x1E800] =	vst v63  }
0x2a: {  	_ =	swait.ge [sflag:s20], $0x4000  }
0x2b: {  	[sflag:s20] =	ssyncset.done $0x0  }
0x2c: {  	[sflag:s20] =	ssyncadd.s32 $0xFFFFC000  }
0x2d: {  	[tilespmem:s23], [sflag:$0x1] =	stream.indirect.gather [hbm4b:s2+s22], $0x80, s22, s22, $0xb8;
	[tilespmem:$0x1E800] =	vst v63  }
0x2e: {  	_ =	swait.ge [sflag:s25], $0x4000  }
0x2f: {  	[sflag:s25] =	ssyncset.done $0x0  }
0x30: {  	s28 =	simm.s32 $0x1480;
	[sflag:s25] =	ssyncadd.s32 $0xFFFFC000  }
0x31: {  	[spmem:s3] =	stream.indirect.scatter.add.f32 [tilespmem:s23], [sflag:$0x3], $0x80, s28, s22, $0xb8;
	[tilespmem:$0x1E800] =	vst v63  }
0x32: {  	_ =	swait.ge [sflag:s20], $0x4000  }
0x33: {  	[sflag:s20] =	ssyncset.done $0x0  }
0x34: {  	s13 =	simm.s32 $0x100;
	[sflag:s20] =	ssyncadd.s32 $0xFFFFC000  }
0x35: {  	[tilespmem:s23], [sflag:$0x1] =	stream.indirect.gather [hbm4b:s2+s22], $0x80, s13, s22, $0xb8;
	[tilespmem:$0x1E800] =	vst v63  }
0x36: {  	_ =	swait.ge [sflag:s25], $0x4000  }
0x37: {  	[sflag:s25] =	ssyncset.done $0x0  }
0x38: {  	s14 =	simm.s32 $0x1500;
	[sflag:s25] =	ssyncadd.s32 $0xFFFFC000  }
0x39: {  	[spmem:s3] =	stream.indirect.scatter.add.f32 [tilespmem:s23], [sflag:$0x3], $0x80, s14, s22, $0xb8;
	[tilespmem:$0x1E800] =	vst v63  }
0x3a: {  	_ =	swait.ge [sflag:s20], $0x4000  }
0x3b: {  	[sflag:s20] =	ssyncset.done $0x0  }
0x3c: {  	s18 =	simm.s32 $0x180;
	[sflag:s20] =	ssyncadd.s32 $0xFFFFC000  }
0x3d: {  	[tilespmem:s23], [sflag:$0x1] =	stream.indirect.gather [hbm4b:s2+s22], $0x80, s18, s22, $0xb8;
	[tilespmem:$0x1E800] =	vst v63  }
0x3e: {  	_ =	swait.ge [sflag:s25], $0x4000  }
0x3f: {  	[sflag:s25] =	ssyncset.done $0x0  }
0x40: {  	s28 =	simm.s32 $0x1580;
	[sflag:s25] =	ssyncadd.s32 $0xFFFFC000  }
0x41: {  	[spmem:s3] =	stream.indirect.scatter.add.f32 [tilespmem:s23], [sflag:$0x3], $0x80, s28, s22, $0xb8;
	[tilespmem:$0x1E800] =	vst v63  }
0x42: {  	_ =	swait.ge [sflag:s20], $0x4000  }
0x43: {  	[sflag:s20] =	ssyncset.done $0x0  }
0x44: {  	[sflag:s20] =	ssyncadd.s32 $0xFFFFC000  }
.LBB2_12:
0x45: {  	s0 =	sadd.s32 $0x1, s0  }
0x46: {  	p1 =	sne.s32 s0, s12  }
.Ltmp1:
0x47: {  	[bflag:$0x0] =	sbarrier.arrive $0xFFFF;
	(pc) =	sbr.rel @!p1 .LBB2_13-.Ltmp1, $4  }
0x48: {  	[hbm:s16], [sflag:s7] =	dma.local [spmem:s31], $0x2800  }
0x49: {  	_ =	swait.ge [sflag:s20], $0x2800  }
0x4a: {  	[sflag:s20] =	ssyncset.done $0x0  }
0x4b: {  	[sflag:s20] =	ssyncadd.s32 $0xFFFFD800  }
.LBB2_1:
0x4c: {  	s31 =	sshrl.u32 s30, $0x3  }
0x4d: {  	[spmem:s31], [sflag:s7] =	dma.local [hbm:s5], $0x2800  }
0x4e: {  	_ =	swait.ge [sflag:s20], $0x2800  }
0x4f: {  	[sflag:s20] =	ssyncset.done $0x0  }
0x50: {  	[sflag:s20] =	ssyncadd.s32 $0xFFFFD800  }
0x51: {  	[bflag:$0x0] =	sbarrier.arrive $0xFFFF  }
0x52: {  	[tilespmem:s4], [sflag:$0x3] =	stream.linear.gather [hbm4b:s8+s4], $0x1400, $0x38;
	[tilespmem:$0x1E800] =	vst v63  }
0x53: {  	_ =	swait.ge [sflag:s20], $0x1400  }
0x54: {  	[sflag:s20] =	ssyncset.done $0x0  }
0x55: {  	[sflag:s20] =	ssyncadd.s32 $0xFFFFEC00  }
0x56: {  	[tilespmem:s21], [sflag:$0x3] =	stream.linear.gather [hbm4b:s9+s4], $0x1400, $0x38;
	[tilespmem:$0x1E800] =	vst v63  }
0x57: {  	_ =	swait.ge [sflag:s20], $0x1400  }
0x58: {  	[sflag:s20] =	ssyncset.done $0x0  }
0x59: {  	[sflag:s20] =	ssyncadd.s32 $0xFFFFEC00  }
0x5a: {  	[tilespmem:s23], [sflag:$0x1] =	stream.indirect.gather [hbm4b:s2+s22], $0x80, s4, s22, $0xb8;
	[tilespmem:$0x1E800] =	vst v63  }
0x5b: {  	s1 =	simm.s32 $0x80  }
0x5c: {  	[tilespmem:s24], [sflag:$0x2] =	stream.indirect.gather [hbm4b:s2+s22], $0x80, s1, s22, $0xb8;
	[tilespmem:$0x1E800] =	vst v63  }
0x5d: {  	_ =	swait.ge [sflag:s25], $0x4000  }
0x5e: {  	[sflag:s25] =	ssyncset.done $0x0  }
0x5f: {  	s14 =	simm.s32 $0x1400;
	[sflag:s25] =	ssyncadd.s32 $0xFFFFC000  }
0x60: {  	[spmem:s3] =	stream.indirect.scatter.add.f32 [tilespmem:s23], [sflag:$0x3], $0x80, s14, s22, $0xb8;
	[tilespmem:$0x1E800] =	vst v63  }
0x61: {  	_ =	swait.ge [sflag:s20], $0x4000  }
0x62: {  	[sflag:s20] =	ssyncset.done $0x0  }
0x63: {  	s18 =	simm.s32 $0x100;
	[sflag:s20] =	ssyncadd.s32 $0xFFFFC000  }
0x64: {  	[tilespmem:s23], [sflag:$0x1] =	stream.indirect.gather [hbm4b:s2+s22], $0x80, s18, s22, $0xb8;
	[tilespmem:$0x1E800] =	vst v63  }
0x65: {  	_ =	swait.ge [sflag:s26], $0x4000  }
0x66: {  	[sflag:s26] =	ssyncset.done $0x0  }
0x67: {  	s28 =	simm.s32 $0x1480;
	[sflag:s26] =	ssyncadd.s32 $0xFFFFC000  }
0x68: {  	[spmem:s3] =	stream.indirect.scatter.add.f32 [tilespmem:s24], [sflag:$0x3], $0x80, s28, s22, $0xb8;
	[tilespmem:$0x1E800] =	vst v63  }
0x69: {  	_ =	swait.ge [sflag:s20], $0x4000  }
0x6a: {  	s13 =	simm.s32 $0x800;
	s1 =	simm.s32 $0x100;
	[sflag:s20] =	ssyncset.done $0x0  }
.LBB2_2:
0x6b: {  	s14 =	sadd.s32 $0x80, s1  }
0x6c: {  	[sflag:s20] =	ssyncadd.s32 $0xFFFFC000;
	s18 =	smov.u32 s13;
	s28 =	sadd.s32 $0x400, s13  }
0x6d: {  	[tilespmem:s24], [sflag:$0x2] =	stream.indirect.gather [hbm4b:s2+s22], $0x80, s14, s22, $0xb8;
	[tilespmem:$0x1E800] =	vst v63  }
0x6e: {  	p1 =	sne.s32 s13, $0x4800;
	_ =	swait.ge [sflag:s25], $0x4000  }
0x6f: {  	[sflag:s25] =	ssyncset.done $0x0  }
0x70: {  	s13 =	sadd.s32 $0x1400, s1;
	[sflag:s25] =	ssyncadd.s32 $0xFFFFC000  }
0x71: {  	[spmem:s3] =	stream.indirect.scatter.add.f32 [tilespmem:s23], [sflag:$0x3], $0x80, s13, s22, $0xb8;
	[tilespmem:$0x1E800] =	vst v63  }
0x72: {  	_ =	swait.ge [sflag:s20], $0x4000  }
0x73: {  	[sflag:s20] =	ssyncset.done $0x0  }
0x74: {  	s13 =	sadd.s32 $0x100, s1;
	[sflag:s20] =	ssyncadd.s32 $0xFFFFC000  }
0x75: {  	[tilespmem:s23], [sflag:$0x1] =	stream.indirect.gather [hbm4b:s2+s22], $0x80, s13, s22, $0xb8;
	[tilespmem:$0x1E800] =	vst v63  }
0x76: {  	_ =	swait.ge [sflag:s26], $0x4000  }
.Ltmp2:
0x77: {  	[sflag:s26] =	ssyncset.done $0x0;
	(pc) =	sbr.rel @p1 .LBB2_2-.Ltmp2, $4  }
0x78: {  	s1 =	sadd.s32 $0x1480, s1;
	[sflag:s26] =	ssyncadd.s32 $0xFFFFC000  }
0x79: {  	[spmem:s3] =	stream.indirect.scatter.add.f32 [tilespmem:s24], [sflag:$0x3], $0x80, s1, s22, $0xb8;
	[tilespmem:$0x1E800] =	vst v63  }
0x7a: {  	_ =	swait.ge [sflag:s20], $0x4000  }
0x7b: {  	s13 =	smov.u32 s28;
	s1 =	sshra.s32 s18, $0x2;
	[sflag:s20] =	ssyncset.done $0x0  }
0x7c: {  	s13 =	sadd.s32 $0x80, s1;
	[sflag:s20] =	ssyncadd.s32 $0xFFFFC000  }
0x7d: {  	[tilespmem:s24], [sflag:$0x2] =	stream.indirect.gather [hbm4b:s2+s22], $0x80, s13, s22, $0xb8;
	[tilespmem:$0x1E800] =	vst v63  }
0x7e: {  	_ =	swait.ge [sflag:s25], $0x4000  }
0x7f: {  	[sflag:s25] =	ssyncset.done $0x0  }
0x80: {  	s28 =	sadd.s32 $0x1400, s1;
	[sflag:s25] =	ssyncadd.s32 $0xFFFFC000  }
0x81: {  	[spmem:s3] =	stream.indirect.scatter.add.f32 [tilespmem:s23], [sflag:$0x3], $0x80, s28, s22, $0xb8;
	[tilespmem:$0x1E800] =	vst v63  }
0x82: {  	_ =	swait.ge [sflag:s20], $0x4000  }
0x83: {  	[sflag:s20] =	ssyncset.done $0x0  }
0x84: {  	s14 =	sadd.s32 $0x100, s1;
	[sflag:s20] =	ssyncadd.s32 $0xFFFFC000  }
0x85: {  	[tilespmem:s23], [sflag:$0x1] =	stream.indirect.gather [hbm4b:s2+s22], $0x80, s14, s22, $0xb8;
	[tilespmem:$0x1E800] =	vst v63  }
0x86: {  	_ =	swait.ge [sflag:s26], $0x4000  }
0x87: {  	[sflag:s26] =	ssyncset.done $0x0  }
0x88: {  	s18 =	sadd.s32 $0x1480, s1;
	[sflag:s26] =	ssyncadd.s32 $0xFFFFC000  }
0x89: {  	[spmem:s3] =	stream.indirect.scatter.add.f32 [tilespmem:s24], [sflag:$0x3], $0x80, s18, s22, $0xb8;
	[tilespmem:$0x1E800] =	vst v63  }
0x8a: {  	_ =	swait.ge [sflag:s20], $0x4000  }
0x8b: {  	[sflag:s20] =	ssyncset.done $0x0  }
0x8c: {  	[sflag:s20] =	ssyncadd.s32 $0xFFFFC000  }
0x8d: {  	[tilespmem:s24], [sflag:$0x2] =	stream.indirect.gather [hbm4b:s2+s22], $0x80, s10, s22, $0xb8;
	[tilespmem:$0x1E800] =	vst v63  }
0x8e: {  	_ =	swait.ge [sflag:s25], $0x4000  }
0x8f: {  	[sflag:s25] =	ssyncset.done $0x0  }
0x90: {  	[sflag:s25] =	ssyncadd.s32 $0xFFFFC000  }
0x91: {  	[spmem:s3] =	stream.indirect.scatter.add.f32 [tilespmem:s23], [sflag:$0x3], $0x80, s29, s22, $0xb8;
	[tilespmem:$0x1E800] =	vst v63  }
0x92: {  	_ =	swait.ge [sflag:s20], $0x4000  }
0x93: {  	[sflag:s20] =	ssyncset.done $0x0  }
0x94: {  	[sflag:s20] =	ssyncadd.s32 $0xFFFFC000  }
0x95: {  	_ =	swait.ge [sflag:s26], $0x4000  }
0x96: {  	[sflag:s26] =	ssyncset.done $0x0  }
0x97: {  	s28 =	simm.s32 $0x2780;
	[sflag:s26] =	ssyncadd.s32 $0xFFFFC000  }
0x98: {  	[spmem:s3] =	stream.indirect.scatter.add.f32 [tilespmem:s24], [sflag:$0x3], $0x80, s28, s22, $0xb8;
	[tilespmem:$0x1E800] =	vst v63  }
0x99: {  	_ =	swait.ge [sflag:s20], $0x4000  }
0x9a: {  	[sflag:s20] =	ssyncset.done $0x0  }
0x9b: {  	[sflag:s20] =	ssyncadd.s32 $0xFFFFC000  }
0x9c: {  	[tilespmem:s4], [sflag:$0x3] =	stream.linear.gather [hbm4b:s11+s4], $0x1400, $0x38;
	[tilespmem:$0x1E800] =	vst v63  }
0x9d: {  	_ =	swait.ge [sflag:s20], $0x1400  }
0x9e: {  	[sflag:s20] =	ssyncset.done $0x0  }
.Ltmp3:
0x9f: {  	[sflag:s20] =	ssyncadd.s32 $0xFFFFEC00;
	(pc) =	sbr.rel @p0 .LBB2_11-.Ltmp3, $4  }
0xa0: {  	[tilespmem:s21], [sflag:$0x3] =	stream.linear.gather [hbm4b:s15+s4], $0x1400, $0x38;
	[tilespmem:$0x1E800] =	vst v63  }
0xa1: {  	_ =	swait.ge [sflag:s20], $0x1400  }
0xa2: {  	[sflag:s20] =	ssyncset.done $0x0  }
0xa3: {  	[sflag:s20] =	ssyncadd.s32 $0xFFFFEC00  }
0xa4: {  	s18 =	sadd.s32 $0xFFFFFFFF, s6  }
0xa5: {  	p2 =	seq.s32 s17, s18  }
.Ltmp4:
0xa6: {  	_ = 	snop;
	(pc) =	sbr.rel @p2 .LBB2_5-.Ltmp4, $4  }
0xa7: {  	s1 =	rddreg [dreg:$0x4]  }
0xa8: {  	[tilespmem:s23], [sflag:$0x1] =	stream.indirect.gather [hbm4b:s2+s22], $0x80, s1, s22, $0xb8;
	[tilespmem:$0x1E800] =	vst v63  }
0xa9: {  	s10 =	smov.u32 s5;
	s13 =	simm.s32 $0x0;
	s1 =	sshra.s32 s19, $0x2  }
0xaa: {  	s14 =	simm.s32 $0x1400;
	p1 =	por $0x0, $0x0;
	s29 =	sadd.s32 $0x0, s1  }
0xab: {  	s21 =	smov.u32 s12;
	s12 =	smov.u32 s16;
	s13 =	sadd.s32 $0x80, s29  }
0xac: {  	[tilespmem:s24], [sflag:$0x2] =	stream.indirect.gather [hbm4b:s2+s22], $0x80, s13, s22, $0xb8;
	[tilespmem:$0x1E800] =	vst v63  }
0xad: {  	s16 =	smov.u32 s8;
	s8 =	smov.u32 s11;
	_ =	swait.ge [sflag:s25], $0x4000  }
0xae: {  	s11 =	smov.u32 s9;
	s9 =	smov.u32 s30;
	[sflag:s25] =	ssyncset.done $0x0  }
0xaf: {  	s30 =	sadd.s32 $0x1400, s1;
	p1 =	seq.s32 s6, $0xFFFFFFED;
	[sflag:s25] =	ssyncadd.s32 $0xFFFFC000  }
0xb0: {  	[spmem:s3] =	stream.indirect.scatter.add.f32 [tilespmem:s23], [sflag:$0x3], $0x80, s30, s22, $0xb8;
	[tilespmem:$0x1E800] =	vst v63  }
0xb1: {  	s14 =	sshra.s32 @!p1 s19, $0x2;
	_ =	swait.ge [sflag:s20], $0x4000  }
0xb2: {  	s28 =	simm.s32 @!p1 $0x2800;
	s14 =	sadd.s32 @!p1 $0x0, s14;
	[sflag:s20] =	ssyncset.done $0x0  }
0xb3: {  	s29 =	simm.s32 @!p1 $0x80;
	s14 =	sadd.s32 @!p1 $0x100, s14;
	[sflag:s20] =	ssyncadd.s32 $0xFFFFC000  }
0xb4: {  	[tilespmem:s28], [sflag:$0x1] =	stream.indirect.gather @!p1 [hbm4b:s2+s29], $0x80, s14, s29, $0xb8;
	[tilespmem:$0x1E800] =	vst v63  }
0xb5: {  	s28 =	sadd.s32 $0xFFFFFFFF, s18  }
0xb6: {  	_ =	swait.ge [sflag:s26], $0x4000;
	p2 =	seq.s32 s17, s28  }
.Ltmp5:
0xb7: {  	[sflag:s26] =	ssyncset.done $0x0;
	(pc) =	sbr.rel @p2 .LBB2_7-.Ltmp5, $4  }
0xb8: {  	s13 =	sadd.s32 $0x80, s30;
	[sflag:s26] =	ssyncadd.s32 $0xFFFFC000  }
0xb9: {  	[spmem:s3] =	stream.indirect.scatter.add.f32 [tilespmem:s24], [sflag:$0x3], $0x80, s13, s22, $0xb8;
	[tilespmem:$0x1E800] =	vst v63  }
0xba: {  	s29 =	sadd.s32 $0x100, s1;
	s14 =	simm.s32 $0x1500;
	_ =	swait.ge [sflag:s20], $0x4000  }
0xbb: {  	p1 =	por $0x1, $0x1;
	s13 =	simm.s32 $0x100;
	[sflag:s20] =	ssyncset.done $0x0  }
.LBB2_8:
0xbc: {  	s29 =	sadd.s32 $0x80, s29  }
0xbd: {  	[sflag:s20] =	ssyncadd.s32 $0xFFFFC000;
	s30 =	smov.u32 s28;
	s28 =	sadd.s32 $0xFFFFFFFF, s28  }
0xbe: {  	[tilespmem:s24], [sflag:$0x2] =	stream.indirect.gather [hbm4b:s2+s22], $0x80, s29, s22, $0xb8;
	[tilespmem:$0x1E800] =	vst v63  }
0xbf: {  	p2 =	seq.s32 s17, s28;
	_ =	swait.ge [sflag:s25], $0x4000  }
0xc0: {  	[sflag:s25] =	ssyncset.done $0x0  }
0xc1: {  	p3 =	seq.s32 s18, $0xFFFFFFED;
	s29 =	sadd.s32 s1, s14;
	[sflag:s25] =	ssyncadd.s32 $0xFFFFC000  }
0xc2: {  	[spmem:s3] =	stream.indirect.scatter.add.f32 [tilespmem:s23], [sflag:$0x3], $0x80, s29, s22, $0xb8;
	[tilespmem:$0x1E800] =	vst v63  }
0xc3: {  	s5 =	sshra.s32 @!p3 s19, $0x2;
	s18 =	smov.u32 s30;
	_ =	swait.ge [sflag:s20], $0x4000  }
0xc4: {  	s30 =	simm.s32 @!p3 $0x2800;
	s5 =	sadd.s32 @!p3 s5, s13;
	[sflag:s20] =	ssyncset.done $0x0  }
0xc5: {  	s6 =	simm.s32 @!p3 $0x80;
	s5 =	sadd.s32 @!p3 $0x100, s5;
	[sflag:s20] =	ssyncadd.s32 $0xFFFFC000  }
0xc6: {  	[tilespmem:s30], [sflag:$0x1] =	stream.indirect.gather @!p3 [hbm4b:s2+s6], $0x80, s5, s6, $0xb8;
	[tilespmem:$0x1E800] =	vst v63  }
0xc7: {  	_ =	swait.ge [sflag:s26], $0x4000  }
.Ltmp6:
0xc8: {  	[sflag:s26] =	ssyncset.done $0x0;
	(pc) =	sbr.rel @!p2 .LBB2_8-.Ltmp6, $4  }
0xc9: {  	s5 =	sadd.s32 $0x80, s29;
	[sflag:s26] =	ssyncadd.s32 $0xFFFFC000  }
0xca: {  	[spmem:s3] =	stream.indirect.scatter.add.f32 [tilespmem:s24], [sflag:$0x3], $0x80, s5, s22, $0xb8;
	[tilespmem:$0x1E800] =	vst v63  }
0xcb: {  	s13 =	sadd.s32 $0x100, s13;
	_ =	swait.ge [sflag:s20], $0x4000  }
0xcc: {  	s14 =	sadd.s32 $0x100, s14;
	s29 =	sadd.s32 s1, s13;
	[sflag:s20] =	ssyncset.done $0x0  }
0xcd: {  	s30 =	smov.u32 s9  }
0xce: {  	s9 =	smov.u32 s11;
	s11 =	smov.u32 s8;
	s8 =	smov.u32 s16  }
0xcf: {  	s16 =	smov.u32 s12;
	s12 =	smov.u32 s21;
	s21 =	simm.s32 $0x1400  }
.LBB2_10:
0xd0: {  	s5 =	sadd.s32 $0x80, s29;
	[sflag:s20] =	ssyncadd.s32 @p1 $0xFFFFC000  }
0xd1: {  	[tilespmem:s24], [sflag:$0x2] =	stream.indirect.gather [hbm4b:s2+s22], $0x80, s5, s22, $0xb8;
	[tilespmem:$0x1E800] =	vst v63  }
0xd2: {  	_ =	swait.ge [sflag:s25], $0x4000  }
0xd3: {  	[sflag:s25] =	ssyncset.done $0x0  }
0xd4: {  	s1 =	sadd.s32 s1, s14;
	p1 =	seq.s32 s18, $0xFFFFFFED;
	[sflag:s25] =	ssyncadd.s32 $0xFFFFC000  }
0xd5: {  	[spmem:s3] =	stream.indirect.scatter.add.f32 [tilespmem:s23], [sflag:$0x3], $0x80, s1, s22, $0xb8;
	[tilespmem:$0x1E800] =	vst v63  }
0xd6: {  	s5 =	sshra.s32 @!p1 s19, $0x2;
	_ =	swait.ge [sflag:s20], $0x4000  }
0xd7: {  	s6 =	simm.s32 @!p1 $0x2800;
	s5 =	sadd.s32 @!p1 s5, s13;
	[sflag:s20] =	ssyncset.done $0x0  }
0xd8: {  	s13 =	simm.s32 @!p1 $0x80;
	s5 =	sadd.s32 @!p1 $0x100, s5;
	[sflag:s20] =	ssyncadd.s32 $0xFFFFC000  }
0xd9: {  	[tilespmem:s6], [sflag:$0x1] =	stream.indirect.gather @!p1 [hbm4b:s2+s13], $0x80, s5, s13, $0xb8;
	[tilespmem:$0x1E800] =	vst v63  }
0xda: {  	_ =	swait.ge [sflag:s26], $0x4000  }
0xdb: {  	[sflag:s26] =	ssyncset.done $0x0  }
.Ltmp7:
0xdc: {  	s1 =	sadd.s32 $0x80, s1;
	[sflag:s26] =	ssyncadd.s32 $0xFFFFC000;
	(pc) =	sbr.rel .LBB2_12-.Ltmp7, $4  }
0xdd: {  	[spmem:s3] =	stream.indirect.scatter.add.f32 [tilespmem:s24], [sflag:$0x3], $0x80, s1, s22, $0xb8;
	[tilespmem:$0x1E800] =	vst v63  }
0xde: {  	_ =	swait.ge [sflag:s20], $0x4000  }
0xdf: {  	s29 =	simm.s32 $0x2700;
	s5 =	smov.u32 s10;
	[sflag:s20] =	ssyncset.done $0x0  }
0xe0: {  	s10 =	simm.s32 $0x1380;
	s6 =	rddreg [dreg:$0x7];
	[sflag:s20] =	ssyncadd.s32 $0xFFFFC000  }
.LBB2_5:
.Ltmp8:
0xe1: {  	(pc) =	sbr.rel .LBB2_10-.Ltmp8, $2  }
0xe2: {  	_ =	sdelay $0x2  }
0xe3: {  	s18 =	smov.u32 s6  }
.LBB2_7:
.Ltmp9:
0xe4: {  	(pc) =	sbr.rel .LBB2_10-.Ltmp9, $4  }
0xe5: {  	_ = 	snop  }
0xe6: {  	s30 =	smov.u32 s9  }
0xe7: {  	s9 =	smov.u32 s11;
	s11 =	smov.u32 s8;
	s8 =	smov.u32 s16  }
0xe8: {  	s16 =	smov.u32 s12;
	s12 =	smov.u32 s21;
	s21 =	simm.s32 $0x1400  }
.LBB2_13:
0xe9: {  	_ =	sfence.sel $0x180000  }
0xea: {  	[bflag:$0x0] =	sbarrier.arrive $0xFFFF  }
0xeb: {  	_ =	strace $0x9000004A  }
0xec: {  	s0 =	stileid.u32;
	[bflag:$0x2] =	sbarrier.arrive $0xFFFF  }
0xed: {  	p0 =	sne.s32 s0, $0x0;
	s0 =	rddreg [dreg:$0x3]  }
0xee: {  	s0 =	sadd.s32 @!p0 $0x100000, s0  }
0xef: {  	[sflag:s0] =	ssyncadd.tile.s32 @!p0 $0x1;
	_ =	shalt  }
.Lfunc_end2:
_tile_overlayer_lowered:
.L_overlay_start_2:
0xf0: {  	(tag) =	ssettag $0x2  }
0xf1: {  	s0 =	rddreg [dreg:$0x0];
	s2 =	stileid.u32  }
0xf2: {  	s1 =	rddreg [dreg:$0x1];
	p0 =	sne.s32 s2, $0x0  }
0xf3: {  	s3 =	rddreg [dreg:$0x2];
	[bflag:$0x3] =	sbarrier.arrive $0xFFFF;
	s2 =	simm.s32 @!p0 $0x1C03  }
0xf4: {  	[timem:s3], [sflag:s2] =	dma.local @!p0 [hbm:s0], s1  }
0xf5: {  	s0 =	simm.s32 @!p0 $0x3  }
0xf6: {  	_ =	swait.ge @!p0 [sflag:s0], s1  }
0xf7: {  	s1 =	ssub.s32 @!p0 $0x0, s1;
	[sflag:s0] =	ssyncset.done @!p0 $0x0  }
0xf8: {  	[sflag:s0] =	ssyncadd.s32 @!p0 s1  }
0xf9: {  	[bflag:$0x3] =	sbarrier.arrive $0xFFFF  }
0xfa: {  	_ =	shalt  }

// kernel: kernel.14.cloned.1.call-start
scs
__scs_entry_jumppad:
0x0: {  	(pc) =	sbr.rel $0x88, $3  }
0x1: {  	(tag) =	ssettag $0x0;
	lr =	simm.s32 $0x1  }
0x2: {  	[smem:$0x3F9D] =	sst lr;
	_ =	strace $0xD0000000  }
0x3: {  	_ = 	snop  }
0x4: {  	_ = 	snop  }
0x5: {  	_ = 	snop  }
0x6: {  	_ = 	snop  }
0x7: {  	_ = 	snop  }
__scs_overlays_trampoline_lowered:
0x8: {  	[smem:$0x3FAC] =	sst s0  }
0x9: {  	[smem:$0x3FAD] =	sst s1  }
0xa: {  	[smem:$0x3FAE] =	sst s2  }
0xb: {  	[smem:$0x3FAF] =	sst s3  }
0xc: {  	[smem:$0x3FB0] =	sst s4  }
0xd: {  	[smem:$0x3FB1] =	sst s5  }
0xe: {  	[smem:$0x3FB2] =	sst s6  }
0xf: {  	[smem:$0x3FB3] =	sst s7  }
0x10: {  	[smem:$0x3FB4] =	sst s8  }
0x11: {  	[smem:$0x3FB5] =	sst s9;
	s0 =	simm.s32 @!p0 $0x0  }
0x12: {  	s1 =	sld [smem:$0x3F9B];
	s0 =	simm.s32 @p0 $0x1  }
0x13: {  	[smem:$0x3FB6] =	sst s0;
	s0 =	simm.s32 @!p1 $0x0  }
0x14: {  	s2 =	sld [smem:$0x3F9A];
	s0 =	simm.s32 @p1 $0x1  }
0x15: {  	[smem:$0x3FB7] =	sst s0;
	s0 =	simm.s32 @!p2 $0x0  }
0x16: {  	s3 =	sld [smem:$0x3FDB];
	s0 =	simm.s32 @p2 $0x1  }
0x17: {  	s4 =	simm.s32 $0x1BF5;
	[smem:$0x3FB9] =	sst s0  }
0x18: {  	s0 =	sld [smem:$0x3F9C];
	_ =	swait.ge [sflag:s4], $0x0  }
0x19: {  	s7 =	sld [smem:$0x3F9D]  }
0x1a: {  	s8 =	sadd.s32 $0xFFFFE003, lr  }
0x1b: {  	s9 =	sadd.s32 $0xFFFFFEF7, lr;
	s5 =	simm.s32 $0xFFFFFFFF;
	p2 =	slt.u32 s8, $0xFFFFF086  }
0x1c: {  	p1 =	slt.u32 s9, $0xF7A;
	s5 =	simm.s32 @!p2 $0x0  }
0x1d: {  	s5 =	simm.s32 @p1 $0x1;
	p0 =	seq.s32 s7, s2  }
0x1e: {  	s7 =	smul.u32 @!p0 $0xF7A, s2;
	p2 =	seq.s32 @!p0 s5, $0x0  }
0x1f: {  	s9 =	smul.u32 $0xF7A, s1;
	s8 =	simm.s32 @!p0 $0x1BF5;
	p2 =	por !p2, p0  }
0x20: {  	[sflag:s8] =	ssyncset.s32 @!p0 $0xFFFFF086;
	s6 =	sadd.s32 @!p0 s3, s7;
	s7 =	simm.s32 @!p0 $0x108  }
0x21: {  	s3 =	sadd.s32 s3, s9;
	s6 =	sadd.s32 @!p0 $0x88, s6;
	s7 =	simm.s32 @p2 $0x1082  }
0x22: {  	[simem:s7], [sflag:s8] =	dma.local @!p0 [hbm:s6], $0xF7A  }
0x23: {  	s9 =	sor.u32 $0xD0000000, s2;
	s6 =	simm.s32 $0x108;
	_ =	swait.ge @!p0 [sflag:s8], $0x0  }
0x24: {  	s3 =	sadd.s32 $0x88, s3;
	s6 =	simm.s32 @!p1 $0x1082;
	[sflag:s4] =	ssyncset.s32 $0xFFFFF086  }
0x25: {  	[simem:s6], [sflag:s4] =	dma.local [hbm:s3], $0xF7A  }
0x26: {  	[smem:$0x3F9D] =	sst s1;
	(tag) =	ssettag s2;
	_ =	strace s9  }
0x27: {  	s1 =	sld [smem:$0x3FAD]  }
0x28: {  	s2 =	sld [smem:$0x3FAE]  }
0x29: {  	s4 =	sld [smem:$0x3FB0]  }
0x2a: {  	p0 =	seq.s32 s5, $0x0;
	s5 =	sld [smem:$0x3FB1]  }
0x2b: {  	s6 =	sld [smem:$0x3FB2]  }
0x2c: {  	s7 =	sld [smem:$0x3FB3]  }
0x2d: {  	s3 =	simm.s32 $0x108;
	s8 =	sld [smem:$0x3FB4]  }
0x2e: {  	s3 =	simm.s32 @!p0 $0x1082;
	s9 =	sld [smem:$0x3FB5]  }
0x2f: {  	lr =	sadd.s32 s0, s3;
	s0 =	sld [smem:$0x3FAC]  }
0x30: {  	s3 =	sld [smem:$0x3FAF]  }
0x31: {  	[smem:$0x3FB8] =	sst s10  }
0x32: {  	s10 =	sld [smem:$0x3FB6];
	_ =	sdelay $0x3  }
0x33: {  	p0 =	seq.s32 s10, $0x1;
	s10 =	sld [smem:$0x3FB8];
	_ =	sdelay $0x3  }
0x34: {  	[smem:$0x3FB8] =	sst s10  }
0x35: {  	s10 =	sld [smem:$0x3FB7];
	_ =	sdelay $0x3  }
0x36: {  	p1 =	seq.s32 s10, $0x1;
	s10 =	sld [smem:$0x3FB8];
	_ =	sdelay $0x3  }
0x37: {  	[smem:$0x3FB8] =	sst s10  }
0x38: {  	s10 =	sld [smem:$0x3FB9]  }
0x39: {  	_ = 	snop;
	(pc) =	sbr.ind lr, $3  }
0x3a: {  	_ = 	snop  }
0x3b: {  	_ = 	snop  }
0x3c: {  	p2 =	seq.s32 s10, $0x1;
	s10 =	sld [smem:$0x3FB8]  }
0x3d: {  	_ =	shalt  }
0x3e: {  	_ =	shalt  }
0x3f: {  	_ =	shalt  }
0x40: {  	_ =	shalt  }
0x41: {  	_ =	shalt  }
0x42: {  	_ =	shalt  }
0x43: {  	_ =	shalt  }
0x44: {  	_ =	shalt  }
0x45: {  	_ =	shalt  }
0x46: {  	_ =	shalt  }
0x47: {  	_ =	shalt  }
0x48: {  	_ =	shalt  }
0x49: {  	_ =	shalt  }
0x4a: {  	_ =	shalt  }
0x4b: {  	_ =	shalt  }
0x4c: {  	_ =	shalt  }
0x4d: {  	_ =	shalt  }
0x4e: {  	_ =	shalt  }
0x4f: {  	_ =	shalt  }
0x50: {  	_ =	shalt  }
0x51: {  	_ =	shalt  }
0x52: {  	_ =	shalt  }
0x53: {  	_ =	shalt  }
0x54: {  	_ =	shalt  }
0x55: {  	_ =	shalt  }
0x56: {  	_ =	shalt  }
0x57: {  	_ =	shalt  }
0x58: {  	_ =	shalt  }
0x59: {  	_ =	shalt  }
0x5a: {  	_ =	shalt  }
0x5b: {  	_ =	shalt  }
0x5c: {  	_ =	shalt  }
0x5d: {  	_ =	shalt  }
0x5e: {  	_ =	shalt  }
0x5f: {  	_ =	shalt  }
0x60: {  	_ =	shalt  }
0x61: {  	_ =	shalt  }
0x62: {  	_ =	shalt  }
0x63: {  	_ =	shalt  }
0x64: {  	_ =	shalt  }
0x65: {  	_ =	shalt  }
0x66: {  	_ =	shalt  }
0x67: {  	_ =	shalt  }
0x68: {  	_ =	shalt  }
0x69: {  	_ =	shalt  }
0x6a: {  	_ =	shalt  }
0x6b: {  	_ =	shalt  }
0x6c: {  	_ =	shalt  }
0x6d: {  	_ =	shalt  }
0x6e: {  	_ =	shalt  }
0x6f: {  	_ =	shalt  }
0x70: {  	_ =	shalt  }
0x71: {  	_ =	shalt  }
0x72: {  	_ =	shalt  }
0x73: {  	_ =	shalt  }
0x74: {  	_ =	shalt  }
0x75: {  	_ =	shalt  }
0x76: {  	_ =	shalt  }
0x77: {  	_ =	shalt  }
0x78: {  	_ =	shalt  }
0x79: {  	_ =	shalt  }
0x7a: {  	_ =	shalt  }
0x7b: {  	_ =	shalt  }
0x7c: {  	_ =	shalt  }
0x7d: {  	_ =	shalt  }
0x7e: {  	_ =	shalt  }
0x7f: {  	_ =	shalt  }
0x80: {  	_ =	shalt  }
0x81: {  	_ =	shalt  }
0x82: {  	_ =	shalt  }
0x83: {  	_ =	shalt  }
0x84: {  	_ =	shalt  }
0x85: {  	_ =	shalt  }
0x86: {  	_ =	shalt  }
0x87: {  	_ =	shalt  }
.Lfunc_end0:
.L_simem_size_0:
called_computation.2_lowered:
.L_overlay_start_0:
0x88: {  	s2 =	sld [smem:$0x3FD9]  }
0x89: {  	s3 =	sld [smem:$0x3FFE];
	_ =	sdelay $0x1  }
0x8a: {  	s1 =	srdreg.scid  }
0x8b: {  	s0 =	sand.u32 $0x1, s1  }
0x8c: {  	s17 =	sshll.u32 s0, $0xA;
	s2 =	sadd.s32 s3, s2  }
0x8d: {  	s2 =	sadd.s32 s2, s17  }
0x8e: {  	[smem:$0x3FC4] =	sst s2  }
0x8f: {  	_ = 	snop  }
0x90: {  	s2 =	sld [smem:$0x3FD0];
	(tm) =	ssettm $0x1  }
0x91: {  	s18 =	sld [smem:$0x3FFB];
	_ =	sdelay $0x3  }
0x92: {  	_ =	strace s18  }
0x93: {  	s3 =	sld [smem:$0x3FFC];
	_ =	sdelay $0x3  }
0x94: {  	_ =	strace s3  }
0x95: {  	s3 =	sld [smem:$0x3FFD];
	_ =	sdelay $0x3  }
0x96: {  	_ =	strace s3  }
0x97: {  	_ =	strace $0x8FFFFFFF  }
0x98: {  	s19 =	sld [smem:$0x3FDB];
	_ =	sdelay $0x1  }
0x99: {  	s4 =	simm.s32 $_scs_section_size  }
0x9a: {  	s5 =	simm.s32 $_size__tile_overlayer_lowered;
	s6 =	simm.s32 $_tile_overlayer_lowered  }
0x9b: {  	s22 =	simm.s32 $0x1BFF;
	s21 =	sshll.u32 s6, $0x1;
	s3 =	sadd.s32 s4, s19  }
0x9c: {  	s7 =	simm.s32 $0x0;
	s20 =	sshll.u32 s5, $0x1;
	s5 =	sadd.s32 s21, s3  }
0x9d: {  	[timem:s7], [sflag:s22] =	dma.local [hbm:s5], s20  }
0x9e: {  	_ =	swait.ge [sflag:s22], s20  }
0x9f: {  	s4 =	ssub.s32 $0x0, s20;
	[sflag:s22] =	ssyncset.done $0x0  }
0xa0: {  	[sflag:s22] =	ssyncadd.s32 s4;
	_ =	sdelay $0x1  }
0xa1: {  	s23 =	simm.s32 $0x1B8B  }
0xa2: {  	_ =	swait.ge [sflag:s23], $0x1  }
0xa3: {  	[sflag:s23] =	ssyncset.done $0x0  }
0xa4: {  	s25 =	simm.s32 $0x1B8E;
	s24 =	sld [smem:$0x3FFE];
	[sflag:s23] =	ssyncadd.s32 $0xFFFFFFFF  }
0xa5: {  	s26 =	simm.s32 $execute0_lowered;
	[smem:$0x3FD2] =	sst s25  }
0xa6: {  	s5 =	sshll.u32 s26, $0x1;
	_ =	strace $0x8000004C;
	[dreg:$0x1] =	wrdreg $0xFFFFFFFF  }
0xa7: {  	s28 =	simm.s32 $_size_execute0_lowered;
	s3 =	sadd.s32 s3, s5;
	[dreg:$0x0] =	wrdreg $0x0  }
0xa8: {  	s5 =	sshll.u32 s28, $0x1;
	[dreg:$0x2] =	wrdreg s3  }
0xa9: {  	[dreg:$0x3] =	wrdreg s5  }
0xaa: {  	[dreg:$0x4] =	wrdreg $0xC0  }
0xab: {  	_ =	task [dreg:s7], $0x5FFFF  }
0xac: {  	[dreg:$0x1] =	wrdreg $0xFFFFFFFF  }
0xad: {  	[dreg:$0x0] =	wrdreg $0x60  }
0xae: {  	[dreg:$0x2] =	wrdreg s2  }
0xaf: {  	[dreg:$0x3] =	wrdreg s24  }
0xb0: {  	[dreg:$0x4] =	wrdreg $0xA8000  }
0xb1: {  	[dreg:$0x5] =	wrdreg $0x9  }
0xb2: {  	_ =	task.clear_ibuf [dreg:s7], $0x6FFFF;
	_ =	strace $0x9000004C  }
0xb3: {  	s29 =	simm.s32 $0x9;
	_ =	strace $0x8000004E  }
0xb4: {  	_ =	swait.ge [sflag:s29], $0x1  }
0xb5: {  	[sflag:s29] =	ssyncadd.s32 $0xFFFFFFFF  }
0xb6: {  	_ =	strace $0x9000004E  }
0xb7: {  	_ =	sfence  }
0xb8: {  	s30 =	sld [smem:$0x0];
	_ =	sdelay $0x2  }
0xb9: {  	s31 =	sshll.u32 s1, $0xD;
	s1 =	sshrl.u32 s1, $0x2  }
0xba: {  	s3 =	sand.u32 $0x4000, s31;
	s1 =	sadd.s32 s1, s30  }
0xbb: {  	s0 =	sor.u32 s3, s0;
	s1 =	sshll.u32 s1, $0x11  }
0xbc: {  	s0 =	sor.u32 s1, s0  }
0xbd: {  	s0 =	sadd.s32 $0x8F2B, s0  }
0xbe: {  	[sflag:s0] =	ssyncadd.remote.s32 $0x1  }
0xbf: {  	_ =	sfence.sel $0xFFFF  }
0xc0: {  	[dreg:$0x0] =	wrdreg $0xFFFFFFFF;
	(pc) =	sbr.abs _section_cstart, $3  }
0xc1: {  	[dreg:$0x1] =	wrdreg $0xFFFFFFFF  }
0xc2: {  	_ =	task.clear_ibuf [dreg:s7], $0x2FFFF;
	_ =	strace $0x9FFFFFFF  }
0xc3: {  	(tm) =	ssettm $0x7FFFFFFF  }
tec
execute0_lowered:
.L_overlay_start_1:
0x0: {  	(tag) =	ssettag $0x1  }
0x1: {  	s2 =	rddreg [dreg:$0x0]  }
0x2: {  	s0 =	rddreg [dreg:$0x1]  }
0x3: {  	s3 =	rddreg [dreg:$0x2];
	s9 =	stileid.u32  }
0x4: {  	s5 =	srdreg.scid;
	s4 =	simm.s32 $0x0;
	s11 =	simm.s32 $0x38  }
0x5: {  	s29 =	simm.s32 $0x2700;
	s1 =	smul.u32 $0x14000, s9;
	s5 =	sand.u32 $0x1, s5  }
0x6: {  	[smem:$0x7FF] =	sst s4;
	s10 =	sadd.s32 $0x1C00, s0;
	s19 =	smul.u32 $0x50000, s9  }
0x7: {  	s21 =	sshll.u32 s9, $0x6;
	s28 =	sadd.s32 $0xB800, s0;
	s7 =	smul.u32 $0x140000, s5  }
0x8: {  	_ =	strace $0x8000004D;
	s18 =	ssub.s32 $0x2, s5;
	s5 =	sshll.u32 s5, $0x4  }
0x9: {  	[dreg:$0x5] =	wrdreg s28;
	s6 =	sshrl.u32 s1, $0x3;
	s8 =	sshrl.u32 s18, $0x1  }
0xa: {  	s13 =	sor.u32 s9, s5;
	s20 =	sshrl.u32 s19, $0x2;
	s6 =	sadd.s32 s6, s0  }
0xb: {  	s1 =	sadd.s32 s1, s7;
	s12 =	ssub.s32 s18, s8;
	s5 =	smul.u32 $0x50, s13  }
0xc: {  	p0 =	seq.s32 s13, $0x1E;
	s7 =	simm.s32 $0x960;
	p1 =	slt.u32 s13, $0x1E  }
0xd: {  	s30 =	sadd.s32 s20, s3;
	s20 =	simm.s32 $0x3;
	s1 =	sshrl.u32 s1, $0x3  }
0xe: {  	s7 =	simm.s32 @!p0 $0x998;
	s11 =	simm.s32 @!p0 $0x28;
	s12 =	smax.u32 s12, $0x1  }
0xf: {  	p0 =	seq.s32 s13, $0x1F;
	s1 =	sadd.s32 s1, s0;
	s7 =	smov.u32 @p1 s5  }
0x10: {  	s11 =	simm.s32 @p1 $0x50;
	s5 =	sadd.s32 $0x15600, s6;
	s0 =	sadd.s32 $0x15480, s0  }
0x11: {  	s22 =	sshll.u32 s7, $0x4;
	s14 =	sadd.s32 s11, s7;
	s7 =	sor.u32 $0x1C03, s21  }
0x12: {  	s16 =	ssub.s32 $0x50, s11;
	[dreg:$0x6] =	wrdreg s0;
	s21 =	simm.s32 $0x1400  }
0x13: {  	s0 =	simm.s32 $0x0;
	s8 =	sadd.s32 s10, s22;
	s14 =	sshll.u32 s14, $0x7  }
0x14: {  	s24 =	sshll.u32 s16, $0x7;
	s26 =	sshrl.u32 s16, $0x1;
	s16 =	sadd.s32 $0x3D600, s1  }
0x15: {  	s22 =	simm.s32 $0x80;
	s9 =	sadd.s32 $0x9C80, s8;
	s15 =	sadd.s32 $0xFFFFEC00, s14  }
0x16: {  	s14 =	sshrl.u32 s14, $0x3;
	s25 =	sand.u32 $0x3FFFFC00, s24;
	s31 =	smax.u32 s26, $0x13  }
.Ltmp0:
0x17: {  	s6 =	ssub.s32 $0x0, s26;
	s19 =	sshll.u32 s26, $0xA;
	(pc) =	sbr.rel .LBB2_1-.Ltmp0, $4  }
0x18: {  	s24 =	simm.s32 $0x6800;
	s26 =	simm.s32 $0x2;
	s23 =	sshrl.u32 s15, $0x3  }
0x19: {  	s14 =	sadd.s32 s10, s14;
	[dreg:$0x4] =	wrdreg s25;
	s17 =	sxor.u32 $0xFFFFFFFF, s31  }
0x1a: {  	s25 =	simm.s32 $0x1;
	[dreg:$0x7] =	wrdreg s6;
	s11 =	sadd.s32 s10, s23  }
0x1b: {  	s15 =	sadd.s32 $0x9A00, s14;
	s23 =	simm.s32 $0x2800;
	s10 =	simm.s32 $0x1380  }
.LBB2_11:
0x1c: {  	s1 =	rddreg [dreg:$0x5]  }
0x1d: {  	[tilespmem:s4], [sflag:$0x3] =	stream.linear.gather [hbm4b:s1+s4], $0x200, $0x38;
	[tilespmem:$0x1E800] =	vst v63  }
0x1e: {  	_ =	swait.ge [sflag:s20], $0x200  }
0x1f: {  	[sflag:s20] =	ssyncset.done $0x0  }
0x20: {  	s18 =	rddreg [dreg:$0x6];
	[sflag:s20] =	ssyncadd.s32 $0xFFFFFE00  }
0x21: {  	[tilespmem:s21], [sflag:$0x3] =	stream.linear.gather [hbm4b:s18+s4], $0x200, $0x38;
	[tilespmem:$0x1E800] =	vst v63  }
0x22: {  	_ =	swait.ge [sflag:s20], $0x200  }
0x23: {  	[sflag:s20] =	ssyncset.done $0x0  }
0x24: {  	[sflag:s20] =	ssyncadd.s32 $0xFFFFFE00  }
0x25: {  	[tilespmem:s23], [sflag:$0x1] =	stream.indirect.gather [hbm4b:s2+s22], $0x80, s4, s22, $0xb8;
	[tilespmem:$0x1E800] =	vst v63  }
0x26: {  	_ =	swait.ge [sflag:s25], $0x4000  }
0x27: {  	[sflag:s25] =	ssyncset.done $0x0  }
0x28: {  	[sflag:s25] =	ssyncadd.s32 $0xFFFFC000  }
0x29: {  	[spmem:s3] =	stream.indirect.scatter.add.f32 [tilespmem:s23], [sflag:$0x3], $0x80, s21, s22, $0xb8;
	[tilespmem:$0x1E800] =	vst v63  }
0x2a: {  	_ =	swait.ge [sflag:s20], $0x4000  }
0x2b: {  	[sflag:s20] =	ssyncset.done $0x0  }
0x2c: {  	[sflag:s20] =	ssyncadd.s32 $0xFFFFC000  }
0x2d: {  	[tilespmem:s23], [sflag:$0x1] =	stream.indirect.gather [hbm4b:s2+s22], $0x80, s22, s22, $0xb8;
	[tilespmem:$0x1E800] =	vst v63  }
0x2e: {  	_ =	swait.ge [sflag:s25], $0x4000  }
0x2f: {  	[sflag:s25] =	ssyncset.done $0x0  }
0x30: {  	s28 =	simm.s32 $0x1480;
	[sflag:s25] =	ssyncadd.s32 $0xFFFFC000  }
0x31: {  	[spmem:s3] =	stream.indirect.scatter.add.f32 [tilespmem:s23], [sflag:$0x3], $0x80, s28, s22, $0xb8;
	[tilespmem:$0x1E800] =	vst v63  }
0x32: {  	_ =	swait.ge [sflag:s20], $0x4000  }
0x33: {  	[sflag:s20] =	ssyncset.done $0x0  }
0x34: {  	s13 =	simm.s32 $0x100;
	[sflag:s20] =	ssyncadd.s32 $0xFFFFC000  }
0x35: {  	[tilespmem:s23], [sflag:$0x1] =	stream.indirect.gather [hbm4b:s2+s22], $0x80, s13, s22, $0xb8;
	[tilespmem:$0x1E800] =	vst v63  }
0x36: {  	_ =	swait.ge [sflag:s25], $0x4000  }
0x37: {  	[sflag:s25] =	ssyncset.done $0x0  }
0x38: {  	s14 =	simm.s32 $0x1500;
	[sflag:s25] =	ssyncadd.s32 $0xFFFFC000  }
0x39: {  	[spmem:s3] =	stream.indirect.scatter.add.f32 [tilespmem:s23], [sflag:$0x3], $0x80, s14, s22, $0xb8;
	[tilespmem:$0x1E800] =	vst v63  }
0x3a: {  	_ =	swait.ge [sflag:s20], $0x4000  }
0x3b: {  	[sflag:s20] =	ssyncset.done $0x0  }
0x3c: {  	s18 =	simm.s32 $0x180;
	[sflag:s20] =	ssyncadd.s32 $0xFFFFC000  }
0x3d: {  	[tilespmem:s23], [sflag:$0x1] =	stream.indirect.gather [hbm4b:s2+s22], $0x80, s18, s22, $0xb8;
	[tilespmem:$0x1E800] =	vst v63  }
0x3e: {  	_ =	swait.ge [sflag:s25], $0x4000  }
0x3f: {  	[sflag:s25] =	ssyncset.done $0x0  }
0x40: {  	s28 =	simm.s32 $0x1580;
	[sflag:s25] =	ssyncadd.s32 $0xFFFFC000  }
0x41: {  	[spmem:s3] =	stream.indirect.scatter.add.f32 [tilespmem:s23], [sflag:$0x3], $0x80, s28, s22, $0xb8;
	[tilespmem:$0x1E800] =	vst v63  }
0x42: {  	_ =	swait.ge [sflag:s20], $0x4000  }
0x43: {  	[sflag:s20] =	ssyncset.done $0x0  }
0x44: {  	[sflag:s20] =	ssyncadd.s32 $0xFFFFC000  }
.LBB2_12:
0x45: {  	s0 =	sadd.s32 $0x1, s0  }
0x46: {  	p1 =	sne.s32 s0, s12  }
.Ltmp1:
0x47: {  	[bflag:$0x0] =	sbarrier.arrive $0xFFFF;
	(pc) =	sbr.rel @!p1 .LBB2_13-.Ltmp1, $4  }
0x48: {  	[hbm:s16], [sflag:s7] =	dma.local [spmem:s31], $0x2800  }
0x49: {  	_ =	swait.ge [sflag:s20], $0x2800  }
0x4a: {  	[sflag:s20] =	ssyncset.done $0x0  }
0x4b: {  	[sflag:s20] =	ssyncadd.s32 $0xFFFFD800  }
.LBB2_1:
0x4c: {  	s31 =	sshrl.u32 s30, $0x3  }
0x4d: {  	[spmem:s31], [sflag:s7] =	dma.local [hbm:s5], $0x2800  }
0x4e: {  	_ =	swait.ge [sflag:s20], $0x2800  }
0x4f: {  	[sflag:s20] =	ssyncset.done $0x0  }
0x50: {  	[sflag:s20] =	ssyncadd.s32 $0xFFFFD800  }
0x51: {  	[bflag:$0x0] =	sbarrier.arrive $0xFFFF  }
0x52: {  	[tilespmem:s4], [sflag:$0x3] =	stream.linear.gather [hbm4b:s8+s4], $0x1400, $0x38;
	[tilespmem:$0x1E800] =	vst v63  }
0x53: {  	_ =	swait.ge [sflag:s20], $0x1400  }
0x54: {  	[sflag:s20] =	ssyncset.done $0x0  }
0x55: {  	[sflag:s20] =	ssyncadd.s32 $0xFFFFEC00  }
0x56: {  	[tilespmem:s21], [sflag:$0x3] =	stream.linear.gather [hbm4b:s9+s4], $0x1400, $0x38;
	[tilespmem:$0x1E800] =	vst v63  }
0x57: {  	_ =	swait.ge [sflag:s20], $0x1400  }
0x58: {  	[sflag:s20] =	ssyncset.done $0x0  }
0x59: {  	[sflag:s20] =	ssyncadd.s32 $0xFFFFEC00  }
0x5a: {  	[tilespmem:s23], [sflag:$0x1] =	stream.indirect.gather [hbm4b:s2+s22], $0x80, s4, s22, $0xb8;
	[tilespmem:$0x1E800] =	vst v63  }
0x5b: {  	s1 =	simm.s32 $0x80  }
0x5c: {  	[tilespmem:s24], [sflag:$0x2] =	stream.indirect.gather [hbm4b:s2+s22], $0x80, s1, s22, $0xb8;
	[tilespmem:$0x1E800] =	vst v63  }
0x5d: {  	_ =	swait.ge [sflag:s25], $0x4000  }
0x5e: {  	[sflag:s25] =	ssyncset.done $0x0  }
0x5f: {  	s14 =	simm.s32 $0x1400;
	[sflag:s25] =	ssyncadd.s32 $0xFFFFC000  }
0x60: {  	[spmem:s3] =	stream.indirect.scatter.add.f32 [tilespmem:s23], [sflag:$0x3], $0x80, s14, s22, $0xb8;
	[tilespmem:$0x1E800] =	vst v63  }
0x61: {  	_ =	swait.ge [sflag:s20], $0x4000  }
0x62: {  	[sflag:s20] =	ssyncset.done $0x0  }
0x63: {  	s18 =	simm.s32 $0x100;
	[sflag:s20] =	ssyncadd.s32 $0xFFFFC000  }
0x64: {  	[tilespmem:s23], [sflag:$0x1] =	stream.indirect.gather [hbm4b:s2+s22], $0x80, s18, s22, $0xb8;
	[tilespmem:$0x1E800] =	vst v63  }
0x65: {  	_ =	swait.ge [sflag:s26], $0x4000  }
0x66: {  	[sflag:s26] =	ssyncset.done $0x0  }
0x67: {  	s28 =	simm.s32 $0x1480;
	[sflag:s26] =	ssyncadd.s32 $0xFFFFC000  }
0x68: {  	[spmem:s3] =	stream.indirect.scatter.add.f32 [tilespmem:s24], [sflag:$0x3], $0x80, s28, s22, $0xb8;
	[tilespmem:$0x1E800] =	vst v63  }
0x69: {  	_ =	swait.ge [sflag:s20], $0x4000  }
0x6a: {  	s13 =	simm.s32 $0x800;
	s1 =	simm.s32 $0x100;
	[sflag:s20] =	ssyncset.done $0x0  }
.LBB2_2:
0x6b: {  	s14 =	sadd.s32 $0x80, s1  }
0x6c: {  	[sflag:s20] =	ssyncadd.s32 $0xFFFFC000;
	s18 =	smov.u32 s13;
	s28 =	sadd.s32 $0x400, s13  }
0x6d: {  	[tilespmem:s24], [sflag:$0x2] =	stream.indirect.gather [hbm4b:s2+s22], $0x80, s14, s22, $0xb8;
	[tilespmem:$0x1E800] =	vst v63  }
0x6e: {  	p1 =	sne.s32 s13, $0x4800;
	_ =	swait.ge [sflag:s25], $0x4000  }
0x6f: {  	[sflag:s25] =	ssyncset.done $0x0  }
0x70: {  	s13 =	sadd.s32 $0x1400, s1;
	[sflag:s25] =	ssyncadd.s32 $0xFFFFC000  }
0x71: {  	[spmem:s3] =	stream.indirect.scatter.add.f32 [tilespmem:s23], [sflag:$0x3], $0x80, s13, s22, $0xb8;
	[tilespmem:$0x1E800] =	vst v63  }
0x72: {  	_ =	swait.ge [sflag:s20], $0x4000  }
0x73: {  	[sflag:s20] =	ssyncset.done $0x0  }
0x74: {  	s13 =	sadd.s32 $0x100, s1;
	[sflag:s20] =	ssyncadd.s32 $0xFFFFC000  }
0x75: {  	[tilespmem:s23], [sflag:$0x1] =	stream.indirect.gather [hbm4b:s2+s22], $0x80, s13, s22, $0xb8;
	[tilespmem:$0x1E800] =	vst v63  }
0x76: {  	_ =	swait.ge [sflag:s26], $0x4000  }
.Ltmp2:
0x77: {  	[sflag:s26] =	ssyncset.done $0x0;
	(pc) =	sbr.rel @p1 .LBB2_2-.Ltmp2, $4  }
0x78: {  	s1 =	sadd.s32 $0x1480, s1;
	[sflag:s26] =	ssyncadd.s32 $0xFFFFC000  }
0x79: {  	[spmem:s3] =	stream.indirect.scatter.add.f32 [tilespmem:s24], [sflag:$0x3], $0x80, s1, s22, $0xb8;
	[tilespmem:$0x1E800] =	vst v63  }
0x7a: {  	_ =	swait.ge [sflag:s20], $0x4000  }
0x7b: {  	s13 =	smov.u32 s28;
	s1 =	sshra.s32 s18, $0x2;
	[sflag:s20] =	ssyncset.done $0x0  }
0x7c: {  	s13 =	sadd.s32 $0x80, s1;
	[sflag:s20] =	ssyncadd.s32 $0xFFFFC000  }
0x7d: {  	[tilespmem:s24], [sflag:$0x2] =	stream.indirect.gather [hbm4b:s2+s22], $0x80, s13, s22, $0xb8;
	[tilespmem:$0x1E800] =	vst v63  }
0x7e: {  	_ =	swait.ge [sflag:s25], $0x4000  }
0x7f: {  	[sflag:s25] =	ssyncset.done $0x0  }
0x80: {  	s28 =	sadd.s32 $0x1400, s1;
	[sflag:s25] =	ssyncadd.s32 $0xFFFFC000  }
0x81: {  	[spmem:s3] =	stream.indirect.scatter.add.f32 [tilespmem:s23], [sflag:$0x3], $0x80, s28, s22, $0xb8;
	[tilespmem:$0x1E800] =	vst v63  }
0x82: {  	_ =	swait.ge [sflag:s20], $0x4000  }
0x83: {  	[sflag:s20] =	ssyncset.done $0x0  }
0x84: {  	s14 =	sadd.s32 $0x100, s1;
	[sflag:s20] =	ssyncadd.s32 $0xFFFFC000  }
0x85: {  	[tilespmem:s23], [sflag:$0x1] =	stream.indirect.gather [hbm4b:s2+s22], $0x80, s14, s22, $0xb8;
	[tilespmem:$0x1E800] =	vst v63  }
0x86: {  	_ =	swait.ge [sflag:s26], $0x4000  }
0x87: {  	[sflag:s26] =	ssyncset.done $0x0  }
0x88: {  	s18 =	sadd.s32 $0x1480, s1;
	[sflag:s26] =	ssyncadd.s32 $0xFFFFC000  }
0x89: {  	[spmem:s3] =	stream.indirect.scatter.add.f32 [tilespmem:s24], [sflag:$0x3], $0x80, s18, s22, $0xb8;
	[tilespmem:$0x1E800] =	vst v63  }
0x8a: {  	_ =	swait.ge [sflag:s20], $0x4000  }
0x8b: {  	[sflag:s20] =	ssyncset.done $0x0  }
0x8c: {  	[sflag:s20] =	ssyncadd.s32 $0xFFFFC000  }
0x8d: {  	[tilespmem:s24], [sflag:$0x2] =	stream.indirect.gather [hbm4b:s2+s22], $0x80, s10, s22, $0xb8;
	[tilespmem:$0x1E800] =	vst v63  }
0x8e: {  	_ =	swait.ge [sflag:s25], $0x4000  }
0x8f: {  	[sflag:s25] =	ssyncset.done $0x0  }
0x90: {  	[sflag:s25] =	ssyncadd.s32 $0xFFFFC000  }
0x91: {  	[spmem:s3] =	stream.indirect.scatter.add.f32 [tilespmem:s23], [sflag:$0x3], $0x80, s29, s22, $0xb8;
	[tilespmem:$0x1E800] =	vst v63  }
0x92: {  	_ =	swait.ge [sflag:s20], $0x4000  }
0x93: {  	[sflag:s20] =	ssyncset.done $0x0  }
0x94: {  	[sflag:s20] =	ssyncadd.s32 $0xFFFFC000  }
0x95: {  	_ =	swait.ge [sflag:s26], $0x4000  }
0x96: {  	[sflag:s26] =	ssyncset.done $0x0  }
0x97: {  	s28 =	simm.s32 $0x2780;
	[sflag:s26] =	ssyncadd.s32 $0xFFFFC000  }
0x98: {  	[spmem:s3] =	stream.indirect.scatter.add.f32 [tilespmem:s24], [sflag:$0x3], $0x80, s28, s22, $0xb8;
	[tilespmem:$0x1E800] =	vst v63  }
0x99: {  	_ =	swait.ge [sflag:s20], $0x4000  }
0x9a: {  	[sflag:s20] =	ssyncset.done $0x0  }
0x9b: {  	[sflag:s20] =	ssyncadd.s32 $0xFFFFC000  }
0x9c: {  	[tilespmem:s4], [sflag:$0x3] =	stream.linear.gather [hbm4b:s11+s4], $0x1400, $0x38;
	[tilespmem:$0x1E800] =	vst v63  }
0x9d: {  	_ =	swait.ge [sflag:s20], $0x1400  }
0x9e: {  	[sflag:s20] =	ssyncset.done $0x0  }
.Ltmp3:
0x9f: {  	[sflag:s20] =	ssyncadd.s32 $0xFFFFEC00;
	(pc) =	sbr.rel @p0 .LBB2_11-.Ltmp3, $4  }
0xa0: {  	[tilespmem:s21], [sflag:$0x3] =	stream.linear.gather [hbm4b:s15+s4], $0x1400, $0x38;
	[tilespmem:$0x1E800] =	vst v63  }
0xa1: {  	_ =	swait.ge [sflag:s20], $0x1400  }
0xa2: {  	[sflag:s20] =	ssyncset.done $0x0  }
0xa3: {  	[sflag:s20] =	ssyncadd.s32 $0xFFFFEC00  }
0xa4: {  	s18 =	sadd.s32 $0xFFFFFFFF, s6  }
0xa5: {  	p2 =	seq.s32 s17, s18  }
.Ltmp4:
0xa6: {  	_ = 	snop;
	(pc) =	sbr.rel @p2 .LBB2_5-.Ltmp4, $4  }
0xa7: {  	s1 =	rddreg [dreg:$0x4]  }
0xa8: {  	[tilespmem:s23], [sflag:$0x1] =	stream.indirect.gather [hbm4b:s2+s22], $0x80, s1, s22, $0xb8;
	[tilespmem:$0x1E800] =	vst v63  }
0xa9: {  	s10 =	smov.u32 s5;
	s13 =	simm.s32 $0x0;
	s1 =	sshra.s32 s19, $0x2  }
0xaa: {  	s14 =	simm.s32 $0x1400;
	p1 =	por $0x0, $0x0;
	s29 =	sadd.s32 $0x0, s1  }
0xab: {  	s21 =	smov.u32 s12;
	s12 =	smov.u32 s16;
	s13 =	sadd.s32 $0x80, s29  }
0xac: {  	[tilespmem:s24], [sflag:$0x2] =	stream.indirect.gather [hbm4b:s2+s22], $0x80, s13, s22, $0xb8;
	[tilespmem:$0x1E800] =	vst v63  }
0xad: {  	s16 =	smov.u32 s8;
	s8 =	smov.u32 s11;
	_ =	swait.ge [sflag:s25], $0x4000  }
0xae: {  	s11 =	smov.u32 s9;
	s9 =	smov.u32 s30;
	[sflag:s25] =	ssyncset.done $0x0  }
0xaf: {  	s30 =	sadd.s32 $0x1400, s1;
	p1 =	seq.s32 s6, $0xFFFFFFED;
	[sflag:s25] =	ssyncadd.s32 $0xFFFFC000  }
0xb0: {  	[spmem:s3] =	stream.indirect.scatter.add.f32 [tilespmem:s23], [sflag:$0x3], $0x80, s30, s22, $0xb8;
	[tilespmem:$0x1E800] =	vst v63  }
0xb1: {  	s14 =	sshra.s32 @!p1 s19, $0x2;
	_ =	swait.ge [sflag:s20], $0x4000  }
0xb2: {  	s28 =	simm.s32 @!p1 $0x2800;
	s14 =	sadd.s32 @!p1 $0x0, s14;
	[sflag:s20] =	ssyncset.done $0x0  }
0xb3: {  	s29 =	simm.s32 @!p1 $0x80;
	s14 =	sadd.s32 @!p1 $0x100, s14;
	[sflag:s20] =	ssyncadd.s32 $0xFFFFC000  }
0xb4: {  	[tilespmem:s28], [sflag:$0x1] =	stream.indirect.gather @!p1 [hbm4b:s2+s29], $0x80, s14, s29, $0xb8;
	[tilespmem:$0x1E800] =	vst v63  }
0xb5: {  	s28 =	sadd.s32 $0xFFFFFFFF, s18  }
0xb6: {  	_ =	swait.ge [sflag:s26], $0x4000;
	p2 =	seq.s32 s17, s28  }
.Ltmp5:
0xb7: {  	[sflag:s26] =	ssyncset.done $0x0;
	(pc) =	sbr.rel @p2 .LBB2_7-.Ltmp5, $4  }
0xb8: {  	s13 =	sadd.s32 $0x80, s30;
	[sflag:s26] =	ssyncadd.s32 $0xFFFFC000  }
0xb9: {  	[spmem:s3] =	stream.indirect.scatter.add.f32 [tilespmem:s24], [sflag:$0x3], $0x80, s13, s22, $0xb8;
	[tilespmem:$0x1E800] =	vst v63  }
0xba: {  	s29 =	sadd.s32 $0x100, s1;
	s14 =	simm.s32 $0x1500;
	_ =	swait.ge [sflag:s20], $0x4000  }
0xbb: {  	p1 =	por $0x1, $0x1;
	s13 =	simm.s32 $0x100;
	[sflag:s20] =	ssyncset.done $0x0  }
.LBB2_8:
0xbc: {  	s29 =	sadd.s32 $0x80, s29  }
0xbd: {  	[sflag:s20] =	ssyncadd.s32 $0xFFFFC000;
	s30 =	smov.u32 s28;
	s28 =	sadd.s32 $0xFFFFFFFF, s28  }
0xbe: {  	[tilespmem:s24], [sflag:$0x2] =	stream.indirect.gather [hbm4b:s2+s22], $0x80, s29, s22, $0xb8;
	[tilespmem:$0x1E800] =	vst v63  }
0xbf: {  	p2 =	seq.s32 s17, s28;
	_ =	swait.ge [sflag:s25], $0x4000  }
0xc0: {  	[sflag:s25] =	ssyncset.done $0x0  }
0xc1: {  	p3 =	seq.s32 s18, $0xFFFFFFED;
	s29 =	sadd.s32 s1, s14;
	[sflag:s25] =	ssyncadd.s32 $0xFFFFC000  }
0xc2: {  	[spmem:s3] =	stream.indirect.scatter.add.f32 [tilespmem:s23], [sflag:$0x3], $0x80, s29, s22, $0xb8;
	[tilespmem:$0x1E800] =	vst v63  }
0xc3: {  	s5 =	sshra.s32 @!p3 s19, $0x2;
	s18 =	smov.u32 s30;
	_ =	swait.ge [sflag:s20], $0x4000  }
0xc4: {  	s30 =	simm.s32 @!p3 $0x2800;
	s5 =	sadd.s32 @!p3 s5, s13;
	[sflag:s20] =	ssyncset.done $0x0  }
0xc5: {  	s6 =	simm.s32 @!p3 $0x80;
	s5 =	sadd.s32 @!p3 $0x100, s5;
	[sflag:s20] =	ssyncadd.s32 $0xFFFFC000  }
0xc6: {  	[tilespmem:s30], [sflag:$0x1] =	stream.indirect.gather @!p3 [hbm4b:s2+s6], $0x80, s5, s6, $0xb8;
	[tilespmem:$0x1E800] =	vst v63  }
0xc7: {  	_ =	swait.ge [sflag:s26], $0x4000  }
.Ltmp6:
0xc8: {  	[sflag:s26] =	ssyncset.done $0x0;
	(pc) =	sbr.rel @!p2 .LBB2_8-.Ltmp6, $4  }
0xc9: {  	s5 =	sadd.s32 $0x80, s29;
	[sflag:s26] =	ssyncadd.s32 $0xFFFFC000  }
0xca: {  	[spmem:s3] =	stream.indirect.scatter.add.f32 [tilespmem:s24], [sflag:$0x3], $0x80, s5, s22, $0xb8;
	[tilespmem:$0x1E800] =	vst v63  }
0xcb: {  	s13 =	sadd.s32 $0x100, s13;
	_ =	swait.ge [sflag:s20], $0x4000  }
0xcc: {  	s14 =	sadd.s32 $0x100, s14;
	s29 =	sadd.s32 s1, s13;
	[sflag:s20] =	ssyncset.done $0x0  }
0xcd: {  	s30 =	smov.u32 s9  }
0xce: {  	s9 =	smov.u32 s11;
	s11 =	smov.u32 s8;
	s8 =	smov.u32 s16  }
0xcf: {  	s16 =	smov.u32 s12;
	s12 =	smov.u32 s21;
	s21 =	simm.s32 $0x1400  }
.LBB2_10:
0xd0: {  	s5 =	sadd.s32 $0x80, s29;
	[sflag:s20] =	ssyncadd.s32 @p1 $0xFFFFC000  }
0xd1: {  	[tilespmem:s24], [sflag:$0x2] =	stream.indirect.gather [hbm4b:s2+s22], $0x80, s5, s22, $0xb8;
	[tilespmem:$0x1E800] =	vst v63  }
0xd2: {  	_ =	swait.ge [sflag:s25], $0x4000  }
0xd3: {  	[sflag:s25] =	ssyncset.done $0x0  }
0xd4: {  	s1 =	sadd.s32 s1, s14;
	p1 =	seq.s32 s18, $0xFFFFFFED;
	[sflag:s25] =	ssyncadd.s32 $0xFFFFC000  }
0xd5: {  	[spmem:s3] =	stream.indirect.scatter.add.f32 [tilespmem:s23], [sflag:$0x3], $0x80, s1, s22, $0xb8;
	[tilespmem:$0x1E800] =	vst v63  }
0xd6: {  	s5 =	sshra.s32 @!p1 s19, $0x2;
	_ =	swait.ge [sflag:s20], $0x4000  }
0xd7: {  	s6 =	simm.s32 @!p1 $0x2800;
	s5 =	sadd.s32 @!p1 s5, s13;
	[sflag:s20] =	ssyncset.done $0x0  }
0xd8: {  	s13 =	simm.s32 @!p1 $0x80;
	s5 =	sadd.s32 @!p1 $0x100, s5;
	[sflag:s20] =	ssyncadd.s32 $0xFFFFC000  }
0xd9: {  	[tilespmem:s6], [sflag:$0x1] =	stream.indirect.gather @!p1 [hbm4b:s2+s13], $0x80, s5, s13, $0xb8;
	[tilespmem:$0x1E800] =	vst v63  }
0xda: {  	_ =	swait.ge [sflag:s26], $0x4000  }
0xdb: {  	[sflag:s26] =	ssyncset.done $0x0  }
.Ltmp7:
0xdc: {  	s1 =	sadd.s32 $0x80, s1;
	[sflag:s26] =	ssyncadd.s32 $0xFFFFC000;
	(pc) =	sbr.rel .LBB2_12-.Ltmp7, $4  }
0xdd: {  	[spmem:s3] =	stream.indirect.scatter.add.f32 [tilespmem:s24], [sflag:$0x3], $0x80, s1, s22, $0xb8;
	[tilespmem:$0x1E800] =	vst v63  }
0xde: {  	_ =	swait.ge [sflag:s20], $0x4000  }
0xdf: {  	s29 =	simm.s32 $0x2700;
	s5 =	smov.u32 s10;
	[sflag:s20] =	ssyncset.done $0x0  }
0xe0: {  	s10 =	simm.s32 $0x1380;
	s6 =	rddreg [dreg:$0x7];
	[sflag:s20] =	ssyncadd.s32 $0xFFFFC000  }
.LBB2_5:
.Ltmp8:
0xe1: {  	(pc) =	sbr.rel .LBB2_10-.Ltmp8, $2  }
0xe2: {  	_ =	sdelay $0x2  }
0xe3: {  	s18 =	smov.u32 s6  }
.LBB2_7:
.Ltmp9:
0xe4: {  	(pc) =	sbr.rel .LBB2_10-.Ltmp9, $4  }
0xe5: {  	_ = 	snop  }
0xe6: {  	s30 =	smov.u32 s9  }
0xe7: {  	s9 =	smov.u32 s11;
	s11 =	smov.u32 s8;
	s8 =	smov.u32 s16  }
0xe8: {  	s16 =	smov.u32 s12;
	s12 =	smov.u32 s21;
	s21 =	simm.s32 $0x1400  }
.LBB2_13:
0xe9: {  	_ =	sfence.sel $0x180000  }
0xea: {  	[bflag:$0x0] =	sbarrier.arrive $0xFFFF  }
0xeb: {  	_ =	strace $0x9000004D  }
0xec: {  	s0 =	stileid.u32;
	[bflag:$0x2] =	sbarrier.arrive $0xFFFF  }
0xed: {  	p0 =	sne.s32 s0, $0x0;
	s0 =	rddreg [dreg:$0x3]  }
0xee: {  	s0 =	sadd.s32 @!p0 $0x100000, s0  }
0xef: {  	[sflag:s0] =	ssyncadd.tile.s32 @!p0 $0x1;
	_ =	shalt  }
.Lfunc_end2:
_tile_overlayer_lowered:
.L_overlay_start_2:
0xf0: {  	(tag) =	ssettag $0x2  }
0xf1: {  	s0 =	rddreg [dreg:$0x0];
	s2 =	stileid.u32  }
0xf2: {  	s1 =	rddreg [dreg:$0x1];
	p0 =	sne.s32 s2, $0x0  }
0xf3: {  	s3 =	rddreg [dreg:$0x2];
	[bflag:$0x3] =	sbarrier.arrive $0xFFFF;
	s2 =	simm.s32 @!p0 $0x1C03  }
0xf4: {  	[timem:s3], [sflag:s2] =	dma.local @!p0 [hbm:s0], s1  }
0xf5: {  	s0 =	simm.s32 @!p0 $0x3  }
0xf6: {  	_ =	swait.ge @!p0 [sflag:s0], s1  }
0xf7: {  	s1 =	ssub.s32 @!p0 $0x0, s1;
	[sflag:s0] =	ssyncset.done @!p0 $0x0  }
0xf8: {  	[sflag:s0] =	ssyncadd.s32 @!p0 s1  }
0xf9: {  	[bflag:$0x3] =	sbarrier.arrive $0xFFFF  }
0xfa: {  	_ =	shalt  }

// kernel: kernel.8.cloned.1.call-start
scs
__scs_entry_jumppad:
0x0: {  	(pc) =	sbr.rel $0x88, $3  }
0x1: {  	(tag) =	ssettag $0x0;
	lr =	simm.s32 $0x1  }
0x2: {  	[smem:$0x3F9D] =	sst lr;
	_ =	strace $0xD0000000  }
0x3: {  	_ = 	snop  }
0x4: {  	_ = 	snop  }
0x5: {  	_ = 	snop  }
0x6: {  	_ = 	snop  }
0x7: {  	_ = 	snop  }
__scs_overlays_trampoline_lowered:
0x8: {  	[smem:$0x3FAC] =	sst s0  }
0x9: {  	[smem:$0x3FAD] =	sst s1  }
0xa: {  	[smem:$0x3FAE] =	sst s2  }
0xb: {  	[smem:$0x3FAF] =	sst s3  }
0xc: {  	[smem:$0x3FB0] =	sst s4  }
0xd: {  	[smem:$0x3FB1] =	sst s5  }
0xe: {  	[smem:$0x3FB2] =	sst s6  }
0xf: {  	[smem:$0x3FB3] =	sst s7  }
0x10: {  	[smem:$0x3FB4] =	sst s8  }
0x11: {  	[smem:$0x3FB5] =	sst s9;
	s0 =	simm.s32 @!p0 $0x0  }
0x12: {  	s1 =	sld [smem:$0x3F9B];
	s0 =	simm.s32 @p0 $0x1  }
0x13: {  	[smem:$0x3FB6] =	sst s0;
	s0 =	simm.s32 @!p1 $0x0  }
0x14: {  	s2 =	sld [smem:$0x3F9A];
	s0 =	simm.s32 @p1 $0x1  }
0x15: {  	[smem:$0x3FB7] =	sst s0;
	s0 =	simm.s32 @!p2 $0x0  }
0x16: {  	s3 =	sld [smem:$0x3FDB];
	s0 =	simm.s32 @p2 $0x1  }
0x17: {  	s4 =	simm.s32 $0x1BF5;
	[smem:$0x3FB9] =	sst s0  }
0x18: {  	s0 =	sld [smem:$0x3F9C];
	_ =	swait.ge [sflag:s4], $0x0  }
0x19: {  	s7 =	sld [smem:$0x3F9D]  }
0x1a: {  	s8 =	sadd.s32 $0xFFFFE003, lr  }
0x1b: {  	s9 =	sadd.s32 $0xFFFFFEF7, lr;
	s5 =	simm.s32 $0xFFFFFFFF;
	p2 =	slt.u32 s8, $0xFFFFF086  }
0x1c: {  	p1 =	slt.u32 s9, $0xF7A;
	s5 =	simm.s32 @!p2 $0x0  }
0x1d: {  	s5 =	simm.s32 @p1 $0x1;
	p0 =	seq.s32 s7, s2  }
0x1e: {  	s7 =	smul.u32 @!p0 $0xF7A, s2;
	p2 =	seq.s32 @!p0 s5, $0x0  }
0x1f: {  	s9 =	smul.u32 $0xF7A, s1;
	s8 =	simm.s32 @!p0 $0x1BF5;
	p2 =	por !p2, p0  }
0x20: {  	[sflag:s8] =	ssyncset.s32 @!p0 $0xFFFFF086;
	s6 =	sadd.s32 @!p0 s3, s7;
	s7 =	simm.s32 @!p0 $0x108  }
0x21: {  	s3 =	sadd.s32 s3, s9;
	s6 =	sadd.s32 @!p0 $0x88, s6;
	s7 =	simm.s32 @p2 $0x1082  }
0x22: {  	[simem:s7], [sflag:s8] =	dma.local @!p0 [hbm:s6], $0xF7A  }
0x23: {  	s9 =	sor.u32 $0xD0000000, s2;
	s6 =	simm.s32 $0x108;
	_ =	swait.ge @!p0 [sflag:s8], $0x0  }
0x24: {  	s3 =	sadd.s32 $0x88, s3;
	s6 =	simm.s32 @!p1 $0x1082;
	[sflag:s4] =	ssyncset.s32 $0xFFFFF086  }
0x25: {  	[simem:s6], [sflag:s4] =	dma.local [hbm:s3], $0xF7A  }
0x26: {  	[smem:$0x3F9D] =	sst s1;
	(tag) =	ssettag s2;
	_ =	strace s9  }
0x27: {  	s1 =	sld [smem:$0x3FAD]  }
0x28: {  	s2 =	sld [smem:$0x3FAE]  }
0x29: {  	s4 =	sld [smem:$0x3FB0]  }
0x2a: {  	p0 =	seq.s32 s5, $0x0;
	s5 =	sld [smem:$0x3FB1]  }
0x2b: {  	s6 =	sld [smem:$0x3FB2]  }
0x2c: {  	s7 =	sld [smem:$0x3FB3]  }
0x2d: {  	s3 =	simm.s32 $0x108;
	s8 =	sld [smem:$0x3FB4]  }
0x2e: {  	s3 =	simm.s32 @!p0 $0x1082;
	s9 =	sld [smem:$0x3FB5]  }
0x2f: {  	lr =	sadd.s32 s0, s3;
	s0 =	sld [smem:$0x3FAC]  }
0x30: {  	s3 =	sld [smem:$0x3FAF]  }
0x31: {  	[smem:$0x3FB8] =	sst s10  }
0x32: {  	s10 =	sld [smem:$0x3FB6];
	_ =	sdelay $0x3  }
0x33: {  	p0 =	seq.s32 s10, $0x1;
	s10 =	sld [smem:$0x3FB8];
	_ =	sdelay $0x3  }
0x34: {  	[smem:$0x3FB8] =	sst s10  }
0x35: {  	s10 =	sld [smem:$0x3FB7];
	_ =	sdelay $0x3  }
0x36: {  	p1 =	seq.s32 s10, $0x1;
	s10 =	sld [smem:$0x3FB8];
	_ =	sdelay $0x3  }
0x37: {  	[smem:$0x3FB8] =	sst s10  }
0x38: {  	s10 =	sld [smem:$0x3FB9]  }
0x39: {  	_ = 	snop;
	(pc) =	sbr.ind lr, $3  }
0x3a: {  	_ = 	snop  }
0x3b: {  	_ = 	snop  }
0x3c: {  	p2 =	seq.s32 s10, $0x1;
	s10 =	sld [smem:$0x3FB8]  }
0x3d: {  	_ =	shalt  }
0x3e: {  	_ =	shalt  }
0x3f: {  	_ =	shalt  }
0x40: {  	_ =	shalt  }
0x41: {  	_ =	shalt  }
0x42: {  	_ =	shalt  }
0x43: {  	_ =	shalt  }
0x44: {  	_ =	shalt  }
0x45: {  	_ =	shalt  }
0x46: {  	_ =	shalt  }
0x47: {  	_ =	shalt  }
0x48: {  	_ =	shalt  }
0x49: {  	_ =	shalt  }
0x4a: {  	_ =	shalt  }
0x4b: {  	_ =	shalt  }
0x4c: {  	_ =	shalt  }
0x4d: {  	_ =	shalt  }
0x4e: {  	_ =	shalt  }
0x4f: {  	_ =	shalt  }
0x50: {  	_ =	shalt  }
0x51: {  	_ =	shalt  }
0x52: {  	_ =	shalt  }
0x53: {  	_ =	shalt  }
0x54: {  	_ =	shalt  }
0x55: {  	_ =	shalt  }
0x56: {  	_ =	shalt  }
0x57: {  	_ =	shalt  }
0x58: {  	_ =	shalt  }
0x59: {  	_ =	shalt  }
0x5a: {  	_ =	shalt  }
0x5b: {  	_ =	shalt  }
0x5c: {  	_ =	shalt  }
0x5d: {  	_ =	shalt  }
0x5e: {  	_ =	shalt  }
0x5f: {  	_ =	shalt  }
0x60: {  	_ =	shalt  }
0x61: {  	_ =	shalt  }
0x62: {  	_ =	shalt  }
0x63: {  	_ =	shalt  }
0x64: {  	_ =	shalt  }
0x65: {  	_ =	shalt  }
0x66: {  	_ =	shalt  }
0x67: {  	_ =	shalt  }
0x68: {  	_ =	shalt  }
0x69: {  	_ =	shalt  }
0x6a: {  	_ =	shalt  }
0x6b: {  	_ =	shalt  }
0x6c: {  	_ =	shalt  }
0x6d: {  	_ =	shalt  }
0x6e: {  	_ =	shalt  }
0x6f: {  	_ =	shalt  }
0x70: {  	_ =	shalt  }
0x71: {  	_ =	shalt  }
0x72: {  	_ =	shalt  }
0x73: {  	_ =	shalt  }
0x74: {  	_ =	shalt  }
0x75: {  	_ =	shalt  }
0x76: {  	_ =	shalt  }
0x77: {  	_ =	shalt  }
0x78: {  	_ =	shalt  }
0x79: {  	_ =	shalt  }
0x7a: {  	_ =	shalt  }
0x7b: {  	_ =	shalt  }
0x7c: {  	_ =	shalt  }
0x7d: {  	_ =	shalt  }
0x7e: {  	_ =	shalt  }
0x7f: {  	_ =	shalt  }
0x80: {  	_ =	shalt  }
0x81: {  	_ =	shalt  }
0x82: {  	_ =	shalt  }
0x83: {  	_ =	shalt  }
0x84: {  	_ =	shalt  }
0x85: {  	_ =	shalt  }
0x86: {  	_ =	shalt  }
0x87: {  	_ =	shalt  }
.Lfunc_end0:
.L_simem_size_0:
called_computation_lowered:
.L_overlay_start_0:
0x88: {  	s2 =	sld [smem:$0x3FD9]  }
0x89: {  	s3 =	sld [smem:$0x3FFE];
	_ =	sdelay $0x1  }
0x8a: {  	s1 =	srdreg.scid  }
0x8b: {  	s0 =	sand.u32 $0x1, s1  }
0x8c: {  	s17 =	sshll.u32 s0, $0xA;
	s2 =	sadd.s32 s3, s2  }
0x8d: {  	s2 =	sadd.s32 s2, s17  }
0x8e: {  	[smem:$0x3FC4] =	sst s2  }
0x8f: {  	_ = 	snop  }
0x90: {  	s2 =	sld [smem:$0x3FD0];
	(tm) =	ssettm $0x1  }
0x91: {  	s18 =	sld [smem:$0x3FFB];
	_ =	sdelay $0x3  }
0x92: {  	_ =	strace s18  }
0x93: {  	s3 =	sld [smem:$0x3FFC];
	_ =	sdelay $0x3  }
0x94: {  	_ =	strace s3  }
0x95: {  	s3 =	sld [smem:$0x3FFD];
	_ =	sdelay $0x3  }
0x96: {  	_ =	strace s3  }
0x97: {  	_ =	strace $0x8FFFFFFF  }
0x98: {  	s19 =	sld [smem:$0x3FDB];
	_ =	sdelay $0x1  }
0x99: {  	s4 =	simm.s32 $_scs_section_size  }
0x9a: {  	s5 =	simm.s32 $_size__tile_overlayer_lowered;
	s6 =	simm.s32 $_tile_overlayer_lowered  }
0x9b: {  	s22 =	simm.s32 $0x1BFF;
	s21 =	sshll.u32 s6, $0x1;
	s3 =	sadd.s32 s4, s19  }
0x9c: {  	s7 =	simm.s32 $0x0;
	s20 =	sshll.u32 s5, $0x1;
	s5 =	sadd.s32 s21, s3  }
0x9d: {  	[timem:s7], [sflag:s22] =	dma.local [hbm:s5], s20  }
0x9e: {  	_ =	swait.ge [sflag:s22], s20  }
0x9f: {  	s4 =	ssub.s32 $0x0, s20;
	[sflag:s22] =	ssyncset.done $0x0  }
0xa0: {  	[sflag:s22] =	ssyncadd.s32 s4;
	_ =	sdelay $0x1  }
0xa1: {  	s23 =	simm.s32 $0x1B8B  }
0xa2: {  	_ =	swait.ge [sflag:s23], $0x1  }
0xa3: {  	[sflag:s23] =	ssyncset.done $0x0  }
0xa4: {  	s25 =	simm.s32 $0x1B8E;
	s24 =	sld [smem:$0x3FFE];
	[sflag:s23] =	ssyncadd.s32 $0xFFFFFFFF  }
0xa5: {  	s26 =	simm.s32 $execute0_lowered;
	[smem:$0x3FD2] =	sst s25  }
0xa6: {  	s5 =	sshll.u32 s26, $0x1;
	_ =	strace $0x80000046;
	[dreg:$0x1] =	wrdreg $0xFFFFFFFF  }
0xa7: {  	s28 =	simm.s32 $_size_execute0_lowered;
	s3 =	sadd.s32 s3, s5;
	[dreg:$0x0] =	wrdreg $0x0  }
0xa8: {  	s5 =	sshll.u32 s28, $0x1;
	[dreg:$0x2] =	wrdreg s3  }
0xa9: {  	[dreg:$0x3] =	wrdreg s5  }
0xaa: {  	[dreg:$0x4] =	wrdreg $0xC0  }
0xab: {  	_ =	task [dreg:s7], $0x5FFFF  }
0xac: {  	[dreg:$0x1] =	wrdreg $0xFFFFFFFF  }
0xad: {  	[dreg:$0x0] =	wrdreg $0x60  }
0xae: {  	[dreg:$0x2] =	wrdreg s24  }
0xaf: {  	[dreg:$0x3] =	wrdreg s2  }
0xb0: {  	[dreg:$0x4] =	wrdreg $0x17000  }
0xb1: {  	[dreg:$0x5] =	wrdreg $0x9  }
0xb2: {  	_ =	task.clear_ibuf [dreg:s7], $0x6FFFF;
	_ =	strace $0x90000046  }
0xb3: {  	s29 =	simm.s32 $0x9;
	_ =	strace $0x80000048  }
0xb4: {  	_ =	swait.ge [sflag:s29], $0x1  }
0xb5: {  	[sflag:s29] =	ssyncadd.s32 $0xFFFFFFFF  }
0xb6: {  	_ =	strace $0x90000048  }
0xb7: {  	_ =	sfence  }
0xb8: {  	s30 =	sld [smem:$0x0];
	_ =	sdelay $0x2  }
0xb9: {  	s31 =	sshll.u32 s1, $0xD;
	s1 =	sshrl.u32 s1, $0x2  }
0xba: {  	s3 =	sand.u32 $0x4000, s31;
	s1 =	sadd.s32 s1, s30  }
0xbb: {  	s0 =	sor.u32 s3, s0;
	s1 =	sshll.u32 s1, $0x11  }
0xbc: {  	s0 =	sor.u32 s1, s0  }
0xbd: {  	s0 =	sadd.s32 $0x8F2B, s0  }
0xbe: {  	[sflag:s0] =	ssyncadd.remote.s32 $0x1  }
0xbf: {  	_ =	sfence.sel $0xFFFF  }
0xc0: {  	[dreg:$0x0] =	wrdreg $0xFFFFFFFF;
	(pc) =	sbr.abs _section_cstart, $3  }
0xc1: {  	[dreg:$0x1] =	wrdreg $0xFFFFFFFF  }
0xc2: {  	_ =	task.clear_ibuf [dreg:s7], $0x2FFFF;
	_ =	strace $0x9FFFFFFF  }
0xc3: {  	(tm) =	ssettm $0x7FFFFFFF  }
tec
execute0_lowered:
.L_overlay_start_1:
0x0: {  	(tag) =	ssettag $0x1  }
0x1: {  	s7 =	rddreg [dreg:$0x0]  }
0x2: {  	s8 =	rddreg [dreg:$0x1]  }
0x3: {  	s1 =	rddreg [dreg:$0x2]  }
0x4: {  	s0 =	rddreg [dreg:$0x3]  }
0x5: {  	s2 =	simm.s32 $0x0;
	s3 =	srdreg.scid;
	s11 =	simm.s32 $0x38  }
0x6: {  	s15 =	simm.s32 $0x1400;
	s17 =	simm.s32 $0x180;
	s18 =	simm.s32 $0x0  }
0x7: {  	[smem:$0x7FF] =	sst s2;
	s6 =	sand.u32 $0x1, s3;
	s3 =	stileid.u32  }
0x8: {  	s9 =	sadd.s32 $0x1C00, s7;
	s7 =	sadd.s32 $0x15480, s7;
	_ =	strace $0x80000047  }
0x9: {  	s4 =	ssub.s32 $0x2, s6;
	s5 =	sshll.u32 s6, $0x4;
	s12 =	smul.u32 $0xA00, s3  }
0xa: {  	s14 =	smul.u32 $0x500, s3;
	s29 =	sshll.u32 s6, $0x7;
	s10 =	sshrl.u32 s4, $0x1  }
0xb: {  	s16 =	sor.u32 s3, s5;
	s5 =	simm.s32 $0x960;
	s10 =	ssub.s32 s4, s10  }
0xc: {  	s4 =	smul.u32 $0x50, s16;
	p0 =	seq.s32 s16, $0x1E;
	p1 =	slt.u32 s16, $0x1E  }
0xd: {  	s26 =	sshrl.u32 s12, $0x2;
	s5 =	simm.s32 @!p0 $0x998;
	s11 =	simm.s32 @!p0 $0x28  }
0xe: {  	p0 =	seq.s32 s16, $0x1F;
	s5 =	smov.u32 @p1 s4;
	s11 =	simm.s32 @p1 $0x50  }
0xf: {  	s16 =	simm.s32 $0x100;
	s28 =	sshll.u32 s5, $0x4;
	s5 =	sadd.s32 s11, s5  }
0x10: {  	s4 =	sadd.s32 s26, s1;
	s12 =	sadd.s32 s28, s9;
	s13 =	sshll.u32 s5, $0x4  }
0x11: {  	s30 =	ssub.s32 $0x50, s11;
	s5 =	sadd.s32 $0x9C80, s12;
	s9 =	sadd.s32 s13, s9  }
.Ltmp0:
0x12: {  	s12 =	sor.u32 s29, s14;
	s13 =	simm.s32 $0x1;
	(pc) =	sbr.rel .LBB2_1-.Ltmp0, $4  }
0x13: {  	s14 =	simm.s32 $0x80;
	s6 =	sadd.s32 $0x9A00, s9;
	s9 =	smax.u32 s30, $0x27  }
0x14: {  	s12 =	sshrl.u32 s12, $0x3;
	s31 =	sadd.s32 s9, s11;
	s11 =	sshll.u32 s11, $0x9  }
0x15: {  	s8 =	sadd.s32 s8, s12;
	s9 =	smax.u32 s10, $0x1;
	s11 =	ssub.s32 $0xA000, s11  }
0x16: {  	v0 =	vimm.f32 $0.0e+00;
	v1 =	vimm.f32 $1.000000000e+00;
	s12 =	simm.s32 $0x1480;
	s10 =	sadd.s32 $0xFFFFFFB1, s31;
	s11 =	sshra.s32 s11, $0x2  }
.LBB2_7:
0x17: {  	[tilespmem:s2], [sflag:$0x1] =	stream.linear.gather [hbm4b:s7+s2], $0x200, $0x38;
	[tilespmem:$0x1980] =	vst v63  }
0x18: {  	_ =	swait.ge [sflag:s13], $0x200  }
0x19: {  	[sflag:s13] =	ssyncset.done $0x0  }
0x1a: {  	[sflag:s13] =	ssyncadd.s32 $0xFFFFFE00  }
0x1b: {  	[spmem:s1] =	stream.indirect.scatter.add.f32 [tilespmem:s15], [sflag:$0x1], $0x1, s2, s14, $0xb8;
	[tilespmem:$0x1980] =	vst v63  }
0x1c: {  	_ =	swait.ge [sflag:s13], $0x80  }
0x1d: {  	[sflag:s13] =	ssyncset.done $0x0  }
0x1e: {  	[sflag:s13] =	ssyncadd.s32 $0xFFFFFF80  }
0x1f: {  	[spmem:s1] =	stream.indirect.scatter.add.f32 [tilespmem:s15], [sflag:$0x1], $0x1, s14, s14, $0xb8;
	[tilespmem:$0x1980] =	vst v63  }
0x20: {  	_ =	swait.ge [sflag:s13], $0x80  }
0x21: {  	[sflag:s13] =	ssyncset.done $0x0  }
0x22: {  	[sflag:s13] =	ssyncadd.s32 $0xFFFFFF80  }
0x23: {  	[spmem:s1] =	stream.indirect.scatter.add.f32 [tilespmem:s15], [sflag:$0x1], $0x1, s16, s14, $0xb8;
	[tilespmem:$0x1980] =	vst v63  }
0x24: {  	_ =	swait.ge [sflag:s13], $0x80  }
0x25: {  	[sflag:s13] =	ssyncset.done $0x0  }
0x26: {  	[sflag:s13] =	ssyncadd.s32 $0xFFFFFF80  }
0x27: {  	[spmem:s1] =	stream.indirect.scatter.add.f32 [tilespmem:s15], [sflag:$0x1], $0x1, s17, s14, $0xb8;
	[tilespmem:$0x1980] =	vst v63  }
0x28: {  	_ =	swait.ge [sflag:s13], $0x80  }
0x29: {  	[sflag:s13] =	ssyncset.done $0x0  }
0x2a: {  	[sflag:s13] =	ssyncadd.s32 $0xFFFFFF80  }
.LBB2_8:
0x2b: {  	[bflag:$0x0] =	sbarrier.arrive $0xFFFF  }
0x2c: {  	[tilespmem:s12], [sflag:$0x1] =	stream.linear.gather [spmem:s4], $0x280, $0x38;
	[tilespmem:$0x1980] =	vst v63  }
0x2d: {  	s18 =	sadd.s32 $0x1, s18;
	_ =	swait.ge [sflag:s13], $0x280  }
0x2e: {  	p1 =	sne.s32 s18, s9;
	[sflag:s13] =	ssyncset.done $0x0  }
.Ltmp1:
0x2f: {  	[sflag:s13] =	ssyncadd.s32 $0xFFFFFD80;
	(pc) =	sbr.rel @!p1 .LBB2_9-.Ltmp1, $4  }
0x30: {  	[hbm4b:s8+s14] =	stream.strided.scatter [tilespmem:s12], [sflag:$0x1], $0x280, s16, s14, $0x38;
	[tilespmem:$0x1980] =	vst v63  }
0x31: {  	_ =	swait.ge [sflag:s13], $0x280  }
0x32: {  	[sflag:s13] =	ssyncset.done $0x0  }
0x33: {  	[sflag:s13] =	ssyncadd.s32 $0xFFFFFD80  }
.LBB2_1:
0x34: {  	[tilespmem:$0x1480] =	vst v0  }
0x35: {  	[tilespmem:$0x1490] =	vst v0  }
0x36: {  	[tilespmem:$0x14A0] =	vst v0  }
0x37: {  	[tilespmem:$0x14B0] =	vst v0  }
0x38: {  	[tilespmem:$0x14C0] =	vst v0  }
0x39: {  	[tilespmem:$0x14D0] =	vst v0  }
0x3a: {  	[tilespmem:$0x14E0] =	vst v0  }
0x3b: {  	[tilespmem:$0x14F0] =	vst v0  }
0x3c: {  	[tilespmem:$0x1500] =	vst v0  }
0x3d: {  	[tilespmem:$0x1510] =	vst v0  }
0x3e: {  	[tilespmem:$0x1520] =	vst v0  }
0x3f: {  	[tilespmem:$0x1530] =	vst v0  }
0x40: {  	[tilespmem:$0x1540] =	vst v0  }
0x41: {  	[tilespmem:$0x1550] =	vst v0  }
0x42: {  	[tilespmem:$0x1560] =	vst v0  }
0x43: {  	[tilespmem:$0x1570] =	vst v0  }
0x44: {  	[tilespmem:$0x1580] =	vst v0  }
0x45: {  	[tilespmem:$0x1590] =	vst v0  }
0x46: {  	[tilespmem:$0x15A0] =	vst v0  }
0x47: {  	[tilespmem:$0x15B0] =	vst v0  }
0x48: {  	[tilespmem:$0x15C0] =	vst v0  }
0x49: {  	[tilespmem:$0x15D0] =	vst v0  }
0x4a: {  	[tilespmem:$0x15E0] =	vst v0  }
0x4b: {  	[tilespmem:$0x15F0] =	vst v0  }
0x4c: {  	[tilespmem:$0x1600] =	vst v0  }
0x4d: {  	[tilespmem:$0x1610] =	vst v0  }
0x4e: {  	[tilespmem:$0x1620] =	vst v0  }
0x4f: {  	[tilespmem:$0x1630] =	vst v0  }
0x50: {  	[tilespmem:$0x1640] =	vst v0  }
0x51: {  	[tilespmem:$0x1650] =	vst v0  }
0x52: {  	[tilespmem:$0x1660] =	vst v0  }
0x53: {  	[tilespmem:$0x1670] =	vst v0  }
0x54: {  	[tilespmem:$0x1680] =	vst v0  }
0x55: {  	[tilespmem:$0x1690] =	vst v0  }
0x56: {  	[tilespmem:$0x16A0] =	vst v0  }
0x57: {  	[tilespmem:$0x16B0] =	vst v0  }
0x58: {  	[tilespmem:$0x16C0] =	vst v0  }
0x59: {  	[tilespmem:$0x16D0] =	vst v0  }
0x5a: {  	[tilespmem:$0x16E0] =	vst v0  }
0x5b: {  	[tilespmem:$0x16F0] =	vst v0  }
0x5c: {  	[tilespmem:$0x1400] =	vst v1  }
0x5d: {  	[tilespmem:$0x1410] =	vst v1  }
0x5e: {  	[tilespmem:$0x1420] =	vst v1  }
0x5f: {  	[tilespmem:$0x1430] =	vst v1  }
0x60: {  	[tilespmem:$0x1440] =	vst v1  }
0x61: {  	[tilespmem:$0x1450] =	vst v1  }
0x62: {  	[tilespmem:$0x1460] =	vst v1  }
0x63: {  	[tilespmem:$0x1470] =	vst v1  }
0x64: {  	[spmem:s4] =	stream.linear.scatter [tilespmem:s12], [sflag:$0x1], $0x280, $0x38;
	[tilespmem:$0x1980] =	vst v63  }
0x65: {  	_ =	swait.ge [sflag:s13], $0x280  }
0x66: {  	[sflag:s13] =	ssyncset.done $0x0  }
0x67: {  	[sflag:s13] =	ssyncadd.s32 $0xFFFFFD80  }
0x68: {  	[bflag:$0x0] =	sbarrier.arrive $0xFFFF  }
0x69: {  	[tilespmem:s2], [sflag:$0x1] =	stream.linear.gather [hbm4b:s5+s2], $0x1400, $0x38;
	[tilespmem:$0x1980] =	vst v63  }
0x6a: {  	_ =	swait.ge [sflag:s13], $0x1400  }
0x6b: {  	[sflag:s13] =	ssyncset.done $0x0  }
0x6c: {  	s19 =	simm.s32 $0x0;
	[sflag:s13] =	ssyncadd.s32 $0xFFFFEC00  }
0x6d: {  	[spmem:s1] =	stream.indirect.scatter.add.f32 [tilespmem:s15], [sflag:$0x1], $0x1, s19, s14, $0xb8;
	[tilespmem:$0x1980] =	vst v63  }
0x6e: {  	_ =	swait.ge [sflag:s13], $0x80  }
0x6f: {  	s19 =	simm.s32 $0x200;
	[sflag:s13] =	ssyncset.done $0x0  }
.LBB2_2:
0x70: {  	s20 =	sshra.s32 s19, $0x2;
	[sflag:s13] =	ssyncadd.s32 $0xFFFFFF80;
	p1 =	sne.s32 s19, $0x4E00  }
0x71: {  	[spmem:s1] =	stream.indirect.scatter.add.f32 [tilespmem:s15], [sflag:$0x1], $0x1, s20, s14, $0xb8;
	[tilespmem:$0x1980] =	vst v63  }
.Ltmp2:
0x72: {  	_ = 	snop;
	(pc) =	sbr.rel @p1 .LBB2_2-.Ltmp2, $4  }
0x73: {  	_ = 	snop  }
0x74: {  	s19 =	sadd.s32 $0x200, s19  }
0x75: {  	_ =	swait.ge [sflag:s13], $0x80  }
0x76: {  	[sflag:s13] =	ssyncset.done $0x0  }
.Ltmp3:
0x77: {  	[sflag:s13] =	ssyncadd.s32 $0xFFFFFF80;
	(pc) =	sbr.rel @p0 .LBB2_7-.Ltmp3, $4  }
0x78: {  	[tilespmem:s2], [sflag:$0x1] =	stream.linear.gather [hbm4b:s6+s2], $0x1400, $0x38;
	[tilespmem:$0x1980] =	vst v63  }
0x79: {  	_ =	swait.ge [sflag:s13], $0x1400  }
0x7a: {  	[sflag:s13] =	ssyncset.done $0x0  }
0x7b: {  	[sflag:s13] =	ssyncadd.s32 $0xFFFFEC00  }
0x7c: {  	p1 =	seq.s32 s10, $0x1  }
.Ltmp4:
0x7d: {  	_ = 	snop;
	(pc) =	sbr.rel @p1 .LBB2_6-.Ltmp4, $4  }
0x7e: {  	_ = 	snop  }
0x7f: {  	[spmem:s1] =	stream.indirect.scatter.add.f32 [tilespmem:s15], [sflag:$0x1], $0x1, s11, s14, $0xb8;
	[tilespmem:$0x1980] =	vst v63  }
0x80: {  	_ =	swait.ge [sflag:s13], $0x80  }
0x81: {  	s19 =	sadd.s32 $0xFFFFFFFF, s10;
	s20 =	smov.u32 s11;
	[sflag:s13] =	ssyncset.done $0x0  }
.LBB2_5:
0x82: {  	p1 =	seq.s32 s19, $0x1;
	[sflag:s13] =	ssyncadd.s32 $0xFFFFFF80;
	s20 =	sadd.s32 $0x80, s20  }
.Ltmp5:
0x83: {  	s19 =	sadd.s32 $0xFFFFFFFF, s19;
	(pc) =	sbr.rel @!p1 .LBB2_5-.Ltmp5, $4  }
0x84: {  	_ = 	snop  }
0x85: {  	[spmem:s1] =	stream.indirect.scatter.add.f32 [tilespmem:s15], [sflag:$0x1], $0x1, s20, s14, $0xb8;
	[tilespmem:$0x1980] =	vst v63  }
0x86: {  	_ =	swait.ge [sflag:s13], $0x80  }
0x87: {  	[sflag:s13] =	ssyncset.done $0x0  }
.LBB2_6:
.Ltmp6:
0x88: {  	(pc) =	sbr.rel .LBB2_8-.Ltmp6, $2  }
0x89: {  	_ =	sdelay $0x2  }
0x8a: {  	[sflag:s13] =	ssyncadd.s32 $0xFFFFFF80  }
.LBB2_9:
0x8b: {  	_ =	sfence.sel $0x180000  }
0x8c: {  	[bflag:$0x0] =	sbarrier.arrive $0xFFFF  }
0x8d: {  	p0 =	sne.s32 s3, $0x0;
	_ =	strace $0x90000047  }
0x8e: {  	s0 =	sadd.s32 @!p0 $0x100000, s0;
	[bflag:$0x2] =	sbarrier.arrive $0xFFFF  }
0x8f: {  	[sflag:s0] =	ssyncadd.tile.s32 @!p0 $0x1;
	_ =	shalt  }
.Lfunc_end2:
_tile_overlayer_lowered:
.L_overlay_start_2:
0x90: {  	(tag) =	ssettag $0x2  }
0x91: {  	s0 =	rddreg [dreg:$0x0];
	s2 =	stileid.u32  }
0x92: {  	s1 =	rddreg [dreg:$0x1];
	p0 =	sne.s32 s2, $0x0  }
0x93: {  	s3 =	rddreg [dreg:$0x2];
	[bflag:$0x3] =	sbarrier.arrive $0xFFFF;
	s2 =	simm.s32 @!p0 $0x1C01  }
0x94: {  	[timem:s3], [sflag:s2] =	dma.local @!p0 [hbm:s0], s1  }
0x95: {  	s0 =	simm.s32 @!p0 $0x1  }
0x96: {  	_ =	swait.ge @!p0 [sflag:s0], s1  }
0x97: {  	s1 =	ssub.s32 @!p0 $0x0, s1;
	[sflag:s0] =	ssyncset.done @!p0 $0x0  }
0x98: {  	[sflag:s0] =	ssyncadd.s32 @!p0 s1  }
0x99: {  	[bflag:$0x3] =	sbarrier.arrive $0xFFFF  }
0x9a: {  	_ =	shalt  }

</sc_bundles>
